<compile_context>
chip_gen: v7x
topology: tpu7x:2x2x1
jax: 0.10.2.dev20260603
libtpu: 0.0.44.dev20260713+nightly
codegen_flags: <defaults>
</compile_context>

<pallas_src>
import functools

import jax
import jax.numpy as jnp
from jax import lax
from jax.experimental import pallas as pl
from jax.experimental.pallas import tpu as pltpu
from jax.experimental.pallas import tpu_sc as plsc

N = 10000
E = 320000
D_IN = 128
HEADS = 4
HC = 32
HID = HEADS * HC
D_OUT = 128
MAX_TURNS = 3
D_EDGE = 16

NC = 2
NS = 16
NW = NC * NS
EPW = E // NW
T = 80
NBLK = EPW // T
ROWP = 144
STRIPE = N // NS
RB = 2000
GN = N // RB
TB = 16000
GE = E // TB



def _emit_tables(h, a_ref, hx_ref, sd_ref, mx_ref, i):
    st = jnp.dot(h, a_ref[...], preferred_element_type=jnp.float32)
    z = jnp.zeros((h.shape[0], ROWP - HID - HEADS), jnp.float32)
    hx_ref[...] = jnp.concatenate([h, st[:, :HEADS], z], axis=1)
    zs = jnp.zeros((h.shape[0], 16 - HEADS), jnp.float32)
    sd_ref[...] = jnp.concatenate([st[:, HEADS:], zs], axis=1)
    pm = jnp.broadcast_to(jnp.max(st, axis=0)[:, None], (8, 128))

    @pl.when(i == 0)
    def _():
        mx_ref[...] = pm

    @pl.when(i > 0)
    def _():
        mx_ref[...] = jnp.maximum(mx_ref[...], pm)


def _node_pre_body(x_ref, w_ref, a_ref, hx_ref, sd_ref, mx_ref):
    h = jnp.dot(x_ref[...], w_ref[...], preferred_element_type=jnp.float32)
    _emit_tables(h, a_ref, hx_ref, sd_ref, mx_ref, pl.program_id(0))


def _node_pre(x, w, acat):
    return pl.pallas_call(
        _node_pre_body,
        grid=(GN,),
        in_specs=[
            pl.BlockSpec((RB, 128), lambda i: (i, 0)),
            pl.BlockSpec((128, HID), lambda i: (0, 0)),
            pl.BlockSpec((128, 8), lambda i: (0, 0)),
        ],
        out_specs=[
            pl.BlockSpec((RB, ROWP), lambda i: (i, 0)),
            pl.BlockSpec((RB, 16), lambda i: (i, 0)),
            pl.BlockSpec((8, 128), lambda i: (0, 0)),
        ],
        out_shape=[
            jax.ShapeDtypeStruct((N, ROWP), jnp.float32),
            jax.ShapeDtypeStruct((N, 16), jnp.float32),
            jax.ShapeDtypeStruct((8, 128), jnp.float32),
        ],
    )(x, w, acat)


def _edge_pre_body(ea_ref, v_ref, el_ref, mx_ref):
    i = pl.program_id(0)
    el = jnp.dot(ea_ref[...], v_ref[...],
                 preferred_element_type=jnp.float32)
    el_ref[...] = el
    pm = jnp.broadcast_to(jnp.max(el, axis=0)[:, None], (8, 128))

    @pl.when(i == 0)
    def _():
        mx_ref[...] = pm

    @pl.when(i > 0)
    def _():
        mx_ref[...] = jnp.maximum(mx_ref[...], pm)


def _edge_pre(ea, vcat):
    return pl.pallas_call(
        _edge_pre_body,
        grid=(GE,),
        in_specs=[
            pl.BlockSpec((TB, MAX_TURNS * D_EDGE), lambda i: (i, 0)),
            pl.BlockSpec((MAX_TURNS * D_EDGE, 8), lambda i: (0, 0)),
        ],
        out_specs=[
            pl.BlockSpec((TB, 8), lambda i: (i, 0)),
            pl.BlockSpec((8, 128), lambda i: (0, 0)),
        ],
        out_shape=[
            jax.ShapeDtypeStruct((E, 8), jnp.float32),
            jax.ShapeDtypeStruct((8, 128), jnp.float32),
        ],
    )(ea, vcat)


def _epilogue(p_ref, seg_ref, b_ref):
    ps = p_ref[0] + p_ref[1]
    numer = ps[:, :HID]
    den = ps[:, HID:HID + HEADS]
    r = 1.0 / (den + 1e-16)
    rb = jnp.dot(r, seg_ref[...], preferred_element_type=jnp.float32)
    return jax.nn.relu(numer * rb + b_ref[...])


def _mid_body(p_ref, seg_ref, b_ref, w_ref, a_ref, hx_ref, sd_ref, mx_ref):
    x1 = _epilogue(p_ref, seg_ref, b_ref)
    h = jnp.dot(x1, w_ref[...], preferred_element_type=jnp.float32)
    _emit_tables(h, a_ref, hx_ref, sd_ref, mx_ref, pl.program_id(0))


def _mid(p, seg_t, b, w, acat):
    return pl.pallas_call(
        _mid_body,
        grid=(GN,),
        in_specs=[
            pl.BlockSpec((2, RB, ROWP), lambda i: (0, i, 0)),
            pl.BlockSpec((HEADS, 128), lambda i: (0, 0)),
            pl.BlockSpec((1, 128), lambda i: (0, 0)),
            pl.BlockSpec((128, HID), lambda i: (0, 0)),
            pl.BlockSpec((128, 8), lambda i: (0, 0)),
        ],
        out_specs=[
            pl.BlockSpec((RB, ROWP), lambda i: (i, 0)),
            pl.BlockSpec((RB, 16), lambda i: (i, 0)),
            pl.BlockSpec((8, 128), lambda i: (0, 0)),
        ],
        out_shape=[
            jax.ShapeDtypeStruct((N, ROWP), jnp.float32),
            jax.ShapeDtypeStruct((N, 16), jnp.float32),
            jax.ShapeDtypeStruct((8, 128), jnp.float32),
        ],
    )(p, seg_t, b, w, acat)


def _post_body(p_ref, seg_ref, b_ref, w_ref, bo_ref, o_ref):
    x2 = _epilogue(p_ref, seg_ref, b_ref)
    o_ref[...] = jnp.dot(x2, w_ref[...],
                         preferred_element_type=jnp.float32) + bo_ref[...]


def _post(p, seg_t, b, w_out, b_out):
    return pl.pallas_call(
        _post_body,
        grid=(GN,),
        in_specs=[
            pl.BlockSpec((2, RB, ROWP), lambda i: (0, i, 0)),
            pl.BlockSpec((HEADS, 128), lambda i: (0, 0)),
            pl.BlockSpec((1, 128), lambda i: (0, 0)),
            pl.BlockSpec((128, D_OUT), lambda i: (0, 0)),
            pl.BlockSpec((1, D_OUT), lambda i: (0, 0)),
        ],
        out_specs=pl.BlockSpec((RB, D_OUT), lambda i: (i, 0)),
        out_shape=jax.ShapeDtypeStruct((N, D_OUT), jnp.float32),
    )(p, seg_t, b, w_out, b_out)



def _lane_bcast(v, lane):
    idx = jnp.full((16, 1), lane, jnp.int32)
    dn = lax.GatherDimensionNumbers(offset_dims=(), collapsed_slice_dims=(0,),
                                    start_index_map=(0,))
    return lax.gather(v, idx, dn, (1,),
                      mode=lax.GatherScatterMode.PROMISE_IN_BOUNDS)

def _sc_layer_body(layer, hx_hbm, sdt_hbm, el_hbm, src_hbm, dst_hbm, bt_hbm,
                   out_hbm, rowbuf0, rowbuf1, sendbuf, sdbuf0, sdbuf1,
                   el_v0, el_v1, src_v0, src_v1, dst_v0, dst_v1,
                   bt_v, accum, semL0, semL1, semG0, semG1):
    c = lax.axis_index("c")
    s = lax.axis_index("s")
    wid = c * NS + s
    ebase = wid * EPW
    rowbufs = (rowbuf0, rowbuf1)
    sdbufs = (sdbuf0, sdbuf1)
    el_vs = (el_v0, el_v1)
    src_vs = (src_v0, src_v1)
    dst_vs = (dst_v0, dst_v1)
    semLs = (semL0, semL1)
    semGs = (semG0, semG1)

    pltpu.sync_copy(bt_hbm, bt_v)

    def _zero_send(e, _):
        for j in range(ROWP // 16):
            sendbuf[e, pl.ds(16 * j, 16)] = jnp.zeros((16,), jnp.float32)
        return _
    lax.fori_loop(0, T, _zero_send, 0)
    row0 = s * 624
    for k in range(8):
        pltpu.sync_copy(sendbuf.at[pl.ds(0, 80)],
                        accum.at[pl.ds(row0 + 80 * k, 80)])
    plsc.subcore_barrier()

    bt = bt_v[...]

    def issue_linear(b, i):
        eg = ebase + b * T
        pltpu.async_copy(src_hbm.at[pl.ds(eg, T)], src_vs[i], semLs[i])
        pltpu.async_copy(dst_hbm.at[pl.ds(eg, T)], dst_vs[i], semLs[i])
        pltpu.async_copy(el_hbm.at[pl.ds(8 * eg, 8 * T)],
                         el_vs[i].at[pl.ds(0, 8 * T)], semLs[i])

    def wait_linear(b, i):
        eg = ebase + b * T
        pltpu.make_async_copy(src_hbm.at[pl.ds(eg, T)], src_vs[i],
                              semLs[i]).wait()
        pltpu.make_async_copy(dst_hbm.at[pl.ds(eg, T)], dst_vs[i],
                              semLs[i]).wait()
        pltpu.make_async_copy(el_hbm.at[pl.ds(8 * eg, 8 * T)],
                              el_vs[i].at[pl.ds(0, 8 * T)], semLs[i]).wait()

    def issue_gather(i):
        pltpu.async_copy(hx_hbm.at[src_vs[i]], rowbufs[i], semGs[i])
        pltpu.async_copy(sdt_hbm.at[dst_vs[i]], sdbufs[i], semGs[i])

    def wait_gather(i):
        pltpu.make_async_copy(hx_hbm.at[src_vs[i]], rowbufs[i],
                              semGs[i]).wait()
        pltpu.make_async_copy(sdt_hbm.at[dst_vs[i]], sdbufs[i],
                              semGs[i]).wait()

    def compute_scatter(i):
        rowbuf, sdbuf, el_v, dst_v = (rowbufs[i], sdbufs[i], el_vs[i],
                                      dst_vs[i])

        def scale(e, _):
            sa = rowbuf[e, pl.ds(HID, 16)]
            sd = sdbuf[e, pl.ds(0, 16)]
            el = el_v[pl.ds(8 * e + 4 * layer, 16)]
            t = sa + sd + el
            t = jnp.where(t >= 0.0, t, 0.2 * t)
            ev = jnp.exp(t - bt)
            for h in range(HEADS):
                a = _lane_bcast(ev, h)
                for j in range(HC // 16):
                    col = h * HC + 16 * j
                    sendbuf[e, pl.ds(col, 16)] = rowbuf[e, pl.ds(col, 16)] * a
            sendbuf[e, pl.ds(HID, 16)] = ev
            return _
        lax.fori_loop(0, T, scale, 0)
        pltpu.sync_copy(sendbuf, accum.at[dst_v], add=True)

    issue_linear(0, 0)
    wait_linear(0, 0)
    issue_gather(0)
    issue_linear(1, 1)

    def pair(k, carry):
        b = 2 * k
        for i in (0, 1):
            bb = b + i
            wait_linear(bb + 1, 1 - i)
            issue_gather(1 - i)
            wait_gather(i)
            compute_scatter(i)

            @pl.when(bb + 2 < NBLK)
            def _issue(bb=bb, i=i):
                issue_linear(bb + 2, i)
        return carry

    lax.fori_loop(0, (NBLK - 1) // 2, pair, 0)
    wait_gather(0)
    compute_scatter(0)
    plsc.subcore_barrier()

    pltpu.sync_copy(accum.at[pl.ds(row0, 640)],
                    out_hbm.at[c, pl.ds(row0, 640)])


def _sc_layer(layer, hx, sdt, el, src, dst, bt):
    mesh = plsc.VectorSubcoreMesh(core_axis_name="c", subcore_axis_name="s",
                                  num_cores=NC, num_subcores=NS)
    f = pl.kernel(
        functools.partial(_sc_layer_body, layer),
        out_type=jax.ShapeDtypeStruct((NC, N, ROWP), jnp.float32),
        mesh=mesh,
        scratch_types=[
            pltpu.VMEM((T, ROWP), jnp.float32),
            pltpu.VMEM((T, ROWP), jnp.float32),
            pltpu.VMEM((T, ROWP), jnp.float32),
            pltpu.VMEM((T, 16), jnp.float32),
            pltpu.VMEM((T, 16), jnp.float32),
            pltpu.VMEM((8 * T + 16,), jnp.float32),
            pltpu.VMEM((8 * T + 16,), jnp.float32),
            pltpu.VMEM((T,), jnp.int32),
            pltpu.VMEM((T,), jnp.int32),
            pltpu.VMEM((T,), jnp.int32),
            pltpu.VMEM((T,), jnp.int32),
            pltpu.VMEM((16,), jnp.float32),
            pltpu.VMEM_SHARED((N, ROWP), jnp.float32),
            pltpu.SemaphoreType.DMA,
            pltpu.SemaphoreType.DMA,
            pltpu.SemaphoreType.DMA,
            pltpu.SemaphoreType.DMA,
        ],
        compiler_params=pltpu.CompilerParams(use_tc_tiling_on_sc=False,
                                             needs_layout_passes=False),
    )
    return f(hx, sdt, el, src, dst, bt)



def _expand(att):
    m = (jnp.arange(HID)[:, None] // HC == jnp.arange(HEADS)[None, :])
    return att.reshape(HID)[:, None] * m.astype(jnp.float32)


def kernel(x, edge_index, edge_attr, W1, We1, att_s1, att_d1, att_e1, b1,
           W2, We2, att_s2, att_d2, att_e2, b2, W_out, b_out):
    src = edge_index[0]
    dst = edge_index[1]

    V1 = (We1.reshape(D_EDGE, HEADS, HC) * att_e1[None]).sum(-1)
    V2 = ((We1 @ We2).reshape(D_EDGE, HEADS, HC) * att_e2[None]).sum(-1)
    vcat = jnp.tile(jnp.concatenate([V1, V2], axis=1),
                    (MAX_TURNS, 1)) / MAX_TURNS
    acat1 = jnp.concatenate([_expand(att_s1), _expand(att_d1)], axis=1)
    acat2 = jnp.concatenate([_expand(att_s2), _expand(att_d2)], axis=1)
    seg_t = (jnp.arange(HEADS)[:, None] == jnp.arange(HID)[None, :] // HC
             ).astype(jnp.float32)

    ea = edge_attr.reshape(E, MAX_TURNS * D_EDGE)
    el, elmax = _edge_pre(ea, vcat)
    el_flat = el.reshape(8 * E)
    big = jnp.full((12,), 1e30, jnp.float32)

    hx1, sdt1, mx1 = _node_pre(x, W1, acat1)
    b_1 = jax.nn.leaky_relu(mx1[:4, 0] + mx1[4:, 0] + elmax[:4, 0], 0.2)
    p1 = _sc_layer(0, hx1, sdt1, el_flat, src, dst,
                   jnp.concatenate([b_1, big]))

    hx2, sdt2, mx2 = _mid(p1, seg_t, b1.reshape(1, 128), W2, acat2)
    b_2 = jax.nn.leaky_relu(mx2[:4, 0] + mx2[4:, 0] + elmax[4:, 0], 0.2)
    p2 = _sc_layer(1, hx2, sdt2, el_flat, src, dst,
                   jnp.concatenate([b_2, big]))

    return _post(p2, seg_t, b2.reshape(1, 128), W_out, b_out.reshape(1, D_OUT))

# --- scband reference (transcript-rebuilt; emitter-appended) ---
"""Pipeline reference for scband-my-gat-88802743812336 (READ-ONLY COPY).

The authoritative reference and input builder live on the scoring server;
editing this copy changes nothing except your own understanding.
"""

import jax, jax.numpy as jnp
import numpy as np

N = 10000
E = 320000
D_IN = 128
HEADS = 4
HC = 32
HID = HEADS * HC
D_OUT = 128
MAX_TURNS = 3
D_EDGE = 16


def gat_edge_layer(x, e, src, dst, W, We, att_s, att_d, att_e, b, n_nodes):
    # GATConv with edge features (PyG-style), returns (node_out, transformed_edge_attr)
    h = (x @ W).reshape(-1, HEADS, HC)
    et = (e @ We).reshape(-1, HEADS, HC)
    hs = h[src]
    hd = h[dst]
    logits = (hs * att_s).sum(-1) + (hd * att_d).sum(-1) + (et * att_e).sum(-1)
    logits = jax.nn.leaky_relu(logits, negative_slope=0.2)
    m = jax.ops.segment_max(logits, dst, num_segments=n_nodes)
    ex = jnp.exp(logits - m[dst])
    denom = jax.ops.segment_sum(ex, dst, num_segments=n_nodes)
    alpha = ex / (denom[dst] + 1e-16)
    msg = hs * alpha[..., None]
    out = jax.ops.segment_sum(msg, dst, num_segments=n_nodes).reshape(n_nodes, HID) + b
    e_out = et.reshape(-1, HID)
    return out, e_out


def setup_inputs(seed: int = 0):
    key = jax.random.key(seed)
    ks = jax.random.split(key, 18)
    s = 0.1
    return {
        "x": jax.random.normal(ks[0], (N, D_IN), dtype=jnp.float32),
        "edge_index": jax.random.randint(ks[1], (2, E), 0, N),
        "edge_attr": jax.random.normal(ks[2], (E, MAX_TURNS, D_EDGE), dtype=jnp.float32),
        "W1": jax.random.normal(ks[3], (D_IN, HID), dtype=jnp.float32) * s,
        "We1": jax.random.normal(ks[4], (D_EDGE, HID), dtype=jnp.float32) * s,
        "att_s1": jax.random.normal(ks[5], (HEADS, HC), dtype=jnp.float32) * s,
        "att_d1": jax.random.normal(ks[6], (HEADS, HC), dtype=jnp.float32) * s,
        "att_e1": jax.random.normal(ks[7], (HEADS, HC), dtype=jnp.float32) * s,
        "b1": jnp.zeros((HID,), dtype=jnp.float32),
        "W2": jax.random.normal(ks[8], (HID, HID), dtype=jnp.float32) * s,
        "We2": jax.random.normal(ks[9], (HID, HID), dtype=jnp.float32) * s,
        "att_s2": jax.random.normal(ks[10], (HEADS, HC), dtype=jnp.float32) * s,
        "att_d2": jax.random.normal(ks[11], (HEADS, HC), dtype=jnp.float32) * s,
        "att_e2": jax.random.normal(ks[12], (HEADS, HC), dtype=jnp.float32) * s,
        "b2": jnp.zeros((HID,), dtype=jnp.float32),
        "W_out": jax.random.normal(ks[13], (HID, D_OUT), dtype=jnp.float32) * s,
        "b_out": jnp.zeros((D_OUT,), dtype=jnp.float32),
    }


def reference(x, edge_index, edge_attr, W1, We1, att_s1, att_d1, att_e1, b1, W2, We2, att_s2, att_d2, att_e2, b2, W_out, b_out):
    src = edge_index[0]
    dst = edge_index[1]
    # DiaglogueEmbeddingProcessModules with aggr_type='mean': mean over turns dim
    e = edge_attr.mean(axis=1)
    x1, e1 = gat_edge_layer(x, e, src, dst, W1, We1, att_s1, att_d1, att_e1, b1, N)
    x1 = jax.nn.relu(x1)  # dropout is a no-op in eval mode
    x2, e2 = gat_edge_layer(x1, e1, src, dst, W2, We2, att_s2, att_d2, att_e2, b2, N)
    x2 = jax.nn.relu(x2)
    return x2 @ W_out + b_out

if __name__ == "__main__":
    import jax
    _d = setup_inputs()
    print(jax.jit(kernel)(*tuple(_d.values())))

</pallas_src>

<mosaic_0001>
#map = affine_map<(d0, d1) -> (0, 0)>
#map1 = affine_map<(d0, d1) -> (0)>
#map2 = affine_map<(d0, d1) -> (0, 0, 0)>
module attributes {stable_mosaic.version = 14 : i64} {
  func.func @_sc_layer_body(%arg0: i32, %arg1: i32, %arg2: memref<10000x144xf32, #tpu.memory_space<hbm>>, %arg3: memref<10000x16xf32, #tpu.memory_space<hbm>>, %arg4: memref<2560000xf32, #tpu.memory_space<hbm>>, %arg5: memref<320000xi32, #tpu.memory_space<hbm>>, %arg6: memref<320000xi32, #tpu.memory_space<hbm>>, %arg7: memref<16xf32, #tpu.memory_space<hbm>>, %arg8: memref<2x10000x144xf32, #tpu.memory_space<hbm>>, %arg9: memref<80x144xf32, #tpu.memory_space<vmem>>, %arg10: memref<80x144xf32, #tpu.memory_space<vmem>>, %arg11: memref<80x144xf32, #tpu.memory_space<vmem>>, %arg12: memref<80x16xf32, #tpu.memory_space<vmem>>, %arg13: memref<80x16xf32, #tpu.memory_space<vmem>>, %arg14: memref<656xf32, #tpu.memory_space<vmem>>, %arg15: memref<656xf32, #tpu.memory_space<vmem>>, %arg16: memref<80xi32, #tpu.memory_space<vmem>>, %arg17: memref<80xi32, #tpu.memory_space<vmem>>, %arg18: memref<80xi32, #tpu.memory_space<vmem>>, %arg19: memref<80xi32, #tpu.memory_space<vmem>>, %arg20: memref<16xf32, #tpu.memory_space<vmem>>, %arg21: memref<10000x144xf32, #tpu.memory_space<vmem_shared>>, %arg22: memref<!tpu.dma_semaphore, #tpu.memory_space<semaphore_mem>>, %arg23: memref<!tpu.dma_semaphore, #tpu.memory_space<semaphore_mem>>, %arg24: memref<!tpu.dma_semaphore, #tpu.memory_space<semaphore_mem>>, %arg25: memref<!tpu.dma_semaphore, #tpu.memory_space<semaphore_mem>>) attributes {dimension_semantics = [#tpu.dimension_semantics<core_parallel>, #tpu.dimension_semantics<subcore_parallel>], iteration_bounds = array<i64: 2, 16>, scalar_prefetch = 0 : i64, scratch_operands = 17 : i64, tpu.core_type = #tpu.core_type<sc_vector_subcore>, window_params = [{transform_indices = #map}, {transform_indices = #map}, {transform_indices = #map1}, {transform_indices = #map1}, {transform_indices = #map1}, {transform_indices = #map1}, {transform_indices = #map2}]} {
    %mul3A = arith.constant 16 : i32
    %mul3A_0 = arith.muli %arg0, %mul3A : i32
    %add3A = arith.addi %mul3A_0, %arg1 : i32
    %mul3A_1 = arith.constant 10000 : i32
    %mul3A_2 = arith.muli %add3A, %mul3A_1 : i32
    "tpu.region"() ({
      %run_scoped3A = tpu.sem_alloc : memref<!tpu.dma_semaphore, #tpu.memory_space<semaphore_mem>>
      tpu.enqueue_dma source(%arg7 : memref<16xf32, #tpu.memory_space<hbm>>) target(%arg20 : memref<16xf32, #tpu.memory_space<vmem>>) target_semaphore(%run_scoped3A : memref<!tpu.dma_semaphore, #tpu.memory_space<semaphore_mem>>)
      tpu.wait_dma2 semaphore(%run_scoped3A : memref<!tpu.dma_semaphore, #tpu.memory_space<semaphore_mem>>) src(%arg7 : memref<16xf32, #tpu.memory_space<hbm>>) dst(%arg20 : memref<16xf32, #tpu.memory_space<vmem>>)
      tpu.yield
    }) : () -> ()
    %scan3A = arith.constant 0 : i32
    %scan3A_3 = arith.constant 0 : i32
    %scan3A_4 = arith.constant 80 : i32
    %scan3A_5 = arith.addi %scan3A_3, %scan3A_4 : i32
    %scan3A_6 = arith.constant 1 : i32
    scf.for %scan3A_92 = %scan3A_3 to %scan3A_5 step %scan3A_6  : i32 {
      %broadcast_in_dim3A = arith.constant 0.000000e+00 : f32
      %broadcast_in_dim3A_93 = vector.broadcast %broadcast_in_dim3A : f32 to vector<16xf32>
      %swap3A = arith.index_cast %scan3A_92 : i32 to index
      %swap3A_94 = arith.constant 0 : index
      %swap3A_95 = tpu.vector_load %arg11[%swap3A, %swap3A_94] {strides = array<i32>} : memref<80x144xf32, #tpu.memory_space<vmem>>, vector<16xf32>,
      tpu.vector_store %arg11[%swap3A, %swap3A_94], %broadcast_in_dim3A_93 {strides = array<i32>} : memref<80x144xf32, #tpu.memory_space<vmem>>, vector<16xf32>,
      %broadcast_in_dim3A_96 = arith.constant 0.000000e+00 : f32
      %broadcast_in_dim3A_97 = vector.broadcast %broadcast_in_dim3A_96 : f32 to vector<16xf32>
      %swap3A_98 = arith.index_cast %scan3A_92 : i32 to index
      %swap3A_99 = arith.constant 16 : index
      %swap3A_100 = tpu.vector_load %arg11[%swap3A_98, %swap3A_99] {strides = array<i32>} : memref<80x144xf32, #tpu.memory_space<vmem>>, vector<16xf32>,
      tpu.vector_store %arg11[%swap3A_98, %swap3A_99], %broadcast_in_dim3A_97 {strides = array<i32>} : memref<80x144xf32, #tpu.memory_space<vmem>>, vector<16xf32>,
      %broadcast_in_dim3A_101 = arith.constant 0.000000e+00 : f32
      %broadcast_in_dim3A_102 = vector.broadcast %broadcast_in_dim3A_101 : f32 to vector<16xf32>
      %swap3A_103 = arith.index_cast %scan3A_92 : i32 to index
      %swap3A_104 = arith.constant 32 : index
      %swap3A_105 = tpu.vector_load %arg11[%swap3A_103, %swap3A_104] {strides = array<i32>} : memref<80x144xf32, #tpu.memory_space<vmem>>, vector<16xf32>,
      tpu.vector_store %arg11[%swap3A_103, %swap3A_104], %broadcast_in_dim3A_102 {strides = array<i32>} : memref<80x144xf32, #tpu.memory_space<vmem>>, vector<16xf32>,
      %broadcast_in_dim3A_106 = arith.constant 0.000000e+00 : f32
      %broadcast_in_dim3A_107 = vector.broadcast %broadcast_in_dim3A_106 : f32 to vector<16xf32>
      %swap3A_108 = arith.index_cast %scan3A_92 : i32 to index
      %swap3A_109 = arith.constant 48 : index
      %swap3A_110 = tpu.vector_load %arg11[%swap3A_108, %swap3A_109] {strides = array<i32>} : memref<80x144xf32, #tpu.memory_space<vmem>>, vector<16xf32>,
      tpu.vector_store %arg11[%swap3A_108, %swap3A_109], %broadcast_in_dim3A_107 {strides = array<i32>} : memref<80x144xf32, #tpu.memory_space<vmem>>, vector<16xf32>,
      %broadcast_in_dim3A_111 = arith.constant 0.000000e+00 : f32
      %broadcast_in_dim3A_112 = vector.broadcast %broadcast_in_dim3A_111 : f32 to vector<16xf32>
      %swap3A_113 = arith.index_cast %scan3A_92 : i32 to index
      %swap3A_114 = arith.constant 64 : index
      %swap3A_115 = tpu.vector_load %arg11[%swap3A_113, %swap3A_114] {strides = array<i32>} : memref<80x144xf32, #tpu.memory_space<vmem>>, vector<16xf32>,
      tpu.vector_store %arg11[%swap3A_113, %swap3A_114], %broadcast_in_dim3A_112 {strides = array<i32>} : memref<80x144xf32, #tpu.memory_space<vmem>>, vector<16xf32>,
      %broadcast_in_dim3A_116 = arith.constant 0.000000e+00 : f32
      %broadcast_in_dim3A_117 = vector.broadcast %broadcast_in_dim3A_116 : f32 to vector<16xf32>
      %swap3A_118 = arith.index_cast %scan3A_92 : i32 to index
      %swap3A_119 = arith.constant 80 : index
      %swap3A_120 = tpu.vector_load %arg11[%swap3A_118, %swap3A_119] {strides = array<i32>} : memref<80x144xf32, #tpu.memory_space<vmem>>, vector<16xf32>,
      tpu.vector_store %arg11[%swap3A_118, %swap3A_119], %broadcast_in_dim3A_117 {strides = array<i32>} : memref<80x144xf32, #tpu.memory_space<vmem>>, vector<16xf32>,
      %broadcast_in_dim3A_121 = arith.constant 0.000000e+00 : f32
      %broadcast_in_dim3A_122 = vector.broadcast %broadcast_in_dim3A_121 : f32 to vector<16xf32>
      %swap3A_123 = arith.index_cast %scan3A_92 : i32 to index
      %swap3A_124 = arith.constant 96 : index
      %swap3A_125 = tpu.vector_load %arg11[%swap3A_123, %swap3A_124] {strides = array<i32>} : memref<80x144xf32, #tpu.memory_space<vmem>>, vector<16xf32>,
      tpu.vector_store %arg11[%swap3A_123, %swap3A_124], %broadcast_in_dim3A_122 {strides = array<i32>} : memref<80x144xf32, #tpu.memory_space<vmem>>, vector<16xf32>,
      %broadcast_in_dim3A_126 = arith.constant 0.000000e+00 : f32
      %broadcast_in_dim3A_127 = vector.broadcast %broadcast_in_dim3A_126 : f32 to vector<16xf32>
      %swap3A_128 = arith.index_cast %scan3A_92 : i32 to index
      %swap3A_129 = arith.constant 112 : index
      %swap3A_130 = tpu.vector_load %arg11[%swap3A_128, %swap3A_129] {strides = array<i32>} : memref<80x144xf32, #tpu.memory_space<vmem>>, vector<16xf32>,
      tpu.vector_store %arg11[%swap3A_128, %swap3A_129], %broadcast_in_dim3A_127 {strides = array<i32>} : memref<80x144xf32, #tpu.memory_space<vmem>>, vector<16xf32>,
      %broadcast_in_dim3A_131 = arith.constant 0.000000e+00 : f32
      %broadcast_in_dim3A_132 = vector.broadcast %broadcast_in_dim3A_131 : f32 to vector<16xf32>
      %swap3A_133 = arith.index_cast %scan3A_92 : i32 to index
      %swap3A_134 = arith.constant 128 : index
      %swap3A_135 = tpu.vector_load %arg11[%swap3A_133, %swap3A_134] {strides = array<i32>} : memref<80x144xf32, #tpu.memory_space<vmem>>, vector<16xf32>,
      tpu.vector_store %arg11[%swap3A_133, %swap3A_134], %broadcast_in_dim3A_132 {strides = array<i32>} : memref<80x144xf32, #tpu.memory_space<vmem>>, vector<16xf32>,
    }
    %scan3A_7 = arith.constant 80 : i32
    %mul3A_8 = arith.constant 624 : i32
    %mul3A_9 = arith.muli %arg1, %mul3A_8 : i32
    %add3A_10 = arith.constant 0 : i32
    %add3A_11 = arith.addi %mul3A_9, %add3A_10 : i32
    "tpu.region"() ({
      %run_scoped3A = tpu.sem_alloc : memref<!tpu.dma_semaphore, #tpu.memory_space<semaphore_mem>>
      %dma_start3A_92 = arith.constant 0 : i32
      %dma_start3A_93 = arith.constant 0 : i32
      %dma_start3A_94 = tpu.memref_slice %arg11[%dma_start3A_92, %dma_start3A_93] : memref<80x144xf32, #tpu.memory_space<vmem>> -> memref<80x144xf32, #tpu.memory_space<vmem>>
      %dma_start3A_95 = arith.constant 0 : i32
      %dma_start3A_96 = tpu.memref_slice %arg21[%add3A_11, %dma_start3A_95] : memref<10000x144xf32, #tpu.memory_space<vmem_shared>> -> memref<80x144xf32, #tpu.memory_space<vmem_shared>>
      %dma_start3A_97 = arith.constant 0 : i32
      %dma_start3A_98 = tpu.memref_slice %arg21[%add3A_11, %dma_start3A_97] : memref<10000x144xf32, #tpu.memory_space<vmem_shared>> -> memref<80x144xf32, #tpu.memory_space<vmem_shared>>
      %dma_start3A_99 = arith.constant 0 : i32
      %dma_start3A_100 = arith.constant 0 : i32
      %dma_start3A_101 = tpu.memref_slice %arg11[%dma_start3A_99, %dma_start3A_100] : memref<80x144xf32, #tpu.memory_space<vmem>> -> memref<80x144xf32, #tpu.memory_space<vmem>>
      tpu.enqueue_dma source(%dma_start3A_101 : memref<80x144xf32, #tpu.memory_space<vmem>>) target(%dma_start3A_98 : memref<80x144xf32, #tpu.memory_space<vmem_shared>>) target_semaphore(%run_scoped3A : memref<!tpu.dma_semaphore, #tpu.memory_space<semaphore_mem>>)
      %dma_wait3A_102 = arith.constant 0 : i32
      %dma_wait3A_103 = arith.constant 0 : i32
      %dma_wait3A_104 = tpu.memref_slice %arg11[%dma_wait3A_102, %dma_wait3A_103] : memref<80x144xf32, #tpu.memory_space<vmem>> -> memref<80x144xf32, #tpu.memory_space<vmem>>
      %dma_wait3A_105 = arith.constant 0 : i32
      %dma_wait3A_106 = tpu.memref_slice %arg21[%add3A_11, %dma_wait3A_105] : memref<10000x144xf32, #tpu.memory_space<vmem_shared>> -> memref<80x144xf32, #tpu.memory_space<vmem_shared>>
      %dma_wait3A_107 = arith.constant 0 : i32
      %dma_wait3A_108 = tpu.memref_slice %arg21[%add3A_11, %dma_wait3A_107] : memref<10000x144xf32, #tpu.memory_space<vmem_shared>> -> memref<80x144xf32, #tpu.memory_space<vmem_shared>>
      %dma_wait3A_109 = arith.constant 0 : i32
      %dma_wait3A_110 = arith.constant 0 : i32
      %dma_wait3A_111 = tpu.memref_slice %arg11[%dma_wait3A_109, %dma_wait3A_110] : memref<80x144xf32, #tpu.memory_space<vmem>> -> memref<80x144xf32, #tpu.memory_space<vmem>>
      tpu.wait_dma2 semaphore(%run_scoped3A : memref<!tpu.dma_semaphore, #tpu.memory_space<semaphore_mem>>) src(%dma_wait3A_111 : memref<80x144xf32, #tpu.memory_space<vmem>>) dst(%dma_wait3A_108 : memref<80x144xf32, #tpu.memory_space<vmem_shared>>)
      tpu.yield
    }) : () -> ()
    %add3A_12 = arith.constant 80 : i32
    %add3A_13 = arith.addi %mul3A_9, %add3A_12 : i32
    "tpu.region"() ({
      %run_scoped3A = tpu.sem_alloc : memref<!tpu.dma_semaphore, #tpu.memory_space<semaphore_mem>>
      %dma_start3A_92 = arith.constant 0 : i32
      %dma_start3A_93 = arith.constant 0 : i32
      %dma_start3A_94 = tpu.memref_slice %arg11[%dma_start3A_92, %dma_start3A_93] : memref<80x144xf32, #tpu.memory_space<vmem>> -> memref<80x144xf32, #tpu.memory_space<vmem>>
      %dma_start3A_95 = arith.constant 0 : i32
      %dma_start3A_96 = tpu.memref_slice %arg21[%add3A_13, %dma_start3A_95] : memref<10000x144xf32, #tpu.memory_space<vmem_shared>> -> memref<80x144xf32, #tpu.memory_space<vmem_shared>>
      %dma_start3A_97 = arith.constant 0 : i32
      %dma_start3A_98 = tpu.memref_slice %arg21[%add3A_13, %dma_start3A_97] : memref<10000x144xf32, #tpu.memory_space<vmem_shared>> -> memref<80x144xf32, #tpu.memory_space<vmem_shared>>
      %dma_start3A_99 = arith.constant 0 : i32
      %dma_start3A_100 = arith.constant 0 : i32
      %dma_start3A_101 = tpu.memref_slice %arg11[%dma_start3A_99, %dma_start3A_100] : memref<80x144xf32, #tpu.memory_space<vmem>> -> memref<80x144xf32, #tpu.memory_space<vmem>>
      tpu.enqueue_dma source(%dma_start3A_101 : memref<80x144xf32, #tpu.memory_space<vmem>>) target(%dma_start3A_98 : memref<80x144xf32, #tpu.memory_space<vmem_shared>>) target_semaphore(%run_scoped3A : memref<!tpu.dma_semaphore, #tpu.memory_space<semaphore_mem>>)
      %dma_wait3A_102 = arith.constant 0 : i32
      %dma_wait3A_103 = arith.constant 0 : i32
      %dma_wait3A_104 = tpu.memref_slice %arg11[%dma_wait3A_102, %dma_wait3A_103] : memref<80x144xf32, #tpu.memory_space<vmem>> -> memref<80x144xf32, #tpu.memory_space<vmem>>
      %dma_wait3A_105 = arith.constant 0 : i32
      %dma_wait3A_106 = tpu.memref_slice %arg21[%add3A_13, %dma_wait3A_105] : memref<10000x144xf32, #tpu.memory_space<vmem_shared>> -> memref<80x144xf32, #tpu.memory_space<vmem_shared>>
      %dma_wait3A_107 = arith.constant 0 : i32
      %dma_wait3A_108 = tpu.memref_slice %arg21[%add3A_13, %dma_wait3A_107] : memref<10000x144xf32, #tpu.memory_space<vmem_shared>> -> memref<80x144xf32, #tpu.memory_space<vmem_shared>>
      %dma_wait3A_109 = arith.constant 0 : i32
      %dma_wait3A_110 = arith.constant 0 : i32
      %dma_wait3A_111 = tpu.memref_slice %arg11[%dma_wait3A_109, %dma_wait3A_110] : memref<80x144xf32, #tpu.memory_space<vmem>> -> memref<80x144xf32, #tpu.memory_space<vmem>>
      tpu.wait_dma2 semaphore(%run_scoped3A : memref<!tpu.dma_semaphore, #tpu.memory_space<semaphore_mem>>) src(%dma_wait3A_111 : memref<80x144xf32, #tpu.memory_space<vmem>>) dst(%dma_wait3A_108 : memref<80x144xf32, #tpu.memory_space<vmem_shared>>)
      tpu.yield
    }) : () -> ()
    %add3A_14 = arith.constant 160 : i32
    %add3A_15 = arith.addi %mul3A_9, %add3A_14 : i32
    "tpu.region"() ({
      %run_scoped3A = tpu.sem_alloc : memref<!tpu.dma_semaphore, #tpu.memory_space<semaphore_mem>>
      %dma_start3A_92 = arith.constant 0 : i32
      %dma_start3A_93 = arith.constant 0 : i32
      %dma_start3A_94 = tpu.memref_slice %arg11[%dma_start3A_92, %dma_start3A_93] : memref<80x144xf32, #tpu.memory_space<vmem>> -> memref<80x144xf32, #tpu.memory_space<vmem>>
      %dma_start3A_95 = arith.constant 0 : i32
      %dma_start3A_96 = tpu.memref_slice %arg21[%add3A_15, %dma_start3A_95] : memref<10000x144xf32, #tpu.memory_space<vmem_shared>> -> memref<80x144xf32, #tpu.memory_space<vmem_shared>>
      %dma_start3A_97 = arith.constant 0 : i32
      %dma_start3A_98 = tpu.memref_slice %arg21[%add3A_15, %dma_start3A_97] : memref<10000x144xf32, #tpu.memory_space<vmem_shared>> -> memref<80x144xf32, #tpu.memory_space<vmem_shared>>
      %dma_start3A_99 = arith.constant 0 : i32
      %dma_start3A_100 = arith.constant 0 : i32
      %dma_start3A_101 = tpu.memref_slice %arg11[%dma_start3A_99, %dma_start3A_100] : memref<80x144xf32, #tpu.memory_space<vmem>> -> memref<80x144xf32, #tpu.memory_space<vmem>>
      tpu.enqueue_dma source(%dma_start3A_101 : memref<80x144xf32, #tpu.memory_space<vmem>>) target(%dma_start3A_98 : memref<80x144xf32, #tpu.memory_space<vmem_shared>>) target_semaphore(%run_scoped3A : memref<!tpu.dma_semaphore, #tpu.memory_space<semaphore_mem>>)
      %dma_wait3A_102 = arith.constant 0 : i32
      %dma_wait3A_103 = arith.constant 0 : i32
      %dma_wait3A_104 = tpu.memref_slice %arg11[%dma_wait3A_102, %dma_wait3A_103] : memref<80x144xf32, #tpu.memory_space<vmem>> -> memref<80x144xf32, #tpu.memory_space<vmem>>
      %dma_wait3A_105 = arith.constant 0 : i32
      %dma_wait3A_106 = tpu.memref_slice %arg21[%add3A_15, %dma_wait3A_105] : memref<10000x144xf32, #tpu.memory_space<vmem_shared>> -> memref<80x144xf32, #tpu.memory_space<vmem_shared>>
      %dma_wait3A_107 = arith.constant 0 : i32
      %dma_wait3A_108 = tpu.memref_slice %arg21[%add3A_15, %dma_wait3A_107] : memref<10000x144xf32, #tpu.memory_space<vmem_shared>> -> memref<80x144xf32, #tpu.memory_space<vmem_shared>>
      %dma_wait3A_109 = arith.constant 0 : i32
      %dma_wait3A_110 = arith.constant 0 : i32
      %dma_wait3A_111 = tpu.memref_slice %arg11[%dma_wait3A_109, %dma_wait3A_110] : memref<80x144xf32, #tpu.memory_space<vmem>> -> memref<80x144xf32, #tpu.memory_space<vmem>>
      tpu.wait_dma2 semaphore(%run_scoped3A : memref<!tpu.dma_semaphore, #tpu.memory_space<semaphore_mem>>) src(%dma_wait3A_111 : memref<80x144xf32, #tpu.memory_space<vmem>>) dst(%dma_wait3A_108 : memref<80x144xf32, #tpu.memory_space<vmem_shared>>)
      tpu.yield
    }) : () -> ()
    %add3A_16 = arith.constant 240 : i32
    %add3A_17 = arith.addi %mul3A_9, %add3A_16 : i32
    "tpu.region"() ({
      %run_scoped3A = tpu.sem_alloc : memref<!tpu.dma_semaphore, #tpu.memory_space<semaphore_mem>>
      %dma_start3A_92 = arith.constant 0 : i32
      %dma_start3A_93 = arith.constant 0 : i32
      %dma_start3A_94 = tpu.memref_slice %arg11[%dma_start3A_92, %dma_start3A_93] : memref<80x144xf32, #tpu.memory_space<vmem>> -> memref<80x144xf32, #tpu.memory_space<vmem>>
      %dma_start3A_95 = arith.constant 0 : i32
      %dma_start3A_96 = tpu.memref_slice %arg21[%add3A_17, %dma_start3A_95] : memref<10000x144xf32, #tpu.memory_space<vmem_shared>> -> memref<80x144xf32, #tpu.memory_space<vmem_shared>>
      %dma_start3A_97 = arith.constant 0 : i32
      %dma_start3A_98 = tpu.memref_slice %arg21[%add3A_17, %dma_start3A_97] : memref<10000x144xf32, #tpu.memory_space<vmem_shared>> -> memref<80x144xf32, #tpu.memory_space<vmem_shared>>
      %dma_start3A_99 = arith.constant 0 : i32
      %dma_start3A_100 = arith.constant 0 : i32
      %dma_start3A_101 = tpu.memref_slice %arg11[%dma_start3A_99, %dma_start3A_100] : memref<80x144xf32, #tpu.memory_space<vmem>> -> memref<80x144xf32, #tpu.memory_space<vmem>>
      tpu.enqueue_dma source(%dma_start3A_101 : memref<80x144xf32, #tpu.memory_space<vmem>>) target(%dma_start3A_98 : memref<80x144xf32, #tpu.memory_space<vmem_shared>>) target_semaphore(%run_scoped3A : memref<!tpu.dma_semaphore, #tpu.memory_space<semaphore_mem>>)
      %dma_wait3A_102 = arith.constant 0 : i32
      %dma_wait3A_103 = arith.constant 0 : i32
      %dma_wait3A_104 = tpu.memref_slice %arg11[%dma_wait3A_102, %dma_wait3A_103] : memref<80x144xf32, #tpu.memory_space<vmem>> -> memref<80x144xf32, #tpu.memory_space<vmem>>
      %dma_wait3A_105 = arith.constant 0 : i32
      %dma_wait3A_106 = tpu.memref_slice %arg21[%add3A_17, %dma_wait3A_105] : memref<10000x144xf32, #tpu.memory_space<vmem_shared>> -> memref<80x144xf32, #tpu.memory_space<vmem_shared>>
      %dma_wait3A_107 = arith.constant 0 : i32
      %dma_wait3A_108 = tpu.memref_slice %arg21[%add3A_17, %dma_wait3A_107] : memref<10000x144xf32, #tpu.memory_space<vmem_shared>> -> memref<80x144xf32, #tpu.memory_space<vmem_shared>>
      %dma_wait3A_109 = arith.constant 0 : i32
      %dma_wait3A_110 = arith.constant 0 : i32
      %dma_wait3A_111 = tpu.memref_slice %arg11[%dma_wait3A_109, %dma_wait3A_110] : memref<80x144xf32, #tpu.memory_space<vmem>> -> memref<80x144xf32, #tpu.memory_space<vmem>>
      tpu.wait_dma2 semaphore(%run_scoped3A : memref<!tpu.dma_semaphore, #tpu.memory_space<semaphore_mem>>) src(%dma_wait3A_111 : memref<80x144xf32, #tpu.memory_space<vmem>>) dst(%dma_wait3A_108 : memref<80x144xf32, #tpu.memory_space<vmem_shared>>)
      tpu.yield
    }) : () -> ()
    %add3A_18 = arith.constant 320 : i32
    %add3A_19 = arith.addi %mul3A_9, %add3A_18 : i32
    "tpu.region"() ({
      %run_scoped3A = tpu.sem_alloc : memref<!tpu.dma_semaphore, #tpu.memory_space<semaphore_mem>>
      %dma_start3A_92 = arith.constant 0 : i32
      %dma_start3A_93 = arith.constant 0 : i32
      %dma_start3A_94 = tpu.memref_slice %arg11[%dma_start3A_92, %dma_start3A_93] : memref<80x144xf32, #tpu.memory_space<vmem>> -> memref<80x144xf32, #tpu.memory_space<vmem>>
      %dma_start3A_95 = arith.constant 0 : i32
      %dma_start3A_96 = tpu.memref_slice %arg21[%add3A_19, %dma_start3A_95] : memref<10000x144xf32, #tpu.memory_space<vmem_shared>> -> memref<80x144xf32, #tpu.memory_space<vmem_shared>>
      %dma_start3A_97 = arith.constant 0 : i32
      %dma_start3A_98 = tpu.memref_slice %arg21[%add3A_19, %dma_start3A_97] : memref<10000x144xf32, #tpu.memory_space<vmem_shared>> -> memref<80x144xf32, #tpu.memory_space<vmem_shared>>
      %dma_start3A_99 = arith.constant 0 : i32
      %dma_start3A_100 = arith.constant 0 : i32
      %dma_start3A_101 = tpu.memref_slice %arg11[%dma_start3A_99, %dma_start3A_100] : memref<80x144xf32, #tpu.memory_space<vmem>> -> memref<80x144xf32, #tpu.memory_space<vmem>>
      tpu.enqueue_dma source(%dma_start3A_101 : memref<80x144xf32, #tpu.memory_space<vmem>>) target(%dma_start3A_98 : memref<80x144xf32, #tpu.memory_space<vmem_shared>>) target_semaphore(%run_scoped3A : memref<!tpu.dma_semaphore, #tpu.memory_space<semaphore_mem>>)
      %dma_wait3A_102 = arith.constant 0 : i32
      %dma_wait3A_103 = arith.constant 0 : i32
      %dma_wait3A_104 = tpu.memref_slice %arg11[%dma_wait3A_102, %dma_wait3A_103] : memref<80x144xf32, #tpu.memory_space<vmem>> -> memref<80x144xf32, #tpu.memory_space<vmem>>
      %dma_wait3A_105 = arith.constant 0 : i32
      %dma_wait3A_106 = tpu.memref_slice %arg21[%add3A_19, %dma_wait3A_105] : memref<10000x144xf32, #tpu.memory_space<vmem_shared>> -> memref<80x144xf32, #tpu.memory_space<vmem_shared>>
      %dma_wait3A_107 = arith.constant 0 : i32
      %dma_wait3A_108 = tpu.memref_slice %arg21[%add3A_19, %dma_wait3A_107] : memref<10000x144xf32, #tpu.memory_space<vmem_shared>> -> memref<80x144xf32, #tpu.memory_space<vmem_shared>>
      %dma_wait3A_109 = arith.constant 0 : i32
      %dma_wait3A_110 = arith.constant 0 : i32
      %dma_wait3A_111 = tpu.memref_slice %arg11[%dma_wait3A_109, %dma_wait3A_110] : memref<80x144xf32, #tpu.memory_space<vmem>> -> memref<80x144xf32, #tpu.memory_space<vmem>>
      tpu.wait_dma2 semaphore(%run_scoped3A : memref<!tpu.dma_semaphore, #tpu.memory_space<semaphore_mem>>) src(%dma_wait3A_111 : memref<80x144xf32, #tpu.memory_space<vmem>>) dst(%dma_wait3A_108 : memref<80x144xf32, #tpu.memory_space<vmem_shared>>)
      tpu.yield
    }) : () -> ()
    %add3A_20 = arith.constant 400 : i32
    %add3A_21 = arith.addi %mul3A_9, %add3A_20 : i32
    "tpu.region"() ({
      %run_scoped3A = tpu.sem_alloc : memref<!tpu.dma_semaphore, #tpu.memory_space<semaphore_mem>>
      %dma_start3A_92 = arith.constant 0 : i32
      %dma_start3A_93 = arith.constant 0 : i32
      %dma_start3A_94 = tpu.memref_slice %arg11[%dma_start3A_92, %dma_start3A_93] : memref<80x144xf32, #tpu.memory_space<vmem>> -> memref<80x144xf32, #tpu.memory_space<vmem>>
      %dma_start3A_95 = arith.constant 0 : i32
      %dma_start3A_96 = tpu.memref_slice %arg21[%add3A_21, %dma_start3A_95] : memref<10000x144xf32, #tpu.memory_space<vmem_shared>> -> memref<80x144xf32, #tpu.memory_space<vmem_shared>>
      %dma_start3A_97 = arith.constant 0 : i32
      %dma_start3A_98 = tpu.memref_slice %arg21[%add3A_21, %dma_start3A_97] : memref<10000x144xf32, #tpu.memory_space<vmem_shared>> -> memref<80x144xf32, #tpu.memory_space<vmem_shared>>
      %dma_start3A_99 = arith.constant 0 : i32
      %dma_start3A_100 = arith.constant 0 : i32
      %dma_start3A_101 = tpu.memref_slice %arg11[%dma_start3A_99, %dma_start3A_100] : memref<80x144xf32, #tpu.memory_space<vmem>> -> memref<80x144xf32, #tpu.memory_space<vmem>>
      tpu.enqueue_dma source(%dma_start3A_101 : memref<80x144xf32, #tpu.memory_space<vmem>>) target(%dma_start3A_98 : memref<80x144xf32, #tpu.memory_space<vmem_shared>>) target_semaphore(%run_scoped3A : memref<!tpu.dma_semaphore, #tpu.memory_space<semaphore_mem>>)
      %dma_wait3A_102 = arith.constant 0 : i32
      %dma_wait3A_103 = arith.constant 0 : i32
      %dma_wait3A_104 = tpu.memref_slice %arg11[%dma_wait3A_102, %dma_wait3A_103] : memref<80x144xf32, #tpu.memory_space<vmem>> -> memref<80x144xf32, #tpu.memory_space<vmem>>
      %dma_wait3A_105 = arith.constant 0 : i32
      %dma_wait3A_106 = tpu.memref_slice %arg21[%add3A_21, %dma_wait3A_105] : memref<10000x144xf32, #tpu.memory_space<vmem_shared>> -> memref<80x144xf32, #tpu.memory_space<vmem_shared>>
      %dma_wait3A_107 = arith.constant 0 : i32
      %dma_wait3A_108 = tpu.memref_slice %arg21[%add3A_21, %dma_wait3A_107] : memref<10000x144xf32, #tpu.memory_space<vmem_shared>> -> memref<80x144xf32, #tpu.memory_space<vmem_shared>>
      %dma_wait3A_109 = arith.constant 0 : i32
      %dma_wait3A_110 = arith.constant 0 : i32
      %dma_wait3A_111 = tpu.memref_slice %arg11[%dma_wait3A_109, %dma_wait3A_110] : memref<80x144xf32, #tpu.memory_space<vmem>> -> memref<80x144xf32, #tpu.memory_space<vmem>>
      tpu.wait_dma2 semaphore(%run_scoped3A : memref<!tpu.dma_semaphore, #tpu.memory_space<semaphore_mem>>) src(%dma_wait3A_111 : memref<80x144xf32, #tpu.memory_space<vmem>>) dst(%dma_wait3A_108 : memref<80x144xf32, #tpu.memory_space<vmem_shared>>)
      tpu.yield
    }) : () -> ()
    %add3A_22 = arith.constant 480 : i32
    %add3A_23 = arith.addi %mul3A_9, %add3A_22 : i32
    "tpu.region"() ({
      %run_scoped3A = tpu.sem_alloc : memref<!tpu.dma_semaphore, #tpu.memory_space<semaphore_mem>>
      %dma_start3A_92 = arith.constant 0 : i32
      %dma_start3A_93 = arith.constant 0 : i32
      %dma_start3A_94 = tpu.memref_slice %arg11[%dma_start3A_92, %dma_start3A_93] : memref<80x144xf32, #tpu.memory_space<vmem>> -> memref<80x144xf32, #tpu.memory_space<vmem>>
      %dma_start3A_95 = arith.constant 0 : i32
      %dma_start3A_96 = tpu.memref_slice %arg21[%add3A_23, %dma_start3A_95] : memref<10000x144xf32, #tpu.memory_space<vmem_shared>> -> memref<80x144xf32, #tpu.memory_space<vmem_shared>>
      %dma_start3A_97 = arith.constant 0 : i32
      %dma_start3A_98 = tpu.memref_slice %arg21[%add3A_23, %dma_start3A_97] : memref<10000x144xf32, #tpu.memory_space<vmem_shared>> -> memref<80x144xf32, #tpu.memory_space<vmem_shared>>
      %dma_start3A_99 = arith.constant 0 : i32
      %dma_start3A_100 = arith.constant 0 : i32
      %dma_start3A_101 = tpu.memref_slice %arg11[%dma_start3A_99, %dma_start3A_100] : memref<80x144xf32, #tpu.memory_space<vmem>> -> memref<80x144xf32, #tpu.memory_space<vmem>>
      tpu.enqueue_dma source(%dma_start3A_101 : memref<80x144xf32, #tpu.memory_space<vmem>>) target(%dma_start3A_98 : memref<80x144xf32, #tpu.memory_space<vmem_shared>>) target_semaphore(%run_scoped3A : memref<!tpu.dma_semaphore, #tpu.memory_space<semaphore_mem>>)
      %dma_wait3A_102 = arith.constant 0 : i32
      %dma_wait3A_103 = arith.constant 0 : i32
      %dma_wait3A_104 = tpu.memref_slice %arg11[%dma_wait3A_102, %dma_wait3A_103] : memref<80x144xf32, #tpu.memory_space<vmem>> -> memref<80x144xf32, #tpu.memory_space<vmem>>
      %dma_wait3A_105 = arith.constant 0 : i32
      %dma_wait3A_106 = tpu.memref_slice %arg21[%add3A_23, %dma_wait3A_105] : memref<10000x144xf32, #tpu.memory_space<vmem_shared>> -> memref<80x144xf32, #tpu.memory_space<vmem_shared>>
      %dma_wait3A_107 = arith.constant 0 : i32
      %dma_wait3A_108 = tpu.memref_slice %arg21[%add3A_23, %dma_wait3A_107] : memref<10000x144xf32, #tpu.memory_space<vmem_shared>> -> memref<80x144xf32, #tpu.memory_space<vmem_shared>>
      %dma_wait3A_109 = arith.constant 0 : i32
      %dma_wait3A_110 = arith.constant 0 : i32
      %dma_wait3A_111 = tpu.memref_slice %arg11[%dma_wait3A_109, %dma_wait3A_110] : memref<80x144xf32, #tpu.memory_space<vmem>> -> memref<80x144xf32, #tpu.memory_space<vmem>>
      tpu.wait_dma2 semaphore(%run_scoped3A : memref<!tpu.dma_semaphore, #tpu.memory_space<semaphore_mem>>) src(%dma_wait3A_111 : memref<80x144xf32, #tpu.memory_space<vmem>>) dst(%dma_wait3A_108 : memref<80x144xf32, #tpu.memory_space<vmem_shared>>)
      tpu.yield
    }) : () -> ()
    %add3A_24 = arith.constant 560 : i32
    %add3A_25 = arith.addi %mul3A_9, %add3A_24 : i32
    "tpu.region"() ({
      %run_scoped3A = tpu.sem_alloc : memref<!tpu.dma_semaphore, #tpu.memory_space<semaphore_mem>>
      %dma_start3A_92 = arith.constant 0 : i32
      %dma_start3A_93 = arith.constant 0 : i32
      %dma_start3A_94 = tpu.memref_slice %arg11[%dma_start3A_92, %dma_start3A_93] : memref<80x144xf32, #tpu.memory_space<vmem>> -> memref<80x144xf32, #tpu.memory_space<vmem>>
      %dma_start3A_95 = arith.constant 0 : i32
      %dma_start3A_96 = tpu.memref_slice %arg21[%add3A_25, %dma_start3A_95] : memref<10000x144xf32, #tpu.memory_space<vmem_shared>> -> memref<80x144xf32, #tpu.memory_space<vmem_shared>>
      %dma_start3A_97 = arith.constant 0 : i32
      %dma_start3A_98 = tpu.memref_slice %arg21[%add3A_25, %dma_start3A_97] : memref<10000x144xf32, #tpu.memory_space<vmem_shared>> -> memref<80x144xf32, #tpu.memory_space<vmem_shared>>
      %dma_start3A_99 = arith.constant 0 : i32
      %dma_start3A_100 = arith.constant 0 : i32
      %dma_start3A_101 = tpu.memref_slice %arg11[%dma_start3A_99, %dma_start3A_100] : memref<80x144xf32, #tpu.memory_space<vmem>> -> memref<80x144xf32, #tpu.memory_space<vmem>>
      tpu.enqueue_dma source(%dma_start3A_101 : memref<80x144xf32, #tpu.memory_space<vmem>>) target(%dma_start3A_98 : memref<80x144xf32, #tpu.memory_space<vmem_shared>>) target_semaphore(%run_scoped3A : memref<!tpu.dma_semaphore, #tpu.memory_space<semaphore_mem>>)
      %dma_wait3A_102 = arith.constant 0 : i32
      %dma_wait3A_103 = arith.constant 0 : i32
      %dma_wait3A_104 = tpu.memref_slice %arg11[%dma_wait3A_102, %dma_wait3A_103] : memref<80x144xf32, #tpu.memory_space<vmem>> -> memref<80x144xf32, #tpu.memory_space<vmem>>
      %dma_wait3A_105 = arith.constant 0 : i32
      %dma_wait3A_106 = tpu.memref_slice %arg21[%add3A_25, %dma_wait3A_105] : memref<10000x144xf32, #tpu.memory_space<vmem_shared>> -> memref<80x144xf32, #tpu.memory_space<vmem_shared>>
      %dma_wait3A_107 = arith.constant 0 : i32
      %dma_wait3A_108 = tpu.memref_slice %arg21[%add3A_25, %dma_wait3A_107] : memref<10000x144xf32, #tpu.memory_space<vmem_shared>> -> memref<80x144xf32, #tpu.memory_space<vmem_shared>>
      %dma_wait3A_109 = arith.constant 0 : i32
      %dma_wait3A_110 = arith.constant 0 : i32
      %dma_wait3A_111 = tpu.memref_slice %arg11[%dma_wait3A_109, %dma_wait3A_110] : memref<80x144xf32, #tpu.memory_space<vmem>> -> memref<80x144xf32, #tpu.memory_space<vmem>>
      tpu.wait_dma2 semaphore(%run_scoped3A : memref<!tpu.dma_semaphore, #tpu.memory_space<semaphore_mem>>) src(%dma_wait3A_111 : memref<80x144xf32, #tpu.memory_space<vmem>>) dst(%dma_wait3A_108 : memref<80x144xf32, #tpu.memory_space<vmem_shared>>)
      tpu.yield
    }) : () -> ()
    %barrier3A = arith.constant 0 : index
    tpu.barrier barrier_id(%barrier3A)
    %get3A = arith.constant 0 : index
    %get3A_26 = tpu.vector_load %arg20[%get3A] {strides = array<i32>} : memref<16xf32, #tpu.memory_space<vmem>>, vector<16xf32>,
    %add3A_27 = arith.constant 0 : i32
    %add3A_28 = arith.addi %mul3A_2, %add3A_27 : i32
    %dma_start3A = tpu.memref_slice %arg5[%add3A_28] : memref<320000xi32, #tpu.memory_space<hbm>> -> memref<80xi32, #tpu.memory_space<hbm>>
    %dma_start3A_29 = tpu.memref_slice %arg5[%add3A_28] : memref<320000xi32, #tpu.memory_space<hbm>> -> memref<80xi32, #tpu.memory_space<hbm>>
    tpu.enqueue_dma source(%dma_start3A_29 : memref<80xi32, #tpu.memory_space<hbm>>) target(%arg16 : memref<80xi32, #tpu.memory_space<vmem>>) target_semaphore(%arg22 : memref<!tpu.dma_semaphore, #tpu.memory_space<semaphore_mem>>)
    %dma_start3A_30 = tpu.memref_slice %arg6[%add3A_28] : memref<320000xi32, #tpu.memory_space<hbm>> -> memref<80xi32, #tpu.memory_space<hbm>>
    %dma_start3A_31 = tpu.memref_slice %arg6[%add3A_28] : memref<320000xi32, #tpu.memory_space<hbm>> -> memref<80xi32, #tpu.memory_space<hbm>>
    tpu.enqueue_dma source(%dma_start3A_31 : memref<80xi32, #tpu.memory_space<hbm>>) target(%arg18 : memref<80xi32, #tpu.memory_space<vmem>>) target_semaphore(%arg22 : memref<!tpu.dma_semaphore, #tpu.memory_space<semaphore_mem>>)
    %mul3A_32 = arith.constant 8 : i32
    %mul3A_33 = arith.muli %mul3A_32, %add3A_28 : i32
    %dma_start3A_34 = arith.constant 0 : i32
    %dma_start3A_35 = tpu.memref_slice %arg14[%dma_start3A_34] : memref<656xf32, #tpu.memory_space<vmem>> -> memref<640xf32, #tpu.memory_space<vmem>>
    %dma_start3A_36 = tpu.memref_slice %arg4[%mul3A_33] : memref<2560000xf32, #tpu.memory_space<hbm>> -> memref<640xf32, #tpu.memory_space<hbm>>
    %dma_start3A_37 = arith.constant 0 : i32
    %dma_start3A_38 = tpu.memref_slice %arg14[%dma_start3A_37] : memref<656xf32, #tpu.memory_space<vmem>> -> memref<640xf32, #tpu.memory_space<vmem>>
    %dma_start3A_39 = tpu.memref_slice %arg4[%mul3A_33] : memref<2560000xf32, #tpu.memory_space<hbm>> -> memref<640xf32, #tpu.memory_space<hbm>>
    tpu.enqueue_dma source(%dma_start3A_39 : memref<640xf32, #tpu.memory_space<hbm>>) target(%dma_start3A_38 : memref<640xf32, #tpu.memory_space<vmem>>) target_semaphore(%arg22 : memref<!tpu.dma_semaphore, #tpu.memory_space<semaphore_mem>>)
    %add3A_40 = arith.constant 0 : i32
    %add3A_41 = arith.addi %mul3A_2, %add3A_40 : i32
    %dma_wait3A = tpu.memref_slice %arg5[%add3A_41] : memref<320000xi32, #tpu.memory_space<hbm>> -> memref<80xi32, #tpu.memory_space<hbm>>
    %dma_wait3A_42 = tpu.memref_slice %arg5[%add3A_41] : memref<320000xi32, #tpu.memory_space<hbm>> -> memref<80xi32, #tpu.memory_space<hbm>>
    tpu.wait_dma2 semaphore(%arg22 : memref<!tpu.dma_semaphore, #tpu.memory_space<semaphore_mem>>) src(%dma_wait3A_42 : memref<80xi32, #tpu.memory_space<hbm>>) dst(%arg16 : memref<80xi32, #tpu.memory_space<vmem>>)
    %dma_wait3A_43 = tpu.memref_slice %arg6[%add3A_41] : memref<320000xi32, #tpu.memory_space<hbm>> -> memref<80xi32, #tpu.memory_space<hbm>>
    %dma_wait3A_44 = tpu.memref_slice %arg6[%add3A_41] : memref<320000xi32, #tpu.memory_space<hbm>> -> memref<80xi32, #tpu.memory_space<hbm>>
    tpu.wait_dma2 semaphore(%arg22 : memref<!tpu.dma_semaphore, #tpu.memory_space<semaphore_mem>>) src(%dma_wait3A_44 : memref<80xi32, #tpu.memory_space<hbm>>) dst(%arg18 : memref<80xi32, #tpu.memory_space<vmem>>)
    %mul3A_45 = arith.constant 8 : i32
    %mul3A_46 = arith.muli %mul3A_45, %add3A_41 : i32
    %dma_wait3A_47 = arith.constant 0 : i32
    %dma_wait3A_48 = tpu.memref_slice %arg14[%dma_wait3A_47] : memref<656xf32, #tpu.memory_space<vmem>> -> memref<640xf32, #tpu.memory_space<vmem>>
    %dma_wait3A_49 = tpu.memref_slice %arg4[%mul3A_46] : memref<2560000xf32, #tpu.memory_space<hbm>> -> memref<640xf32, #tpu.memory_space<hbm>>
    %dma_wait3A_50 = arith.constant 0 : i32
    %dma_wait3A_51 = tpu.memref_slice %arg14[%dma_wait3A_50] : memref<656xf32, #tpu.memory_space<vmem>> -> memref<640xf32, #tpu.memory_space<vmem>>
    %dma_wait3A_52 = tpu.memref_slice %arg4[%mul3A_46] : memref<2560000xf32, #tpu.memory_space<hbm>> -> memref<640xf32, #tpu.memory_space<hbm>>
    tpu.wait_dma2 semaphore(%arg22 : memref<!tpu.dma_semaphore, #tpu.memory_space<semaphore_mem>>) src(%dma_wait3A_52 : memref<640xf32, #tpu.memory_space<hbm>>) dst(%dma_wait3A_51 : memref<640xf32, #tpu.memory_space<vmem>>)
    %dma_start3A_53 = arith.constant 0 : i32
    %dma_start3A_54 = arith.constant 0 : i32
    %dma_start3A_55 = tpu.memref_slice %arg2[%dma_start3A_53, %dma_start3A_54] : memref<10000x144xf32, #tpu.memory_space<hbm>> -> memref<10000x144xf32, #tpu.memory_space<hbm>>
    tpu.enqueue_indirect_dma source(%dma_start3A_55 : memref<10000x144xf32, #tpu.memory_space<hbm>>) target(%arg9 : memref<80x144xf32, #tpu.memory_space<vmem>>) offsets(%arg16 : memref<80xi32, #tpu.memory_space<vmem>>) semaphore(%arg24 : memref<!tpu.dma_semaphore, #tpu.memory_space<semaphore_mem>>)
    %dma_start3A_56 = arith.constant 0 : i32
    %dma_start3A_57 = arith.constant 0 : i32
    %dma_start3A_58 = tpu.memref_slice %arg3[%dma_start3A_56, %dma_start3A_57] : memref<10000x16xf32, #tpu.memory_space<hbm>> -> memref<10000x16xf32, #tpu.memory_space<hbm>>
    tpu.enqueue_indirect_dma source(%dma_start3A_58 : memref<10000x16xf32, #tpu.memory_space<hbm>>) target(%arg12 : memref<80x16xf32, #tpu.memory_space<vmem>>) offsets(%arg18 : memref<80xi32, #tpu.memory_space<vmem>>) semaphore(%arg24 : memref<!tpu.dma_semaphore, #tpu.memory_space<semaphore_mem>>)
    %add3A_59 = arith.constant 80 : i32
    %add3A_60 = arith.addi %mul3A_2, %add3A_59 : i32
    %dma_start3A_61 = tpu.memref_slice %arg5[%add3A_60] : memref<320000xi32, #tpu.memory_space<hbm>> -> memref<80xi32, #tpu.memory_space<hbm>>
    %dma_start3A_62 = tpu.memref_slice %arg5[%add3A_60] : memref<320000xi32, #tpu.memory_space<hbm>> -> memref<80xi32, #tpu.memory_space<hbm>>
    tpu.enqueue_dma source(%dma_start3A_62 : memref<80xi32, #tpu.memory_space<hbm>>) target(%arg17 : memref<80xi32, #tpu.memory_space<vmem>>) target_semaphore(%arg23 : memref<!tpu.dma_semaphore, #tpu.memory_space<semaphore_mem>>)
    %dma_start3A_63 = tpu.memref_slice %arg6[%add3A_60] : memref<320000xi32, #tpu.memory_space<hbm>> -> memref<80xi32, #tpu.memory_space<hbm>>
    %dma_start3A_64 = tpu.memref_slice %arg6[%add3A_60] : memref<320000xi32, #tpu.memory_space<hbm>> -> memref<80xi32, #tpu.memory_space<hbm>>
    tpu.enqueue_dma source(%dma_start3A_64 : memref<80xi32, #tpu.memory_space<hbm>>) target(%arg19 : memref<80xi32, #tpu.memory_space<vmem>>) target_semaphore(%arg23 : memref<!tpu.dma_semaphore, #tpu.memory_space<semaphore_mem>>)
    %mul3A_65 = arith.constant 8 : i32
    %mul3A_66 = arith.muli %mul3A_65, %add3A_60 : i32
    %dma_start3A_67 = arith.constant 0 : i32
    %dma_start3A_68 = tpu.memref_slice %arg15[%dma_start3A_67] : memref<656xf32, #tpu.memory_space<vmem>> -> memref<640xf32, #tpu.memory_space<vmem>>
    %dma_start3A_69 = tpu.memref_slice %arg4[%mul3A_66] : memref<2560000xf32, #tpu.memory_space<hbm>> -> memref<640xf32, #tpu.memory_space<hbm>>
    %dma_start3A_70 = arith.constant 0 : i32
    %dma_start3A_71 = tpu.memref_slice %arg15[%dma_start3A_70] : memref<656xf32, #tpu.memory_space<vmem>> -> memref<640xf32, #tpu.memory_space<vmem>>
    %dma_start3A_72 = tpu.memref_slice %arg4[%mul3A_66] : memref<2560000xf32, #tpu.memory_space<hbm>> -> memref<640xf32, #tpu.memory_space<hbm>>
    tpu.enqueue_dma source(%dma_start3A_72 : memref<640xf32, #tpu.memory_space<hbm>>) target(%dma_start3A_71 : memref<640xf32, #tpu.memory_space<vmem>>) target_semaphore(%arg23 : memref<!tpu.dma_semaphore, #tpu.memory_space<semaphore_mem>>)
    %scan3A_73 = arith.constant 0 : i32
    %scan3A_74 = arith.constant 0 : i32
    %scan3A_75 = arith.constant 62 : i32
    %scan3A_76 = arith.addi %scan3A_74, %scan3A_75 : i32
    %scan3A_77 = arith.constant 1 : i32
    scf.for %scan3A_92 = %scan3A_74 to %scan3A_76 step %scan3A_77  : i32 {
      %mul3A_93 = arith.constant 2 : i32
      %mul3A_94 = arith.muli %mul3A_93, %scan3A_92 : i32
      %add3A_95 = arith.constant 0 : i32
      %add3A_96 = arith.addi %mul3A_94, %add3A_95 : i32
      %add3A_97 = arith.constant 1 : i32
      %add3A_98 = arith.addi %add3A_96, %add3A_97 : i32
      %mul3A_99 = arith.constant 80 : i32
      %mul3A_100 = arith.muli %add3A_98, %mul3A_99 : i32
      %add3A_101 = arith.addi %mul3A_2, %mul3A_100 : i32
      %dma_wait3A_102 = tpu.memref_slice %arg5[%add3A_101] : memref<320000xi32, #tpu.memory_space<hbm>> -> memref<80xi32, #tpu.memory_space<hbm>>
      %dma_wait3A_103 = tpu.memref_slice %arg5[%add3A_101] : memref<320000xi32, #tpu.memory_space<hbm>> -> memref<80xi32, #tpu.memory_space<hbm>>
      tpu.wait_dma2 semaphore(%arg23 : memref<!tpu.dma_semaphore, #tpu.memory_space<semaphore_mem>>) src(%dma_wait3A_103 : memref<80xi32, #tpu.memory_space<hbm>>) dst(%arg17 : memref<80xi32, #tpu.memory_space<vmem>>)
      %dma_wait3A_104 = tpu.memref_slice %arg6[%add3A_101] : memref<320000xi32, #tpu.memory_space<hbm>> -> memref<80xi32, #tpu.memory_space<hbm>>
      %dma_wait3A_105 = tpu.memref_slice %arg6[%add3A_101] : memref<320000xi32, #tpu.memory_space<hbm>> -> memref<80xi32, #tpu.memory_space<hbm>>
      tpu.wait_dma2 semaphore(%arg23 : memref<!tpu.dma_semaphore, #tpu.memory_space<semaphore_mem>>) src(%dma_wait3A_105 : memref<80xi32, #tpu.memory_space<hbm>>) dst(%arg19 : memref<80xi32, #tpu.memory_space<vmem>>)
      %mul3A_106 = arith.constant 8 : i32
      %mul3A_107 = arith.muli %mul3A_106, %add3A_101 : i32
      %dma_wait3A_108 = arith.constant 0 : i32
      %dma_wait3A_109 = tpu.memref_slice %arg15[%dma_wait3A_108] : memref<656xf32, #tpu.memory_space<vmem>> -> memref<640xf32, #tpu.memory_space<vmem>>
      %dma_wait3A_110 = tpu.memref_slice %arg4[%mul3A_107] : memref<2560000xf32, #tpu.memory_space<hbm>> -> memref<640xf32, #tpu.memory_space<hbm>>
      %dma_wait3A_111 = arith.constant 0 : i32
      %dma_wait3A_112 = tpu.memref_slice %arg15[%dma_wait3A_111] : memref<656xf32, #tpu.memory_space<vmem>> -> memref<640xf32, #tpu.memory_space<vmem>>
      %dma_wait3A_113 = tpu.memref_slice %arg4[%mul3A_107] : memref<2560000xf32, #tpu.memory_space<hbm>> -> memref<640xf32, #tpu.memory_space<hbm>>
      tpu.wait_dma2 semaphore(%arg23 : memref<!tpu.dma_semaphore, #tpu.memory_space<semaphore_mem>>) src(%dma_wait3A_113 : memref<640xf32, #tpu.memory_space<hbm>>) dst(%dma_wait3A_112 : memref<640xf32, #tpu.memory_space<vmem>>)
      %dma_start3A_114 = arith.constant 0 : i32
      %dma_start3A_115 = arith.constant 0 : i32
      %dma_start3A_116 = tpu.memref_slice %arg2[%dma_start3A_114, %dma_start3A_115] : memref<10000x144xf32, #tpu.memory_space<hbm>> -> memref<10000x144xf32, #tpu.memory_space<hbm>>
      tpu.enqueue_indirect_dma source(%dma_start3A_116 : memref<10000x144xf32, #tpu.memory_space<hbm>>) target(%arg10 : memref<80x144xf32, #tpu.memory_space<vmem>>) offsets(%arg17 : memref<80xi32, #tpu.memory_space<vmem>>) semaphore(%arg25 : memref<!tpu.dma_semaphore, #tpu.memory_space<semaphore_mem>>)
      %dma_start3A_117 = arith.constant 0 : i32
      %dma_start3A_118 = arith.constant 0 : i32
      %dma_start3A_119 = tpu.memref_slice %arg3[%dma_start3A_117, %dma_start3A_118] : memref<10000x16xf32, #tpu.memory_space<hbm>> -> memref<10000x16xf32, #tpu.memory_space<hbm>>
      tpu.enqueue_indirect_dma source(%dma_start3A_119 : memref<10000x16xf32, #tpu.memory_space<hbm>>) target(%arg13 : memref<80x16xf32, #tpu.memory_space<vmem>>) offsets(%arg19 : memref<80xi32, #tpu.memory_space<vmem>>) semaphore(%arg25 : memref<!tpu.dma_semaphore, #tpu.memory_space<semaphore_mem>>)
      %dma_wait3A_120 = arith.constant 0 : i32
      %dma_wait3A_121 = arith.constant 0 : i32
      %dma_wait3A_122 = tpu.memref_slice %arg2[%dma_wait3A_120, %dma_wait3A_121] : memref<10000x144xf32, #tpu.memory_space<hbm>> -> memref<10000x144xf32, #tpu.memory_space<hbm>>
      tpu.wait_indirect_dma semaphore(%arg24 : memref<!tpu.dma_semaphore, #tpu.memory_space<semaphore_mem>>) src(%dma_wait3A_122 : memref<10000x144xf32, #tpu.memory_space<hbm>>) dst(%arg9 : memref<80x144xf32, #tpu.memory_space<vmem>>)
      %dma_wait3A_123 = arith.constant 0 : i32
      %dma_wait3A_124 = arith.constant 0 : i32
      %dma_wait3A_125 = tpu.memref_slice %arg3[%dma_wait3A_123, %dma_wait3A_124] : memref<10000x16xf32, #tpu.memory_space<hbm>> -> memref<10000x16xf32, #tpu.memory_space<hbm>>
      tpu.wait_indirect_dma semaphore(%arg24 : memref<!tpu.dma_semaphore, #tpu.memory_space<semaphore_mem>>) src(%dma_wait3A_125 : memref<10000x16xf32, #tpu.memory_space<hbm>>) dst(%arg12 : memref<80x16xf32, #tpu.memory_space<vmem>>)
      %scan3A_126 = arith.constant 0 : i32
      %scan3A_127 = arith.constant 0 : i32
      %scan3A_128 = arith.constant 80 : i32
      %scan3A_129 = arith.addi %scan3A_127, %scan3A_128 : i32
      %scan3A_130 = arith.constant 1 : i32
      scf.for %scan3A_180 = %scan3A_127 to %scan3A_129 step %scan3A_130  : i32 {
        %get3A_181 = arith.index_cast %scan3A_180 : i32 to index
        %get3A_182 = arith.constant 128 : index
        %get3A_183 = tpu.vector_load %arg9[%get3A_181, %get3A_182] {strides = array<i32>} : memref<80x144xf32, #tpu.memory_space<vmem>>, vector<16xf32>,
        %get3A_184 = arith.index_cast %scan3A_180 : i32 to index
        %get3A_185 = arith.constant 0 : index
        %get3A_186 = tpu.vector_load %arg12[%get3A_184, %get3A_185] {strides = array<i32>} : memref<80x16xf32, #tpu.memory_space<vmem>>, vector<16xf32>,
        %mul3A_187 = arith.constant 8 : i32
        %mul3A_188 = arith.muli %mul3A_187, %scan3A_180 : i32
        %add3A_189 = arith.constant 4 : i32
        %add3A_190 = arith.addi %mul3A_188, %add3A_189 : i32
        %get3A_191 = arith.index_cast %add3A_190 : i32 to index
        %get3A_192 = tpu.vector_load %arg14[%get3A_191] {strides = array<i32>} : memref<656xf32, #tpu.memory_space<vmem>>, vector<16xf32>,
        %add3A_193 = arith.addf %get3A_183, %get3A_186 : vector<16xf32>
        %add3A_194 = arith.addf %add3A_193, %get3A_192 : vector<16xf32>
        %ge3A = arith.constant 0.000000e+00 : f32
        %ge3A_195 = vector.broadcast %ge3A : f32 to vector<16xf32>
        %ge3A_196 = arith.cmpf oge, %add3A_194, %ge3A_195 : vector<16xf32>
        %mul3A_197 = arith.constant 2.000000e-01 : f32
        %mul3A_198 = vector.broadcast %mul3A_197 : f32 to vector<16xf32>
        %mul3A_199 = arith.mulf %mul3A_198, %add3A_194 : vector<16xf32>
        %select_n3A = arith.select %ge3A_196, %add3A_194, %mul3A_199 : vector<16xi1>, vector<16xf32>
        %sub3A = arith.subf %select_n3A, %get3A_26 : vector<16xf32>
        %exp3A = math.exp %sub3A : vector<16xf32>
        %broadcast_in_dim3A = arith.constant 0 : i32
        %broadcast_in_dim3A_200 = vector.broadcast %broadcast_in_dim3A : i32 to vector<16x1xi32>
        %gather3A = vector.shape_cast %broadcast_in_dim3A_200 : vector<16x1xi32> to vector<16xi32>
        %gather3A_201 = tpu.dynamic_gather %exp3A[%gather3A] in [0] : vector<16xf32>, vector<16xi32> -> vector<16xf32>
        %get3A_202 = arith.index_cast %scan3A_180 : i32 to index
        %get3A_203 = arith.constant 0 : index
        %get3A_204 = tpu.vector_load %arg9[%get3A_202, %get3A_203] {strides = array<i32>} : memref<80x144xf32, #tpu.memory_space<vmem>>, vector<16xf32>,
        %mul3A_205 = arith.mulf %get3A_204, %gather3A_201 : vector<16xf32>
        %swap3A = arith.index_cast %scan3A_180 : i32 to index
        %swap3A_206 = arith.constant 0 : index
        %swap3A_207 = tpu.vector_load %arg11[%swap3A, %swap3A_206] {strides = array<i32>} : memref<80x144xf32, #tpu.memory_space<vmem>>, vector<16xf32>,
        tpu.vector_store %arg11[%swap3A, %swap3A_206], %mul3A_205 {strides = array<i32>} : memref<80x144xf32, #tpu.memory_space<vmem>>, vector<16xf32>,
        %get3A_208 = arith.index_cast %scan3A_180 : i32 to index
        %get3A_209 = arith.constant 16 : index
        %get3A_210 = tpu.vector_load %arg9[%get3A_208, %get3A_209] {strides = array<i32>} : memref<80x144xf32, #tpu.memory_space<vmem>>, vector<16xf32>,
        %mul3A_211 = arith.mulf %get3A_210, %gather3A_201 : vector<16xf32>
        %swap3A_212 = arith.index_cast %scan3A_180 : i32 to index
        %swap3A_213 = arith.constant 16 : index
        %swap3A_214 = tpu.vector_load %arg11[%swap3A_212, %swap3A_213] {strides = array<i32>} : memref<80x144xf32, #tpu.memory_space<vmem>>, vector<16xf32>,
        tpu.vector_store %arg11[%swap3A_212, %swap3A_213], %mul3A_211 {strides = array<i32>} : memref<80x144xf32, #tpu.memory_space<vmem>>, vector<16xf32>,
        %broadcast_in_dim3A_215 = arith.constant 1 : i32
        %broadcast_in_dim3A_216 = vector.broadcast %broadcast_in_dim3A_215 : i32 to vector<16x1xi32>
        %gather3A_217 = vector.shape_cast %broadcast_in_dim3A_216 : vector<16x1xi32> to vector<16xi32>
        %gather3A_218 = tpu.dynamic_gather %exp3A[%gather3A_217] in [0] : vector<16xf32>, vector<16xi32> -> vector<16xf32>
        %get3A_219 = arith.index_cast %scan3A_180 : i32 to index
        %get3A_220 = arith.constant 32 : index
        %get3A_221 = tpu.vector_load %arg9[%get3A_219, %get3A_220] {strides = array<i32>} : memref<80x144xf32, #tpu.memory_space<vmem>>, vector<16xf32>,
        %mul3A_222 = arith.mulf %get3A_221, %gather3A_218 : vector<16xf32>
        %swap3A_223 = arith.index_cast %scan3A_180 : i32 to index
        %swap3A_224 = arith.constant 32 : index
        %swap3A_225 = tpu.vector_load %arg11[%swap3A_223, %swap3A_224] {strides = array<i32>} : memref<80x144xf32, #tpu.memory_space<vmem>>, vector<16xf32>,
        tpu.vector_store %arg11[%swap3A_223, %swap3A_224], %mul3A_222 {strides = array<i32>} : memref<80x144xf32, #tpu.memory_space<vmem>>, vector<16xf32>,
        %get3A_226 = arith.index_cast %scan3A_180 : i32 to index
        %get3A_227 = arith.constant 48 : index
        %get3A_228 = tpu.vector_load %arg9[%get3A_226, %get3A_227] {strides = array<i32>} : memref<80x144xf32, #tpu.memory_space<vmem>>, vector<16xf32>,
        %mul3A_229 = arith.mulf %get3A_228, %gather3A_218 : vector<16xf32>
        %swap3A_230 = arith.index_cast %scan3A_180 : i32 to index
        %swap3A_231 = arith.constant 48 : index
        %swap3A_232 = tpu.vector_load %arg11[%swap3A_230, %swap3A_231] {strides = array<i32>} : memref<80x144xf32, #tpu.memory_space<vmem>>, vector<16xf32>,
        tpu.vector_store %arg11[%swap3A_230, %swap3A_231], %mul3A_229 {strides = array<i32>} : memref<80x144xf32, #tpu.memory_space<vmem>>, vector<16xf32>,
        %broadcast_in_dim3A_233 = arith.constant 2 : i32
        %broadcast_in_dim3A_234 = vector.broadcast %broadcast_in_dim3A_233 : i32 to vector<16x1xi32>
        %gather3A_235 = vector.shape_cast %broadcast_in_dim3A_234 : vector<16x1xi32> to vector<16xi32>
        %gather3A_236 = tpu.dynamic_gather %exp3A[%gather3A_235] in [0] : vector<16xf32>, vector<16xi32> -> vector<16xf32>
        %get3A_237 = arith.index_cast %scan3A_180 : i32 to index
        %get3A_238 = arith.constant 64 : index
        %get3A_239 = tpu.vector_load %arg9[%get3A_237, %get3A_238] {strides = array<i32>} : memref<80x144xf32, #tpu.memory_space<vmem>>, vector<16xf32>,
        %mul3A_240 = arith.mulf %get3A_239, %gather3A_236 : vector<16xf32>
        %swap3A_241 = arith.index_cast %scan3A_180 : i32 to index
        %swap3A_242 = arith.constant 64 : index
        %swap3A_243 = tpu.vector_load %arg11[%swap3A_241, %swap3A_242] {strides = array<i32>} : memref<80x144xf32, #tpu.memory_space<vmem>>, vector<16xf32>,
        tpu.vector_store %arg11[%swap3A_241, %swap3A_242], %mul3A_240 {strides = array<i32>} : memref<80x144xf32, #tpu.memory_space<vmem>>, vector<16xf32>,
        %get3A_244 = arith.index_cast %scan3A_180 : i32 to index
        %get3A_245 = arith.constant 80 : index
        %get3A_246 = tpu.vector_load %arg9[%get3A_244, %get3A_245] {strides = array<i32>} : memref<80x144xf32, #tpu.memory_space<vmem>>, vector<16xf32>,
        %mul3A_247 = arith.mulf %get3A_246, %gather3A_236 : vector<16xf32>
        %swap3A_248 = arith.index_cast %scan3A_180 : i32 to index
        %swap3A_249 = arith.constant 80 : index
        %swap3A_250 = tpu.vector_load %arg11[%swap3A_248, %swap3A_249] {strides = array<i32>} : memref<80x144xf32, #tpu.memory_space<vmem>>, vector<16xf32>,
        tpu.vector_store %arg11[%swap3A_248, %swap3A_249], %mul3A_247 {strides = array<i32>} : memref<80x144xf32, #tpu.memory_space<vmem>>, vector<16xf32>,
        %broadcast_in_dim3A_251 = arith.constant 3 : i32
        %broadcast_in_dim3A_252 = vector.broadcast %broadcast_in_dim3A_251 : i32 to vector<16x1xi32>
        %gather3A_253 = vector.shape_cast %broadcast_in_dim3A_252 : vector<16x1xi32> to vector<16xi32>
        %gather3A_254 = tpu.dynamic_gather %exp3A[%gather3A_253] in [0] : vector<16xf32>, vector<16xi32> -> vector<16xf32>
        %get3A_255 = arith.index_cast %scan3A_180 : i32 to index
        %get3A_256 = arith.constant 96 : index
        %get3A_257 = tpu.vector_load %arg9[%get3A_255, %get3A_256] {strides = array<i32>} : memref<80x144xf32, #tpu.memory_space<vmem>>, vector<16xf32>,
        %mul3A_258 = arith.mulf %get3A_257, %gather3A_254 : vector<16xf32>
        %swap3A_259 = arith.index_cast %scan3A_180 : i32 to index
        %swap3A_260 = arith.constant 96 : index
        %swap3A_261 = tpu.vector_load %arg11[%swap3A_259, %swap3A_260] {strides = array<i32>} : memref<80x144xf32, #tpu.memory_space<vmem>>, vector<16xf32>,
        tpu.vector_store %arg11[%swap3A_259, %swap3A_260], %mul3A_258 {strides = array<i32>} : memref<80x144xf32, #tpu.memory_space<vmem>>, vector<16xf32>,
        %get3A_262 = arith.index_cast %scan3A_180 : i32 to index
        %get3A_263 = arith.constant 112 : index
        %get3A_264 = tpu.vector_load %arg9[%get3A_262, %get3A_263] {strides = array<i32>} : memref<80x144xf32, #tpu.memory_space<vmem>>, vector<16xf32>,
        %mul3A_265 = arith.mulf %get3A_264, %gather3A_254 : vector<16xf32>
        %swap3A_266 = arith.index_cast %scan3A_180 : i32 to index
        %swap3A_267 = arith.constant 112 : index
        %swap3A_268 = tpu.vector_load %arg11[%swap3A_266, %swap3A_267] {strides = array<i32>} : memref<80x144xf32, #tpu.memory_space<vmem>>, vector<16xf32>,
        tpu.vector_store %arg11[%swap3A_266, %swap3A_267], %mul3A_265 {strides = array<i32>} : memref<80x144xf32, #tpu.memory_space<vmem>>, vector<16xf32>,
        %swap3A_269 = arith.index_cast %scan3A_180 : i32 to index
        %swap3A_270 = arith.constant 128 : index
        %swap3A_271 = tpu.vector_load %arg11[%swap3A_269, %swap3A_270] {strides = array<i32>} : memref<80x144xf32, #tpu.memory_space<vmem>>, vector<16xf32>,
        tpu.vector_store %arg11[%swap3A_269, %swap3A_270], %exp3A {strides = array<i32>} : memref<80x144xf32, #tpu.memory_space<vmem>>, vector<16xf32>,
      }
      %scan3A_131 = arith.constant 80 : i32
      "tpu.region"() ({
        %run_scoped3A = tpu.sem_alloc : memref<!tpu.dma_semaphore, #tpu.memory_space<semaphore_mem>>
        %dma_start3A_180 = arith.constant 0 : i32
        %dma_start3A_181 = arith.constant 0 : i32
        %dma_start3A_182 = tpu.memref_slice %arg21[%dma_start3A_180, %dma_start3A_181] : memref<10000x144xf32, #tpu.memory_space<vmem_shared>> -> memref<10000x144xf32, #tpu.memory_space<vmem_shared>>
        tpu.enqueue_indirect_dma source(%arg11 : memref<80x144xf32, #tpu.memory_space<vmem>>) target(%dma_start3A_182 : memref<10000x144xf32, #tpu.memory_space<vmem_shared>>) offsets(%arg18 : memref<80xi32, #tpu.memory_space<vmem>>) semaphore(%run_scoped3A : memref<!tpu.dma_semaphore, #tpu.memory_space<semaphore_mem>>) {add = true}
        %dma_wait3A_183 = arith.constant 0 : i32
        %dma_wait3A_184 = arith.constant 0 : i32
        %dma_wait3A_185 = tpu.memref_slice %arg21[%dma_wait3A_183, %dma_wait3A_184] : memref<10000x144xf32, #tpu.memory_space<vmem_shared>> -> memref<10000x144xf32, #tpu.memory_space<vmem_shared>>
        tpu.wait_indirect_dma semaphore(%run_scoped3A : memref<!tpu.dma_semaphore, #tpu.memory_space<semaphore_mem>>) src(%arg11 : memref<80x144xf32, #tpu.memory_space<vmem>>) dst(%dma_wait3A_185 : memref<10000x144xf32, #tpu.memory_space<vmem_shared>>)
        tpu.yield
      }) : () -> ()
      %add3A_132 = arith.constant 2 : i32
      %add3A_133 = arith.addi %add3A_96, %add3A_132 : i32
      %lt3A = arith.constant 125 : i32
      %lt3A_134 = arith.cmpi slt, %add3A_133, %lt3A : i32
      %convert_element_type3A = arith.extui %lt3A_134 : i1 to i32
      %cond3A = arith.constant 0 : i32
      %cond3A_135 = arith.cmpi ne, %convert_element_type3A, %cond3A : i32
      scf.if %cond3A_135 {
        %add3A_180 = arith.constant 2 : i32
        %add3A_181 = arith.addi %add3A_96, %add3A_180 : i32
        %mul3A_182 = arith.constant 80 : i32
        %mul3A_183 = arith.muli %add3A_181, %mul3A_182 : i32
        %add3A_184 = arith.addi %mul3A_2, %mul3A_183 : i32
        %dma_start3A_185 = tpu.memref_slice %arg5[%add3A_184] : memref<320000xi32, #tpu.memory_space<hbm>> -> memref<80xi32, #tpu.memory_space<hbm>>
        %dma_start3A_186 = tpu.memref_slice %arg5[%add3A_184] : memref<320000xi32, #tpu.memory_space<hbm>> -> memref<80xi32, #tpu.memory_space<hbm>>
        tpu.enqueue_dma source(%dma_start3A_186 : memref<80xi32, #tpu.memory_space<hbm>>) target(%arg16 : memref<80xi32, #tpu.memory_space<vmem>>) target_semaphore(%arg22 : memref<!tpu.dma_semaphore, #tpu.memory_space<semaphore_mem>>)
        %dma_start3A_187 = tpu.memref_slice %arg6[%add3A_184] : memref<320000xi32, #tpu.memory_space<hbm>> -> memref<80xi32, #tpu.memory_space<hbm>>
        %dma_start3A_188 = tpu.memref_slice %arg6[%add3A_184] : memref<320000xi32, #tpu.memory_space<hbm>> -> memref<80xi32, #tpu.memory_space<hbm>>
        tpu.enqueue_dma source(%dma_start3A_188 : memref<80xi32, #tpu.memory_space<hbm>>) target(%arg18 : memref<80xi32, #tpu.memory_space<vmem>>) target_semaphore(%arg22 : memref<!tpu.dma_semaphore, #tpu.memory_space<semaphore_mem>>)
        %mul3A_189 = arith.constant 8 : i32
        %mul3A_190 = arith.muli %mul3A_189, %add3A_184 : i32
        %dma_start3A_191 = arith.constant 0 : i32
        %dma_start3A_192 = tpu.memref_slice %arg14[%dma_start3A_191] : memref<656xf32, #tpu.memory_space<vmem>> -> memref<640xf32, #tpu.memory_space<vmem>>
        %dma_start3A_193 = tpu.memref_slice %arg4[%mul3A_190] : memref<2560000xf32, #tpu.memory_space<hbm>> -> memref<640xf32, #tpu.memory_space<hbm>>
        %dma_start3A_194 = arith.constant 0 : i32
        %dma_start3A_195 = tpu.memref_slice %arg14[%dma_start3A_194] : memref<656xf32, #tpu.memory_space<vmem>> -> memref<640xf32, #tpu.memory_space<vmem>>
        %dma_start3A_196 = tpu.memref_slice %arg4[%mul3A_190] : memref<2560000xf32, #tpu.memory_space<hbm>> -> memref<640xf32, #tpu.memory_space<hbm>>
        tpu.enqueue_dma source(%dma_start3A_196 : memref<640xf32, #tpu.memory_space<hbm>>) target(%dma_start3A_195 : memref<640xf32, #tpu.memory_space<vmem>>) target_semaphore(%arg22 : memref<!tpu.dma_semaphore, #tpu.memory_space<semaphore_mem>>)
      } else {
      }
      %add3A_136 = arith.constant 1 : i32
      %add3A_137 = arith.addi %mul3A_94, %add3A_136 : i32
      %add3A_138 = arith.constant 1 : i32
      %add3A_139 = arith.addi %add3A_137, %add3A_138 : i32
      %mul3A_140 = arith.constant 80 : i32
      %mul3A_141 = arith.muli %add3A_139, %mul3A_140 : i32
      %add3A_142 = arith.addi %mul3A_2, %mul3A_141 : i32
      %dma_wait3A_143 = tpu.memref_slice %arg5[%add3A_142] : memref<320000xi32, #tpu.memory_space<hbm>> -> memref<80xi32, #tpu.memory_space<hbm>>
      %dma_wait3A_144 = tpu.memref_slice %arg5[%add3A_142] : memref<320000xi32, #tpu.memory_space<hbm>> -> memref<80xi32, #tpu.memory_space<hbm>>
      tpu.wait_dma2 semaphore(%arg22 : memref<!tpu.dma_semaphore, #tpu.memory_space<semaphore_mem>>) src(%dma_wait3A_144 : memref<80xi32, #tpu.memory_space<hbm>>) dst(%arg16 : memref<80xi32, #tpu.memory_space<vmem>>)
      %dma_wait3A_145 = tpu.memref_slice %arg6[%add3A_142] : memref<320000xi32, #tpu.memory_space<hbm>> -> memref<80xi32, #tpu.memory_space<hbm>>
      %dma_wait3A_146 = tpu.memref_slice %arg6[%add3A_142] : memref<320000xi32, #tpu.memory_space<hbm>> -> memref<80xi32, #tpu.memory_space<hbm>>
      tpu.wait_dma2 semaphore(%arg22 : memref<!tpu.dma_semaphore, #tpu.memory_space<semaphore_mem>>) src(%dma_wait3A_146 : memref<80xi32, #tpu.memory_space<hbm>>) dst(%arg18 : memref<80xi32, #tpu.memory_space<vmem>>)
      %mul3A_147 = arith.constant 8 : i32
      %mul3A_148 = arith.muli %mul3A_147, %add3A_142 : i32
      %dma_wait3A_149 = arith.constant 0 : i32
      %dma_wait3A_150 = tpu.memref_slice %arg14[%dma_wait3A_149] : memref<656xf32, #tpu.memory_space<vmem>> -> memref<640xf32, #tpu.memory_space<vmem>>
      %dma_wait3A_151 = tpu.memref_slice %arg4[%mul3A_148] : memref<2560000xf32, #tpu.memory_space<hbm>> -> memref<640xf32, #tpu.memory_space<hbm>>
      %dma_wait3A_152 = arith.constant 0 : i32
      %dma_wait3A_153 = tpu.memref_slice %arg14[%dma_wait3A_152] : memref<656xf32, #tpu.memory_space<vmem>> -> memref<640xf32, #tpu.memory_space<vmem>>
      %dma_wait3A_154 = tpu.memref_slice %arg4[%mul3A_148] : memref<2560000xf32, #tpu.memory_space<hbm>> -> memref<640xf32, #tpu.memory_space<hbm>>
      tpu.wait_dma2 semaphore(%arg22 : memref<!tpu.dma_semaphore, #tpu.memory_space<semaphore_mem>>) src(%dma_wait3A_154 : memref<640xf32, #tpu.memory_space<hbm>>) dst(%dma_wait3A_153 : memref<640xf32, #tpu.memory_space<vmem>>)
      %dma_start3A_155 = arith.constant 0 : i32
      %dma_start3A_156 = arith.constant 0 : i32
      %dma_start3A_157 = tpu.memref_slice %arg2[%dma_start3A_155, %dma_start3A_156] : memref<10000x144xf32, #tpu.memory_space<hbm>> -> memref<10000x144xf32, #tpu.memory_space<hbm>>
      tpu.enqueue_indirect_dma source(%dma_start3A_157 : memref<10000x144xf32, #tpu.memory_space<hbm>>) target(%arg9 : memref<80x144xf32, #tpu.memory_space<vmem>>) offsets(%arg16 : memref<80xi32, #tpu.memory_space<vmem>>) semaphore(%arg24 : memref<!tpu.dma_semaphore, #tpu.memory_space<semaphore_mem>>)
      %dma_start3A_158 = arith.constant 0 : i32
      %dma_start3A_159 = arith.constant 0 : i32
      %dma_start3A_160 = tpu.memref_slice %arg3[%dma_start3A_158, %dma_start3A_159] : memref<10000x16xf32, #tpu.memory_space<hbm>> -> memref<10000x16xf32, #tpu.memory_space<hbm>>
      tpu.enqueue_indirect_dma source(%dma_start3A_160 : memref<10000x16xf32, #tpu.memory_space<hbm>>) target(%arg12 : memref<80x16xf32, #tpu.memory_space<vmem>>) offsets(%arg18 : memref<80xi32, #tpu.memory_space<vmem>>) semaphore(%arg24 : memref<!tpu.dma_semaphore, #tpu.memory_space<semaphore_mem>>)
      %dma_wait3A_161 = arith.constant 0 : i32
      %dma_wait3A_162 = arith.constant 0 : i32
      %dma_wait3A_163 = tpu.memref_slice %arg2[%dma_wait3A_161, %dma_wait3A_162] : memref<10000x144xf32, #tpu.memory_space<hbm>> -> memref<10000x144xf32, #tpu.memory_space<hbm>>
      tpu.wait_indirect_dma semaphore(%arg25 : memref<!tpu.dma_semaphore, #tpu.memory_space<semaphore_mem>>) src(%dma_wait3A_163 : memref<10000x144xf32, #tpu.memory_space<hbm>>) dst(%arg10 : memref<80x144xf32, #tpu.memory_space<vmem>>)
      %dma_wait3A_164 = arith.constant 0 : i32
      %dma_wait3A_165 = arith.constant 0 : i32
      %dma_wait3A_166 = tpu.memref_slice %arg3[%dma_wait3A_164, %dma_wait3A_165] : memref<10000x16xf32, #tpu.memory_space<hbm>> -> memref<10000x16xf32, #tpu.memory_space<hbm>>
      tpu.wait_indirect_dma semaphore(%arg25 : memref<!tpu.dma_semaphore, #tpu.memory_space<semaphore_mem>>) src(%dma_wait3A_166 : memref<10000x16xf32, #tpu.memory_space<hbm>>) dst(%arg13 : memref<80x16xf32, #tpu.memory_space<vmem>>)
      %scan3A_167 = arith.constant 0 : i32
      %scan3A_168 = arith.constant 0 : i32
      %scan3A_169 = arith.constant 80 : i32
      %scan3A_170 = arith.addi %scan3A_168, %scan3A_169 : i32
      %scan3A_171 = arith.constant 1 : i32
      scf.for %scan3A_180 = %scan3A_168 to %scan3A_170 step %scan3A_171  : i32 {
        %get3A_181 = arith.index_cast %scan3A_180 : i32 to index
        %get3A_182 = arith.constant 128 : index
        %get3A_183 = tpu.vector_load %arg10[%get3A_181, %get3A_182] {strides = array<i32>} : memref<80x144xf32, #tpu.memory_space<vmem>>, vector<16xf32>,
        %get3A_184 = arith.index_cast %scan3A_180 : i32 to index
        %get3A_185 = arith.constant 0 : index
        %get3A_186 = tpu.vector_load %arg13[%get3A_184, %get3A_185] {strides = array<i32>} : memref<80x16xf32, #tpu.memory_space<vmem>>, vector<16xf32>,
        %mul3A_187 = arith.constant 8 : i32
        %mul3A_188 = arith.muli %mul3A_187, %scan3A_180 : i32
        %add3A_189 = arith.constant 4 : i32
        %add3A_190 = arith.addi %mul3A_188, %add3A_189 : i32
        %get3A_191 = arith.index_cast %add3A_190 : i32 to index
        %get3A_192 = tpu.vector_load %arg15[%get3A_191] {strides = array<i32>} : memref<656xf32, #tpu.memory_space<vmem>>, vector<16xf32>,
        %add3A_193 = arith.addf %get3A_183, %get3A_186 : vector<16xf32>
        %add3A_194 = arith.addf %add3A_193, %get3A_192 : vector<16xf32>
        %ge3A = arith.constant 0.000000e+00 : f32
        %ge3A_195 = vector.broadcast %ge3A : f32 to vector<16xf32>
        %ge3A_196 = arith.cmpf oge, %add3A_194, %ge3A_195 : vector<16xf32>
        %mul3A_197 = arith.constant 2.000000e-01 : f32
        %mul3A_198 = vector.broadcast %mul3A_197 : f32 to vector<16xf32>
        %mul3A_199 = arith.mulf %mul3A_198, %add3A_194 : vector<16xf32>
        %select_n3A = arith.select %ge3A_196, %add3A_194, %mul3A_199 : vector<16xi1>, vector<16xf32>
        %sub3A = arith.subf %select_n3A, %get3A_26 : vector<16xf32>
        %exp3A = math.exp %sub3A : vector<16xf32>
        %broadcast_in_dim3A = arith.constant 0 : i32
        %broadcast_in_dim3A_200 = vector.broadcast %broadcast_in_dim3A : i32 to vector<16x1xi32>
        %gather3A = vector.shape_cast %broadcast_in_dim3A_200 : vector<16x1xi32> to vector<16xi32>
        %gather3A_201 = tpu.dynamic_gather %exp3A[%gather3A] in [0] : vector<16xf32>, vector<16xi32> -> vector<16xf32>
        %get3A_202 = arith.index_cast %scan3A_180 : i32 to index
        %get3A_203 = arith.constant 0 : index
        %get3A_204 = tpu.vector_load %arg10[%get3A_202, %get3A_203] {strides = array<i32>} : memref<80x144xf32, #tpu.memory_space<vmem>>, vector<16xf32>,
        %mul3A_205 = arith.mulf %get3A_204, %gather3A_201 : vector<16xf32>
        %swap3A = arith.index_cast %scan3A_180 : i32 to index
        %swap3A_206 = arith.constant 0 : index
        %swap3A_207 = tpu.vector_load %arg11[%swap3A, %swap3A_206] {strides = array<i32>} : memref<80x144xf32, #tpu.memory_space<vmem>>, vector<16xf32>,
        tpu.vector_store %arg11[%swap3A, %swap3A_206], %mul3A_205 {strides = array<i32>} : memref<80x144xf32, #tpu.memory_space<vmem>>, vector<16xf32>,
        %get3A_208 = arith.index_cast %scan3A_180 : i32 to index
        %get3A_209 = arith.constant 16 : index
        %get3A_210 = tpu.vector_load %arg10[%get3A_208, %get3A_209] {strides = array<i32>} : memref<80x144xf32, #tpu.memory_space<vmem>>, vector<16xf32>,
        %mul3A_211 = arith.mulf %get3A_210, %gather3A_201 : vector<16xf32>
        %swap3A_212 = arith.index_cast %scan3A_180 : i32 to index
        %swap3A_213 = arith.constant 16 : index
        %swap3A_214 = tpu.vector_load %arg11[%swap3A_212, %swap3A_213] {strides = array<i32>} : memref<80x144xf32, #tpu.memory_space<vmem>>, vector<16xf32>,
        tpu.vector_store %arg11[%swap3A_212, %swap3A_213], %mul3A_211 {strides = array<i32>} : memref<80x144xf32, #tpu.memory_space<vmem>>, vector<16xf32>,
        %broadcast_in_dim3A_215 = arith.constant 1 : i32
        %broadcast_in_dim3A_216 = vector.broadcast %broadcast_in_dim3A_215 : i32 to vector<16x1xi32>
        %gather3A_217 = vector.shape_cast %broadcast_in_dim3A_216 : vector<16x1xi32> to vector<16xi32>
        %gather3A_218 = tpu.dynamic_gather %exp3A[%gather3A_217] in [0] : vector<16xf32>, vector<16xi32> -> vector<16xf32>
        %get3A_219 = arith.index_cast %scan3A_180 : i32 to index
        %get3A_220 = arith.constant 32 : index
        %get3A_221 = tpu.vector_load %arg10[%get3A_219, %get3A_220] {strides = array<i32>} : memref<80x144xf32, #tpu.memory_space<vmem>>, vector<16xf32>,
        %mul3A_222 = arith.mulf %get3A_221, %gather3A_218 : vector<16xf32>
        %swap3A_223 = arith.index_cast %scan3A_180 : i32 to index
        %swap3A_224 = arith.constant 32 : index
        %swap3A_225 = tpu.vector_load %arg11[%swap3A_223, %swap3A_224] {strides = array<i32>} : memref<80x144xf32, #tpu.memory_space<vmem>>, vector<16xf32>,
        tpu.vector_store %arg11[%swap3A_223, %swap3A_224], %mul3A_222 {strides = array<i32>} : memref<80x144xf32, #tpu.memory_space<vmem>>, vector<16xf32>,
        %get3A_226 = arith.index_cast %scan3A_180 : i32 to index
        %get3A_227 = arith.constant 48 : index
        %get3A_228 = tpu.vector_load %arg10[%get3A_226, %get3A_227] {strides = array<i32>} : memref<80x144xf32, #tpu.memory_space<vmem>>, vector<16xf32>,
        %mul3A_229 = arith.mulf %get3A_228, %gather3A_218 : vector<16xf32>
        %swap3A_230 = arith.index_cast %scan3A_180 : i32 to index
        %swap3A_231 = arith.constant 48 : index
        %swap3A_232 = tpu.vector_load %arg11[%swap3A_230, %swap3A_231] {strides = array<i32>} : memref<80x144xf32, #tpu.memory_space<vmem>>, vector<16xf32>,
        tpu.vector_store %arg11[%swap3A_230, %swap3A_231], %mul3A_229 {strides = array<i32>} : memref<80x144xf32, #tpu.memory_space<vmem>>, vector<16xf32>,
        %broadcast_in_dim3A_233 = arith.constant 2 : i32
        %broadcast_in_dim3A_234 = vector.broadcast %broadcast_in_dim3A_233 : i32 to vector<16x1xi32>
        %gather3A_235 = vector.shape_cast %broadcast_in_dim3A_234 : vector<16x1xi32> to vector<16xi32>
        %gather3A_236 = tpu.dynamic_gather %exp3A[%gather3A_235] in [0] : vector<16xf32>, vector<16xi32> -> vector<16xf32>
        %get3A_237 = arith.index_cast %scan3A_180 : i32 to index
        %get3A_238 = arith.constant 64 : index
        %get3A_239 = tpu.vector_load %arg10[%get3A_237, %get3A_238] {strides = array<i32>} : memref<80x144xf32, #tpu.memory_space<vmem>>, vector<16xf32>,
        %mul3A_240 = arith.mulf %get3A_239, %gather3A_236 : vector<16xf32>
        %swap3A_241 = arith.index_cast %scan3A_180 : i32 to index
        %swap3A_242 = arith.constant 64 : index
        %swap3A_243 = tpu.vector_load %arg11[%swap3A_241, %swap3A_242] {strides = array<i32>} : memref<80x144xf32, #tpu.memory_space<vmem>>, vector<16xf32>,
        tpu.vector_store %arg11[%swap3A_241, %swap3A_242], %mul3A_240 {strides = array<i32>} : memref<80x144xf32, #tpu.memory_space<vmem>>, vector<16xf32>,
        %get3A_244 = arith.index_cast %scan3A_180 : i32 to index
        %get3A_245 = arith.constant 80 : index
        %get3A_246 = tpu.vector_load %arg10[%get3A_244, %get3A_245] {strides = array<i32>} : memref<80x144xf32, #tpu.memory_space<vmem>>, vector<16xf32>,
        %mul3A_247 = arith.mulf %get3A_246, %gather3A_236 : vector<16xf32>
        %swap3A_248 = arith.index_cast %scan3A_180 : i32 to index
        %swap3A_249 = arith.constant 80 : index
        %swap3A_250 = tpu.vector_load %arg11[%swap3A_248, %swap3A_249] {strides = array<i32>} : memref<80x144xf32, #tpu.memory_space<vmem>>, vector<16xf32>,
        tpu.vector_store %arg11[%swap3A_248, %swap3A_249], %mul3A_247 {strides = array<i32>} : memref<80x144xf32, #tpu.memory_space<vmem>>, vector<16xf32>,
        %broadcast_in_dim3A_251 = arith.constant 3 : i32
        %broadcast_in_dim3A_252 = vector.broadcast %broadcast_in_dim3A_251 : i32 to vector<16x1xi32>
        %gather3A_253 = vector.shape_cast %broadcast_in_dim3A_252 : vector<16x1xi32> to vector<16xi32>
        %gather3A_254 = tpu.dynamic_gather %exp3A[%gather3A_253] in [0] : vector<16xf32>, vector<16xi32> -> vector<16xf32>
        %get3A_255 = arith.index_cast %scan3A_180 : i32 to index
        %get3A_256 = arith.constant 96 : index
        %get3A_257 = tpu.vector_load %arg10[%get3A_255, %get3A_256] {strides = array<i32>} : memref<80x144xf32, #tpu.memory_space<vmem>>, vector<16xf32>,
        %mul3A_258 = arith.mulf %get3A_257, %gather3A_254 : vector<16xf32>
        %swap3A_259 = arith.index_cast %scan3A_180 : i32 to index
        %swap3A_260 = arith.constant 96 : index
        %swap3A_261 = tpu.vector_load %arg11[%swap3A_259, %swap3A_260] {strides = array<i32>} : memref<80x144xf32, #tpu.memory_space<vmem>>, vector<16xf32>,
        tpu.vector_store %arg11[%swap3A_259, %swap3A_260], %mul3A_258 {strides = array<i32>} : memref<80x144xf32, #tpu.memory_space<vmem>>, vector<16xf32>,
        %get3A_262 = arith.index_cast %scan3A_180 : i32 to index
        %get3A_263 = arith.constant 112 : index
        %get3A_264 = tpu.vector_load %arg10[%get3A_262, %get3A_263] {strides = array<i32>} : memref<80x144xf32, #tpu.memory_space<vmem>>, vector<16xf32>,
        %mul3A_265 = arith.mulf %get3A_264, %gather3A_254 : vector<16xf32>
        %swap3A_266 = arith.index_cast %scan3A_180 : i32 to index
        %swap3A_267 = arith.constant 112 : index
        %swap3A_268 = tpu.vector_load %arg11[%swap3A_266, %swap3A_267] {strides = array<i32>} : memref<80x144xf32, #tpu.memory_space<vmem>>, vector<16xf32>,
        tpu.vector_store %arg11[%swap3A_266, %swap3A_267], %mul3A_265 {strides = array<i32>} : memref<80x144xf32, #tpu.memory_space<vmem>>, vector<16xf32>,
        %swap3A_269 = arith.index_cast %scan3A_180 : i32 to index
        %swap3A_270 = arith.constant 128 : index
        %swap3A_271 = tpu.vector_load %arg11[%swap3A_269, %swap3A_270] {strides = array<i32>} : memref<80x144xf32, #tpu.memory_space<vmem>>, vector<16xf32>,
        tpu.vector_store %arg11[%swap3A_269, %swap3A_270], %exp3A {strides = array<i32>} : memref<80x144xf32, #tpu.memory_space<vmem>>, vector<16xf32>,
      }
      %scan3A_172 = arith.constant 80 : i32
      "tpu.region"() ({
        %run_scoped3A = tpu.sem_alloc : memref<!tpu.dma_semaphore, #tpu.memory_space<semaphore_mem>>
        %dma_start3A_180 = arith.constant 0 : i32
        %dma_start3A_181 = arith.constant 0 : i32
        %dma_start3A_182 = tpu.memref_slice %arg21[%dma_start3A_180, %dma_start3A_181] : memref<10000x144xf32, #tpu.memory_space<vmem_shared>> -> memref<10000x144xf32, #tpu.memory_space<vmem_shared>>
        tpu.enqueue_indirect_dma source(%arg11 : memref<80x144xf32, #tpu.memory_space<vmem>>) target(%dma_start3A_182 : memref<10000x144xf32, #tpu.memory_space<vmem_shared>>) offsets(%arg19 : memref<80xi32, #tpu.memory_space<vmem>>) semaphore(%run_scoped3A : memref<!tpu.dma_semaphore, #tpu.memory_space<semaphore_mem>>) {add = true}
        %dma_wait3A_183 = arith.constant 0 : i32
        %dma_wait3A_184 = arith.constant 0 : i32
        %dma_wait3A_185 = tpu.memref_slice %arg21[%dma_wait3A_183, %dma_wait3A_184] : memref<10000x144xf32, #tpu.memory_space<vmem_shared>> -> memref<10000x144xf32, #tpu.memory_space<vmem_shared>>
        tpu.wait_indirect_dma semaphore(%run_scoped3A : memref<!tpu.dma_semaphore, #tpu.memory_space<semaphore_mem>>) src(%arg11 : memref<80x144xf32, #tpu.memory_space<vmem>>) dst(%dma_wait3A_185 : memref<10000x144xf32, #tpu.memory_space<vmem_shared>>)
        tpu.yield
      }) : () -> ()
      %add3A_173 = arith.constant 2 : i32
      %add3A_174 = arith.addi %add3A_137, %add3A_173 : i32
      %lt3A_175 = arith.constant 125 : i32
      %lt3A_176 = arith.cmpi slt, %add3A_174, %lt3A_175 : i32
      %convert_element_type3A_177 = arith.extui %lt3A_176 : i1 to i32
      %cond3A_178 = arith.constant 0 : i32
      %cond3A_179 = arith.cmpi ne, %convert_element_type3A_177, %cond3A_178 : i32
      scf.if %cond3A_179 {
        %add3A_180 = arith.constant 2 : i32
        %add3A_181 = arith.addi %add3A_137, %add3A_180 : i32
        %mul3A_182 = arith.constant 80 : i32
        %mul3A_183 = arith.muli %add3A_181, %mul3A_182 : i32
        %add3A_184 = arith.addi %mul3A_2, %mul3A_183 : i32
        %dma_start3A_185 = tpu.memref_slice %arg5[%add3A_184] : memref<320000xi32, #tpu.memory_space<hbm>> -> memref<80xi32, #tpu.memory_space<hbm>>
        %dma_start3A_186 = tpu.memref_slice %arg5[%add3A_184] : memref<320000xi32, #tpu.memory_space<hbm>> -> memref<80xi32, #tpu.memory_space<hbm>>
        tpu.enqueue_dma source(%dma_start3A_186 : memref<80xi32, #tpu.memory_space<hbm>>) target(%arg17 : memref<80xi32, #tpu.memory_space<vmem>>) target_semaphore(%arg23 : memref<!tpu.dma_semaphore, #tpu.memory_space<semaphore_mem>>)
        %dma_start3A_187 = tpu.memref_slice %arg6[%add3A_184] : memref<320000xi32, #tpu.memory_space<hbm>> -> memref<80xi32, #tpu.memory_space<hbm>>
        %dma_start3A_188 = tpu.memref_slice %arg6[%add3A_184] : memref<320000xi32, #tpu.memory_space<hbm>> -> memref<80xi32, #tpu.memory_space<hbm>>
        tpu.enqueue_dma source(%dma_start3A_188 : memref<80xi32, #tpu.memory_space<hbm>>) target(%arg19 : memref<80xi32, #tpu.memory_space<vmem>>) target_semaphore(%arg23 : memref<!tpu.dma_semaphore, #tpu.memory_space<semaphore_mem>>)
        %mul3A_189 = arith.constant 8 : i32
        %mul3A_190 = arith.muli %mul3A_189, %add3A_184 : i32
        %dma_start3A_191 = arith.constant 0 : i32
        %dma_start3A_192 = tpu.memref_slice %arg15[%dma_start3A_191] : memref<656xf32, #tpu.memory_space<vmem>> -> memref<640xf32, #tpu.memory_space<vmem>>
        %dma_start3A_193 = tpu.memref_slice %arg4[%mul3A_190] : memref<2560000xf32, #tpu.memory_space<hbm>> -> memref<640xf32, #tpu.memory_space<hbm>>
        %dma_start3A_194 = arith.constant 0 : i32
        %dma_start3A_195 = tpu.memref_slice %arg15[%dma_start3A_194] : memref<656xf32, #tpu.memory_space<vmem>> -> memref<640xf32, #tpu.memory_space<vmem>>
        %dma_start3A_196 = tpu.memref_slice %arg4[%mul3A_190] : memref<2560000xf32, #tpu.memory_space<hbm>> -> memref<640xf32, #tpu.memory_space<hbm>>
        tpu.enqueue_dma source(%dma_start3A_196 : memref<640xf32, #tpu.memory_space<hbm>>) target(%dma_start3A_195 : memref<640xf32, #tpu.memory_space<vmem>>) target_semaphore(%arg23 : memref<!tpu.dma_semaphore, #tpu.memory_space<semaphore_mem>>)
      } else {
      }
    }
    %scan3A_78 = arith.constant 62 : i32
    %dma_wait3A_79 = arith.constant 0 : i32
    %dma_wait3A_80 = arith.constant 0 : i32
    %dma_wait3A_81 = tpu.memref_slice %arg2[%dma_wait3A_79, %dma_wait3A_80] : memref<10000x144xf32, #tpu.memory_space<hbm>> -> memref<10000x144xf32, #tpu.memory_space<hbm>>
    tpu.wait_indirect_dma semaphore(%arg24 : memref<!tpu.dma_semaphore, #tpu.memory_space<semaphore_mem>>) src(%dma_wait3A_81 : memref<10000x144xf32, #tpu.memory_space<hbm>>) dst(%arg9 : memref<80x144xf32, #tpu.memory_space<vmem>>)
    %dma_wait3A_82 = arith.constant 0 : i32
    %dma_wait3A_83 = arith.constant 0 : i32
    %dma_wait3A_84 = tpu.memref_slice %arg3[%dma_wait3A_82, %dma_wait3A_83] : memref<10000x16xf32, #tpu.memory_space<hbm>> -> memref<10000x16xf32, #tpu.memory_space<hbm>>
    tpu.wait_indirect_dma semaphore(%arg24 : memref<!tpu.dma_semaphore, #tpu.memory_space<semaphore_mem>>) src(%dma_wait3A_84 : memref<10000x16xf32, #tpu.memory_space<hbm>>) dst(%arg12 : memref<80x16xf32, #tpu.memory_space<vmem>>)
    %scan3A_85 = arith.constant 0 : i32
    %scan3A_86 = arith.constant 0 : i32
    %scan3A_87 = arith.constant 80 : i32
    %scan3A_88 = arith.addi %scan3A_86, %scan3A_87 : i32
    %scan3A_89 = arith.constant 1 : i32
    scf.for %scan3A_92 = %scan3A_86 to %scan3A_88 step %scan3A_89  : i32 {
      %get3A_93 = arith.index_cast %scan3A_92 : i32 to index
      %get3A_94 = arith.constant 128 : index
      %get3A_95 = tpu.vector_load %arg9[%get3A_93, %get3A_94] {strides = array<i32>} : memref<80x144xf32, #tpu.memory_space<vmem>>, vector<16xf32>,
      %get3A_96 = arith.index_cast %scan3A_92 : i32 to index
      %get3A_97 = arith.constant 0 : index
      %get3A_98 = tpu.vector_load %arg12[%get3A_96, %get3A_97] {strides = array<i32>} : memref<80x16xf32, #tpu.memory_space<vmem>>, vector<16xf32>,
      %mul3A_99 = arith.constant 8 : i32
      %mul3A_100 = arith.muli %mul3A_99, %scan3A_92 : i32
      %add3A_101 = arith.constant 4 : i32
      %add3A_102 = arith.addi %mul3A_100, %add3A_101 : i32
      %get3A_103 = arith.index_cast %add3A_102 : i32 to index
      %get3A_104 = tpu.vector_load %arg14[%get3A_103] {strides = array<i32>} : memref<656xf32, #tpu.memory_space<vmem>>, vector<16xf32>,
      %add3A_105 = arith.addf %get3A_95, %get3A_98 : vector<16xf32>
      %add3A_106 = arith.addf %add3A_105, %get3A_104 : vector<16xf32>
      %ge3A = arith.constant 0.000000e+00 : f32
      %ge3A_107 = vector.broadcast %ge3A : f32 to vector<16xf32>
      %ge3A_108 = arith.cmpf oge, %add3A_106, %ge3A_107 : vector<16xf32>
      %mul3A_109 = arith.constant 2.000000e-01 : f32
      %mul3A_110 = vector.broadcast %mul3A_109 : f32 to vector<16xf32>
      %mul3A_111 = arith.mulf %mul3A_110, %add3A_106 : vector<16xf32>
      %select_n3A = arith.select %ge3A_108, %add3A_106, %mul3A_111 : vector<16xi1>, vector<16xf32>
      %sub3A = arith.subf %select_n3A, %get3A_26 : vector<16xf32>
      %exp3A = math.exp %sub3A : vector<16xf32>
      %broadcast_in_dim3A = arith.constant 0 : i32
      %broadcast_in_dim3A_112 = vector.broadcast %broadcast_in_dim3A : i32 to vector<16x1xi32>
      %gather3A = vector.shape_cast %broadcast_in_dim3A_112 : vector<16x1xi32> to vector<16xi32>
      %gather3A_113 = tpu.dynamic_gather %exp3A[%gather3A] in [0] : vector<16xf32>, vector<16xi32> -> vector<16xf32>
      %get3A_114 = arith.index_cast %scan3A_92 : i32 to index
      %get3A_115 = arith.constant 0 : index
      %get3A_116 = tpu.vector_load %arg9[%get3A_114, %get3A_115] {strides = array<i32>} : memref<80x144xf32, #tpu.memory_space<vmem>>, vector<16xf32>,
      %mul3A_117 = arith.mulf %get3A_116, %gather3A_113 : vector<16xf32>
      %swap3A = arith.index_cast %scan3A_92 : i32 to index
      %swap3A_118 = arith.constant 0 : index
      %swap3A_119 = tpu.vector_load %arg11[%swap3A, %swap3A_118] {strides = array<i32>} : memref<80x144xf32, #tpu.memory_space<vmem>>, vector<16xf32>,
      tpu.vector_store %arg11[%swap3A, %swap3A_118], %mul3A_117 {strides = array<i32>} : memref<80x144xf32, #tpu.memory_space<vmem>>, vector<16xf32>,
      %get3A_120 = arith.index_cast %scan3A_92 : i32 to index
      %get3A_121 = arith.constant 16 : index
      %get3A_122 = tpu.vector_load %arg9[%get3A_120, %get3A_121] {strides = array<i32>} : memref<80x144xf32, #tpu.memory_space<vmem>>, vector<16xf32>,
      %mul3A_123 = arith.mulf %get3A_122, %gather3A_113 : vector<16xf32>
      %swap3A_124 = arith.index_cast %scan3A_92 : i32 to index
      %swap3A_125 = arith.constant 16 : index
      %swap3A_126 = tpu.vector_load %arg11[%swap3A_124, %swap3A_125] {strides = array<i32>} : memref<80x144xf32, #tpu.memory_space<vmem>>, vector<16xf32>,
      tpu.vector_store %arg11[%swap3A_124, %swap3A_125], %mul3A_123 {strides = array<i32>} : memref<80x144xf32, #tpu.memory_space<vmem>>, vector<16xf32>,
      %broadcast_in_dim3A_127 = arith.constant 1 : i32
      %broadcast_in_dim3A_128 = vector.broadcast %broadcast_in_dim3A_127 : i32 to vector<16x1xi32>
      %gather3A_129 = vector.shape_cast %broadcast_in_dim3A_128 : vector<16x1xi32> to vector<16xi32>
      %gather3A_130 = tpu.dynamic_gather %exp3A[%gather3A_129] in [0] : vector<16xf32>, vector<16xi32> -> vector<16xf32>
      %get3A_131 = arith.index_cast %scan3A_92 : i32 to index
      %get3A_132 = arith.constant 32 : index
      %get3A_133 = tpu.vector_load %arg9[%get3A_131, %get3A_132] {strides = array<i32>} : memref<80x144xf32, #tpu.memory_space<vmem>>, vector<16xf32>,
      %mul3A_134 = arith.mulf %get3A_133, %gather3A_130 : vector<16xf32>
      %swap3A_135 = arith.index_cast %scan3A_92 : i32 to index
      %swap3A_136 = arith.constant 32 : index
      %swap3A_137 = tpu.vector_load %arg11[%swap3A_135, %swap3A_136] {strides = array<i32>} : memref<80x144xf32, #tpu.memory_space<vmem>>, vector<16xf32>,
      tpu.vector_store %arg11[%swap3A_135, %swap3A_136], %mul3A_134 {strides = array<i32>} : memref<80x144xf32, #tpu.memory_space<vmem>>, vector<16xf32>,
      %get3A_138 = arith.index_cast %scan3A_92 : i32 to index
      %get3A_139 = arith.constant 48 : index
      %get3A_140 = tpu.vector_load %arg9[%get3A_138, %get3A_139] {strides = array<i32>} : memref<80x144xf32, #tpu.memory_space<vmem>>, vector<16xf32>,
      %mul3A_141 = arith.mulf %get3A_140, %gather3A_130 : vector<16xf32>
      %swap3A_142 = arith.index_cast %scan3A_92 : i32 to index
      %swap3A_143 = arith.constant 48 : index
      %swap3A_144 = tpu.vector_load %arg11[%swap3A_142, %swap3A_143] {strides = array<i32>} : memref<80x144xf32, #tpu.memory_space<vmem>>, vector<16xf32>,
      tpu.vector_store %arg11[%swap3A_142, %swap3A_143], %mul3A_141 {strides = array<i32>} : memref<80x144xf32, #tpu.memory_space<vmem>>, vector<16xf32>,
      %broadcast_in_dim3A_145 = arith.constant 2 : i32
      %broadcast_in_dim3A_146 = vector.broadcast %broadcast_in_dim3A_145 : i32 to vector<16x1xi32>
      %gather3A_147 = vector.shape_cast %broadcast_in_dim3A_146 : vector<16x1xi32> to vector<16xi32>
      %gather3A_148 = tpu.dynamic_gather %exp3A[%gather3A_147] in [0] : vector<16xf32>, vector<16xi32> -> vector<16xf32>
      %get3A_149 = arith.index_cast %scan3A_92 : i32 to index
      %get3A_150 = arith.constant 64 : index
      %get3A_151 = tpu.vector_load %arg9[%get3A_149, %get3A_150] {strides = array<i32>} : memref<80x144xf32, #tpu.memory_space<vmem>>, vector<16xf32>,
      %mul3A_152 = arith.mulf %get3A_151, %gather3A_148 : vector<16xf32>
      %swap3A_153 = arith.index_cast %scan3A_92 : i32 to index
      %swap3A_154 = arith.constant 64 : index
      %swap3A_155 = tpu.vector_load %arg11[%swap3A_153, %swap3A_154] {strides = array<i32>} : memref<80x144xf32, #tpu.memory_space<vmem>>, vector<16xf32>,
      tpu.vector_store %arg11[%swap3A_153, %swap3A_154], %mul3A_152 {strides = array<i32>} : memref<80x144xf32, #tpu.memory_space<vmem>>, vector<16xf32>,
      %get3A_156 = arith.index_cast %scan3A_92 : i32 to index
      %get3A_157 = arith.constant 80 : index
      %get3A_158 = tpu.vector_load %arg9[%get3A_156, %get3A_157] {strides = array<i32>} : memref<80x144xf32, #tpu.memory_space<vmem>>, vector<16xf32>,
      %mul3A_159 = arith.mulf %get3A_158, %gather3A_148 : vector<16xf32>
      %swap3A_160 = arith.index_cast %scan3A_92 : i32 to index
      %swap3A_161 = arith.constant 80 : index
      %swap3A_162 = tpu.vector_load %arg11[%swap3A_160, %swap3A_161] {strides = array<i32>} : memref<80x144xf32, #tpu.memory_space<vmem>>, vector<16xf32>,
      tpu.vector_store %arg11[%swap3A_160, %swap3A_161], %mul3A_159 {strides = array<i32>} : memref<80x144xf32, #tpu.memory_space<vmem>>, vector<16xf32>,
      %broadcast_in_dim3A_163 = arith.constant 3 : i32
      %broadcast_in_dim3A_164 = vector.broadcast %broadcast_in_dim3A_163 : i32 to vector<16x1xi32>
      %gather3A_165 = vector.shape_cast %broadcast_in_dim3A_164 : vector<16x1xi32> to vector<16xi32>
      %gather3A_166 = tpu.dynamic_gather %exp3A[%gather3A_165] in [0] : vector<16xf32>, vector<16xi32> -> vector<16xf32>
      %get3A_167 = arith.index_cast %scan3A_92 : i32 to index
      %get3A_168 = arith.constant 96 : index
      %get3A_169 = tpu.vector_load %arg9[%get3A_167, %get3A_168] {strides = array<i32>} : memref<80x144xf32, #tpu.memory_space<vmem>>, vector<16xf32>,
      %mul3A_170 = arith.mulf %get3A_169, %gather3A_166 : vector<16xf32>
      %swap3A_171 = arith.index_cast %scan3A_92 : i32 to index
      %swap3A_172 = arith.constant 96 : index
      %swap3A_173 = tpu.vector_load %arg11[%swap3A_171, %swap3A_172] {strides = array<i32>} : memref<80x144xf32, #tpu.memory_space<vmem>>, vector<16xf32>,
      tpu.vector_store %arg11[%swap3A_171, %swap3A_172], %mul3A_170 {strides = array<i32>} : memref<80x144xf32, #tpu.memory_space<vmem>>, vector<16xf32>,
      %get3A_174 = arith.index_cast %scan3A_92 : i32 to index
      %get3A_175 = arith.constant 112 : index
      %get3A_176 = tpu.vector_load %arg9[%get3A_174, %get3A_175] {strides = array<i32>} : memref<80x144xf32, #tpu.memory_space<vmem>>, vector<16xf32>,
      %mul3A_177 = arith.mulf %get3A_176, %gather3A_166 : vector<16xf32>
      %swap3A_178 = arith.index_cast %scan3A_92 : i32 to index
      %swap3A_179 = arith.constant 112 : index
      %swap3A_180 = tpu.vector_load %arg11[%swap3A_178, %swap3A_179] {strides = array<i32>} : memref<80x144xf32, #tpu.memory_space<vmem>>, vector<16xf32>,
      tpu.vector_store %arg11[%swap3A_178, %swap3A_179], %mul3A_177 {strides = array<i32>} : memref<80x144xf32, #tpu.memory_space<vmem>>, vector<16xf32>,
      %swap3A_181 = arith.index_cast %scan3A_92 : i32 to index
      %swap3A_182 = arith.constant 128 : index
      %swap3A_183 = tpu.vector_load %arg11[%swap3A_181, %swap3A_182] {strides = array<i32>} : memref<80x144xf32, #tpu.memory_space<vmem>>, vector<16xf32>,
      tpu.vector_store %arg11[%swap3A_181, %swap3A_182], %exp3A {strides = array<i32>} : memref<80x144xf32, #tpu.memory_space<vmem>>, vector<16xf32>,
    }
    %scan3A_90 = arith.constant 80 : i32
    "tpu.region"() ({
      %run_scoped3A = tpu.sem_alloc : memref<!tpu.dma_semaphore, #tpu.memory_space<semaphore_mem>>
      %dma_start3A_92 = arith.constant 0 : i32
      %dma_start3A_93 = arith.constant 0 : i32
      %dma_start3A_94 = tpu.memref_slice %arg21[%dma_start3A_92, %dma_start3A_93] : memref<10000x144xf32, #tpu.memory_space<vmem_shared>> -> memref<10000x144xf32, #tpu.memory_space<vmem_shared>>
      tpu.enqueue_indirect_dma source(%arg11 : memref<80x144xf32, #tpu.memory_space<vmem>>) target(%dma_start3A_94 : memref<10000x144xf32, #tpu.memory_space<vmem_shared>>) offsets(%arg18 : memref<80xi32, #tpu.memory_space<vmem>>) semaphore(%run_scoped3A : memref<!tpu.dma_semaphore, #tpu.memory_space<semaphore_mem>>) {add = true}
      %dma_wait3A_95 = arith.constant 0 : i32
      %dma_wait3A_96 = arith.constant 0 : i32
      %dma_wait3A_97 = tpu.memref_slice %arg21[%dma_wait3A_95, %dma_wait3A_96] : memref<10000x144xf32, #tpu.memory_space<vmem_shared>> -> memref<10000x144xf32, #tpu.memory_space<vmem_shared>>
      tpu.wait_indirect_dma semaphore(%run_scoped3A : memref<!tpu.dma_semaphore, #tpu.memory_space<semaphore_mem>>) src(%arg11 : memref<80x144xf32, #tpu.memory_space<vmem>>) dst(%dma_wait3A_97 : memref<10000x144xf32, #tpu.memory_space<vmem_shared>>)
      tpu.yield
    }) : () -> ()
    %barrier3A_91 = arith.constant 0 : index
    tpu.barrier barrier_id(%barrier3A_91)
    "tpu.region"() ({
      %run_scoped3A = tpu.sem_alloc : memref<!tpu.dma_semaphore, #tpu.memory_space<semaphore_mem>>
      %dma_start3A_92 = arith.constant 0 : i32
      %dma_start3A_93 = tpu.memref_slice %arg8[%arg0, %mul3A_9, %dma_start3A_92] : memref<2x10000x144xf32, #tpu.memory_space<hbm>> -> memref<1x640x144xf32, #tpu.memory_space<hbm>>
      %dma_start3A_94 = tpu.memref_squeeze %dma_start3A_93 : memref<1x640x144xf32, #tpu.memory_space<hbm>> -> memref<640x144xf32, #tpu.memory_space<hbm>>
      %dma_start3A_95 = arith.constant 0 : i32
      %dma_start3A_96 = tpu.memref_slice %arg21[%mul3A_9, %dma_start3A_95] : memref<10000x144xf32, #tpu.memory_space<vmem_shared>> -> memref<640x144xf32, #tpu.memory_space<vmem_shared>>
      tpu.enqueue_dma source(%dma_start3A_96 : memref<640x144xf32, #tpu.memory_space<vmem_shared>>) target(%dma_start3A_94 : memref<640x144xf32, #tpu.memory_space<hbm>>) target_semaphore(%run_scoped3A : memref<!tpu.dma_semaphore, #tpu.memory_space<semaphore_mem>>)
      %dma_wait3A_97 = arith.constant 0 : i32
      %dma_wait3A_98 = tpu.memref_slice %arg8[%arg0, %mul3A_9, %dma_wait3A_97] : memref<2x10000x144xf32, #tpu.memory_space<hbm>> -> memref<1x640x144xf32, #tpu.memory_space<hbm>>
      %dma_wait3A_99 = tpu.memref_squeeze %dma_wait3A_98 : memref<1x640x144xf32, #tpu.memory_space<hbm>> -> memref<640x144xf32, #tpu.memory_space<hbm>>
      %dma_wait3A_100 = arith.constant 0 : i32
      %dma_wait3A_101 = tpu.memref_slice %arg21[%mul3A_9, %dma_wait3A_100] : memref<10000x144xf32, #tpu.memory_space<vmem_shared>> -> memref<640x144xf32, #tpu.memory_space<vmem_shared>>
      tpu.wait_dma2 semaphore(%run_scoped3A : memref<!tpu.dma_semaphore, #tpu.memory_space<semaphore_mem>>) src(%dma_wait3A_101 : memref<640x144xf32, #tpu.memory_space<vmem_shared>>) dst(%dma_wait3A_99 : memref<640x144xf32, #tpu.memory_space<hbm>>)
      tpu.yield
    }) : () -> ()
    return
  }
}

#map = affine_map<(d0, d1) -> (0, 0)>
#map1 = affine_map<(d0, d1) -> (0)>
#map2 = affine_map<(d0, d1) -> (0, 0, 0)>
module attributes {stable_mosaic.version = 14 : i64} {
  func.func @_sc_layer_body(%arg0: i32, %arg1: i32, %arg2: memref<10000x144xf32, #tpu.memory_space<hbm>>, %arg3: memref<10000x16xf32, #tpu.memory_space<hbm>>, %arg4: memref<2560000xf32, #tpu.memory_space<hbm>>, %arg5: memref<320000xi32, #tpu.memory_space<hbm>>, %arg6: memref<320000xi32, #tpu.memory_space<hbm>>, %arg7: memref<16xf32, #tpu.memory_space<hbm>>, %arg8: memref<2x10000x144xf32, #tpu.memory_space<hbm>>, %arg9: memref<80x144xf32, #tpu.memory_space<vmem>>, %arg10: memref<80x144xf32, #tpu.memory_space<vmem>>, %arg11: memref<80x144xf32, #tpu.memory_space<vmem>>, %arg12: memref<80x16xf32, #tpu.memory_space<vmem>>, %arg13: memref<80x16xf32, #tpu.memory_space<vmem>>, %arg14: memref<656xf32, #tpu.memory_space<vmem>>, %arg15: memref<656xf32, #tpu.memory_space<vmem>>, %arg16: memref<80xi32, #tpu.memory_space<vmem>>, %arg17: memref<80xi32, #tpu.memory_space<vmem>>, %arg18: memref<80xi32, #tpu.memory_space<vmem>>, %arg19: memref<80xi32, #tpu.memory_space<vmem>>, %arg20: memref<16xf32, #tpu.memory_space<vmem>>, %arg21: memref<10000x144xf32, #tpu.memory_space<vmem_shared>>, %arg22: memref<!tpu.dma_semaphore, #tpu.memory_space<semaphore_mem>>, %arg23: memref<!tpu.dma_semaphore, #tpu.memory_space<semaphore_mem>>, %arg24: memref<!tpu.dma_semaphore, #tpu.memory_space<semaphore_mem>>, %arg25: memref<!tpu.dma_semaphore, #tpu.memory_space<semaphore_mem>>) attributes {dimension_semantics = [#tpu.dimension_semantics<core_parallel>, #tpu.dimension_semantics<subcore_parallel>], iteration_bounds = array<i64: 2, 16>, scalar_prefetch = 0 : i64, scratch_operands = 17 : i64, tpu.core_type = #tpu.core_type<sc_vector_subcore>, window_params = [{transform_indices = #map}, {transform_indices = #map}, {transform_indices = #map1}, {transform_indices = #map1}, {transform_indices = #map1}, {transform_indices = #map1}, {transform_indices = #map2}]} {
    %mul3A = arith.constant 16 : i32
    %mul3A_0 = arith.muli %arg0, %mul3A : i32
    %add3A = arith.addi %mul3A_0, %arg1 : i32
    %mul3A_1 = arith.constant 10000 : i32
    %mul3A_2 = arith.muli %add3A, %mul3A_1 : i32
    "tpu.region"() ({
      %run_scoped3A = tpu.sem_alloc : memref<!tpu.dma_semaphore, #tpu.memory_space<semaphore_mem>>
      tpu.enqueue_dma source(%arg7 : memref<16xf32, #tpu.memory_space<hbm>>) target(%arg20 : memref<16xf32, #tpu.memory_space<vmem>>) target_semaphore(%run_scoped3A : memref<!tpu.dma_semaphore, #tpu.memory_space<semaphore_mem>>)
      tpu.wait_dma2 semaphore(%run_scoped3A : memref<!tpu.dma_semaphore, #tpu.memory_space<semaphore_mem>>) src(%arg7 : memref<16xf32, #tpu.memory_space<hbm>>) dst(%arg20 : memref<16xf32, #tpu.memory_space<vmem>>)
      tpu.yield
    }) : () -> ()
    %scan3A = arith.constant 0 : i32
    %scan3A_3 = arith.constant 0 : i32
    %scan3A_4 = arith.constant 80 : i32
    %scan3A_5 = arith.addi %scan3A_3, %scan3A_4 : i32
    %scan3A_6 = arith.constant 1 : i32
    scf.for %scan3A_92 = %scan3A_3 to %scan3A_5 step %scan3A_6  : i32 {
      %broadcast_in_dim3A = arith.constant 0.000000e+00 : f32
      %broadcast_in_dim3A_93 = vector.broadcast %broadcast_in_dim3A : f32 to vector<16xf32>
      %swap3A = arith.index_cast %scan3A_92 : i32 to index
      %swap3A_94 = arith.constant 0 : index
      %swap3A_95 = tpu.vector_load %arg11[%swap3A, %swap3A_94] {strides = array<i32>} : memref<80x144xf32, #tpu.memory_space<vmem>>, vector<16xf32>,
      tpu.vector_store %arg11[%swap3A, %swap3A_94], %broadcast_in_dim3A_93 {strides = array<i32>} : memref<80x144xf32, #tpu.memory_space<vmem>>, vector<16xf32>,
      %broadcast_in_dim3A_96 = arith.constant 0.000000e+00 : f32
      %broadcast_in_dim3A_97 = vector.broadcast %broadcast_in_dim3A_96 : f32 to vector<16xf32>
      %swap3A_98 = arith.index_cast %scan3A_92 : i32 to index
      %swap3A_99 = arith.constant 16 : index
      %swap3A_100 = tpu.vector_load %arg11[%swap3A_98, %swap3A_99] {strides = array<i32>} : memref<80x144xf32, #tpu.memory_space<vmem>>, vector<16xf32>,
      tpu.vector_store %arg11[%swap3A_98, %swap3A_99], %broadcast_in_dim3A_97 {strides = array<i32>} : memref<80x144xf32, #tpu.memory_space<vmem>>, vector<16xf32>,
      %broadcast_in_dim3A_101 = arith.constant 0.000000e+00 : f32
      %broadcast_in_dim3A_102 = vector.broadcast %broadcast_in_dim3A_101 : f32 to vector<16xf32>
      %swap3A_103 = arith.index_cast %scan3A_92 : i32 to index
      %swap3A_104 = arith.constant 32 : index
      %swap3A_105 = tpu.vector_load %arg11[%swap3A_103, %swap3A_104] {strides = array<i32>} : memref<80x144xf32, #tpu.memory_space<vmem>>, vector<16xf32>,
      tpu.vector_store %arg11[%swap3A_103, %swap3A_104], %broadcast_in_dim3A_102 {strides = array<i32>} : memref<80x144xf32, #tpu.memory_space<vmem>>, vector<16xf32>,
      %broadcast_in_dim3A_106 = arith.constant 0.000000e+00 : f32
      %broadcast_in_dim3A_107 = vector.broadcast %broadcast_in_dim3A_106 : f32 to vector<16xf32>
      %swap3A_108 = arith.index_cast %scan3A_92 : i32 to index
      %swap3A_109 = arith.constant 48 : index
      %swap3A_110 = tpu.vector_load %arg11[%swap3A_108, %swap3A_109] {strides = array<i32>} : memref<80x144xf32, #tpu.memory_space<vmem>>, vector<16xf32>,
      tpu.vector_store %arg11[%swap3A_108, %swap3A_109], %broadcast_in_dim3A_107 {strides = array<i32>} : memref<80x144xf32, #tpu.memory_space<vmem>>, vector<16xf32>,
      %broadcast_in_dim3A_111 = arith.constant 0.000000e+00 : f32
      %broadcast_in_dim3A_112 = vector.broadcast %broadcast_in_dim3A_111 : f32 to vector<16xf32>
      %swap3A_113 = arith.index_cast %scan3A_92 : i32 to index
      %swap3A_114 = arith.constant 64 : index
      %swap3A_115 = tpu.vector_load %arg11[%swap3A_113, %swap3A_114] {strides = array<i32>} : memref<80x144xf32, #tpu.memory_space<vmem>>, vector<16xf32>,
      tpu.vector_store %arg11[%swap3A_113, %swap3A_114], %broadcast_in_dim3A_112 {strides = array<i32>} : memref<80x144xf32, #tpu.memory_space<vmem>>, vector<16xf32>,
      %broadcast_in_dim3A_116 = arith.constant 0.000000e+00 : f32
      %broadcast_in_dim3A_117 = vector.broadcast %broadcast_in_dim3A_116 : f32 to vector<16xf32>
      %swap3A_118 = arith.index_cast %scan3A_92 : i32 to index
      %swap3A_119 = arith.constant 80 : index
      %swap3A_120 = tpu.vector_load %arg11[%swap3A_118, %swap3A_119] {strides = array<i32>} : memref<80x144xf32, #tpu.memory_space<vmem>>, vector<16xf32>,
      tpu.vector_store %arg11[%swap3A_118, %swap3A_119], %broadcast_in_dim3A_117 {strides = array<i32>} : memref<80x144xf32, #tpu.memory_space<vmem>>, vector<16xf32>,
      %broadcast_in_dim3A_121 = arith.constant 0.000000e+00 : f32
      %broadcast_in_dim3A_122 = vector.broadcast %broadcast_in_dim3A_121 : f32 to vector<16xf32>
      %swap3A_123 = arith.index_cast %scan3A_92 : i32 to index
      %swap3A_124 = arith.constant 96 : index
      %swap3A_125 = tpu.vector_load %arg11[%swap3A_123, %swap3A_124] {strides = array<i32>} : memref<80x144xf32, #tpu.memory_space<vmem>>, vector<16xf32>,
      tpu.vector_store %arg11[%swap3A_123, %swap3A_124], %broadcast_in_dim3A_122 {strides = array<i32>} : memref<80x144xf32, #tpu.memory_space<vmem>>, vector<16xf32>,
      %broadcast_in_dim3A_126 = arith.constant 0.000000e+00 : f32
      %broadcast_in_dim3A_127 = vector.broadcast %broadcast_in_dim3A_126 : f32 to vector<16xf32>
      %swap3A_128 = arith.index_cast %scan3A_92 : i32 to index
      %swap3A_129 = arith.constant 112 : index
      %swap3A_130 = tpu.vector_load %arg11[%swap3A_128, %swap3A_129] {strides = array<i32>} : memref<80x144xf32, #tpu.memory_space<vmem>>, vector<16xf32>,
      tpu.vector_store %arg11[%swap3A_128, %swap3A_129], %broadcast_in_dim3A_127 {strides = array<i32>} : memref<80x144xf32, #tpu.memory_space<vmem>>, vector<16xf32>,
      %broadcast_in_dim3A_131 = arith.constant 0.000000e+00 : f32
      %broadcast_in_dim3A_132 = vector.broadcast %broadcast_in_dim3A_131 : f32 to vector<16xf32>
      %swap3A_133 = arith.index_cast %scan3A_92 : i32 to index
      %swap3A_134 = arith.constant 128 : index
      %swap3A_135 = tpu.vector_load %arg11[%swap3A_133, %swap3A_134] {strides = array<i32>} : memref<80x144xf32, #tpu.memory_space<vmem>>, vector<16xf32>,
      tpu.vector_store %arg11[%swap3A_133, %swap3A_134], %broadcast_in_dim3A_132 {strides = array<i32>} : memref<80x144xf32, #tpu.memory_space<vmem>>, vector<16xf32>,
    }
    %scan3A_7 = arith.constant 80 : i32
    %mul3A_8 = arith.constant 624 : i32
    %mul3A_9 = arith.muli %arg1, %mul3A_8 : i32
    %add3A_10 = arith.constant 0 : i32
    %add3A_11 = arith.addi %mul3A_9, %add3A_10 : i32
    "tpu.region"() ({
      %run_scoped3A = tpu.sem_alloc : memref<!tpu.dma_semaphore, #tpu.memory_space<semaphore_mem>>
      %dma_start3A_92 = arith.constant 0 : i32
      %dma_start3A_93 = arith.constant 0 : i32
      %dma_start3A_94 = tpu.memref_slice %arg11[%dma_start3A_92, %dma_start3A_93] : memref<80x144xf32, #tpu.memory_space<vmem>> -> memref<80x144xf32, #tpu.memory_space<vmem>>
      %dma_start3A_95 = arith.constant 0 : i32
      %dma_start3A_96 = tpu.memref_slice %arg21[%add3A_11, %dma_start3A_95] : memref<10000x144xf32, #tpu.memory_space<vmem_shared>> -> memref<80x144xf32, #tpu.memory_space<vmem_shared>>
      %dma_start3A_97 = arith.constant 0 : i32
      %dma_start3A_98 = tpu.memref_slice %arg21[%add3A_11, %dma_start3A_97] : memref<10000x144xf32, #tpu.memory_space<vmem_shared>> -> memref<80x144xf32, #tpu.memory_space<vmem_shared>>
      %dma_start3A_99 = arith.constant 0 : i32
      %dma_start3A_100 = arith.constant 0 : i32
      %dma_start3A_101 = tpu.memref_slice %arg11[%dma_start3A_99, %dma_start3A_100] : memref<80x144xf32, #tpu.memory_space<vmem>> -> memref<80x144xf32, #tpu.memory_space<vmem>>
      tpu.enqueue_dma source(%dma_start3A_101 : memref<80x144xf32, #tpu.memory_space<vmem>>) target(%dma_start3A_98 : memref<80x144xf32, #tpu.memory_space<vmem_shared>>) target_semaphore(%run_scoped3A : memref<!tpu.dma_semaphore, #tpu.memory_space<semaphore_mem>>)
      %dma_wait3A_102 = arith.constant 0 : i32
      %dma_wait3A_103 = arith.constant 0 : i32
      %dma_wait3A_104 = tpu.memref_slice %arg11[%dma_wait3A_102, %dma_wait3A_103] : memref<80x144xf32, #tpu.memory_space<vmem>> -> memref<80x144xf32, #tpu.memory_space<vmem>>
      %dma_wait3A_105 = arith.constant 0 : i32
      %dma_wait3A_106 = tpu.memref_slice %arg21[%add3A_11, %dma_wait3A_105] : memref<10000x144xf32, #tpu.memory_space<vmem_shared>> -> memref<80x144xf32, #tpu.memory_space<vmem_shared>>
      %dma_wait3A_107 = arith.constant 0 : i32
      %dma_wait3A_108 = tpu.memref_slice %arg21[%add3A_11, %dma_wait3A_107] : memref<10000x144xf32, #tpu.memory_space<vmem_shared>> -> memref<80x144xf32, #tpu.memory_space<vmem_shared>>
      %dma_wait3A_109 = arith.constant 0 : i32
      %dma_wait3A_110 = arith.constant 0 : i32
      %dma_wait3A_111 = tpu.memref_slice %arg11[%dma_wait3A_109, %dma_wait3A_110] : memref<80x144xf32, #tpu.memory_space<vmem>> -> memref<80x144xf32, #tpu.memory_space<vmem>>
      tpu.wait_dma2 semaphore(%run_scoped3A : memref<!tpu.dma_semaphore, #tpu.memory_space<semaphore_mem>>) src(%dma_wait3A_111 : memref<80x144xf32, #tpu.memory_space<vmem>>) dst(%dma_wait3A_108 : memref<80x144xf32, #tpu.memory_space<vmem_shared>>)
      tpu.yield
    }) : () -> ()
    %add3A_12 = arith.constant 80 : i32
    %add3A_13 = arith.addi %mul3A_9, %add3A_12 : i32
    "tpu.region"() ({
      %run_scoped3A = tpu.sem_alloc : memref<!tpu.dma_semaphore, #tpu.memory_space<semaphore_mem>>
      %dma_start3A_92 = arith.constant 0 : i32
      %dma_start3A_93 = arith.constant 0 : i32
      %dma_start3A_94 = tpu.memref_slice %arg11[%dma_start3A_92, %dma_start3A_93] : memref<80x144xf32, #tpu.memory_space<vmem>> -> memref<80x144xf32, #tpu.memory_space<vmem>>
      %dma_start3A_95 = arith.constant 0 : i32
      %dma_start3A_96 = tpu.memref_slice %arg21[%add3A_13, %dma_start3A_95] : memref<10000x144xf32, #tpu.memory_space<vmem_shared>> -> memref<80x144xf32, #tpu.memory_space<vmem_shared>>
      %dma_start3A_97 = arith.constant 0 : i32
      %dma_start3A_98 = tpu.memref_slice %arg21[%add3A_13, %dma_start3A_97] : memref<10000x144xf32, #tpu.memory_space<vmem_shared>> -> memref<80x144xf32, #tpu.memory_space<vmem_shared>>
      %dma_start3A_99 = arith.constant 0 : i32
      %dma_start3A_100 = arith.constant 0 : i32
      %dma_start3A_101 = tpu.memref_slice %arg11[%dma_start3A_99, %dma_start3A_100] : memref<80x144xf32, #tpu.memory_space<vmem>> -> memref<80x144xf32, #tpu.memory_space<vmem>>
      tpu.enqueue_dma source(%dma_start3A_101 : memref<80x144xf32, #tpu.memory_space<vmem>>) target(%dma_start3A_98 : memref<80x144xf32, #tpu.memory_space<vmem_shared>>) target_semaphore(%run_scoped3A : memref<!tpu.dma_semaphore, #tpu.memory_space<semaphore_mem>>)
      %dma_wait3A_102 = arith.constant 0 : i32
      %dma_wait3A_103 = arith.constant 0 : i32
      %dma_wait3A_104 = tpu.memref_slice %arg11[%dma_wait3A_102, %dma_wait3A_103] : memref<80x144xf32, #tpu.memory_space<vmem>> -> memref<80x144xf32, #tpu.memory_space<vmem>>
      %dma_wait3A_105 = arith.constant 0 : i32
      %dma_wait3A_106 = tpu.memref_slice %arg21[%add3A_13, %dma_wait3A_105] : memref<10000x144xf32, #tpu.memory_space<vmem_shared>> -> memref<80x144xf32, #tpu.memory_space<vmem_shared>>
      %dma_wait3A_107 = arith.constant 0 : i32
      %dma_wait3A_108 = tpu.memref_slice %arg21[%add3A_13, %dma_wait3A_107] : memref<10000x144xf32, #tpu.memory_space<vmem_shared>> -> memref<80x144xf32, #tpu.memory_space<vmem_shared>>
      %dma_wait3A_109 = arith.constant 0 : i32
      %dma_wait3A_110 = arith.constant 0 : i32
      %dma_wait3A_111 = tpu.memref_slice %arg11[%dma_wait3A_109, %dma_wait3A_110] : memref<80x144xf32, #tpu.memory_space<vmem>> -> memref<80x144xf32, #tpu.memory_space<vmem>>
      tpu.wait_dma2 semaphore(%run_scoped3A : memref<!tpu.dma_semaphore, #tpu.memory_space<semaphore_mem>>) src(%dma_wait3A_111 : memref<80x144xf32, #tpu.memory_space<vmem>>) dst(%dma_wait3A_108 : memref<80x144xf32, #tpu.memory_space<vmem_shared>>)
      tpu.yield
    }) : () -> ()
    %add3A_14 = arith.constant 160 : i32
    %add3A_15 = arith.addi %mul3A_9, %add3A_14 : i32
    "tpu.region"() ({
      %run_scoped3A = tpu.sem_alloc : memref<!tpu.dma_semaphore, #tpu.memory_space<semaphore_mem>>
      %dma_start3A_92 = arith.constant 0 : i32
      %dma_start3A_93 = arith.constant 0 : i32
      %dma_start3A_94 = tpu.memref_slice %arg11[%dma_start3A_92, %dma_start3A_93] : memref<80x144xf32, #tpu.memory_space<vmem>> -> memref<80x144xf32, #tpu.memory_space<vmem>>
      %dma_start3A_95 = arith.constant 0 : i32
      %dma_start3A_96 = tpu.memref_slice %arg21[%add3A_15, %dma_start3A_95] : memref<10000x144xf32, #tpu.memory_space<vmem_shared>> -> memref<80x144xf32, #tpu.memory_space<vmem_shared>>
      %dma_start3A_97 = arith.constant 0 : i32
      %dma_start3A_98 = tpu.memref_slice %arg21[%add3A_15, %dma_start3A_97] : memref<10000x144xf32, #tpu.memory_space<vmem_shared>> -> memref<80x144xf32, #tpu.memory_space<vmem_shared>>
      %dma_start3A_99 = arith.constant 0 : i32
      %dma_start3A_100 = arith.constant 0 : i32
      %dma_start3A_101 = tpu.memref_slice %arg11[%dma_start3A_99, %dma_start3A_100] : memref<80x144xf32, #tpu.memory_space<vmem>> -> memref<80x144xf32, #tpu.memory_space<vmem>>
      tpu.enqueue_dma source(%dma_start3A_101 : memref<80x144xf32, #tpu.memory_space<vmem>>) target(%dma_start3A_98 : memref<80x144xf32, #tpu.memory_space<vmem_shared>>) target_semaphore(%run_scoped3A : memref<!tpu.dma_semaphore, #tpu.memory_space<semaphore_mem>>)
      %dma_wait3A_102 = arith.constant 0 : i32
      %dma_wait3A_103 = arith.constant 0 : i32
      %dma_wait3A_104 = tpu.memref_slice %arg11[%dma_wait3A_102, %dma_wait3A_103] : memref<80x144xf32, #tpu.memory_space<vmem>> -> memref<80x144xf32, #tpu.memory_space<vmem>>
      %dma_wait3A_105 = arith.constant 0 : i32
      %dma_wait3A_106 = tpu.memref_slice %arg21[%add3A_15, %dma_wait3A_105] : memref<10000x144xf32, #tpu.memory_space<vmem_shared>> -> memref<80x144xf32, #tpu.memory_space<vmem_shared>>
      %dma_wait3A_107 = arith.constant 0 : i32
      %dma_wait3A_108 = tpu.memref_slice %arg21[%add3A_15, %dma_wait3A_107] : memref<10000x144xf32, #tpu.memory_space<vmem_shared>> -> memref<80x144xf32, #tpu.memory_space<vmem_shared>>
      %dma_wait3A_109 = arith.constant 0 : i32
      %dma_wait3A_110 = arith.constant 0 : i32
      %dma_wait3A_111 = tpu.memref_slice %arg11[%dma_wait3A_109, %dma_wait3A_110] : memref<80x144xf32, #tpu.memory_space<vmem>> -> memref<80x144xf32, #tpu.memory_space<vmem>>
      tpu.wait_dma2 semaphore(%run_scoped3A : memref<!tpu.dma_semaphore, #tpu.memory_space<semaphore_mem>>) src(%dma_wait3A_111 : memref<80x144xf32, #tpu.memory_space<vmem>>) dst(%dma_wait3A_108 : memref<80x144xf32, #tpu.memory_space<vmem_shared>>)
      tpu.yield
    }) : () -> ()
    %add3A_16 = arith.constant 240 : i32
    %add3A_17 = arith.addi %mul3A_9, %add3A_16 : i32
    "tpu.region"() ({
      %run_scoped3A = tpu.sem_alloc : memref<!tpu.dma_semaphore, #tpu.memory_space<semaphore_mem>>
      %dma_start3A_92 = arith.constant 0 : i32
      %dma_start3A_93 = arith.constant 0 : i32
      %dma_start3A_94 = tpu.memref_slice %arg11[%dma_start3A_92, %dma_start3A_93] : memref<80x144xf32, #tpu.memory_space<vmem>> -> memref<80x144xf32, #tpu.memory_space<vmem>>
      %dma_start3A_95 = arith.constant 0 : i32
      %dma_start3A_96 = tpu.memref_slice %arg21[%add3A_17, %dma_start3A_95] : memref<10000x144xf32, #tpu.memory_space<vmem_shared>> -> memref<80x144xf32, #tpu.memory_space<vmem_shared>>
      %dma_start3A_97 = arith.constant 0 : i32
      %dma_start3A_98 = tpu.memref_slice %arg21[%add3A_17, %dma_start3A_97] : memref<10000x144xf32, #tpu.memory_space<vmem_shared>> -> memref<80x144xf32, #tpu.memory_space<vmem_shared>>
      %dma_start3A_99 = arith.constant 0 : i32
      %dma_start3A_100 = arith.constant 0 : i32
      %dma_start3A_101 = tpu.memref_slice %arg11[%dma_start3A_99, %dma_start3A_100] : memref<80x144xf32, #tpu.memory_space<vmem>> -> memref<80x144xf32, #tpu.memory_space<vmem>>
      tpu.enqueue_dma source(%dma_start3A_101 : memref<80x144xf32, #tpu.memory_space<vmem>>) target(%dma_start3A_98 : memref<80x144xf32, #tpu.memory_space<vmem_shared>>) target_semaphore(%run_scoped3A : memref<!tpu.dma_semaphore, #tpu.memory_space<semaphore_mem>>)
      %dma_wait3A_102 = arith.constant 0 : i32
      %dma_wait3A_103 = arith.constant 0 : i32
      %dma_wait3A_104 = tpu.memref_slice %arg11[%dma_wait3A_102, %dma_wait3A_103] : memref<80x144xf32, #tpu.memory_space<vmem>> -> memref<80x144xf32, #tpu.memory_space<vmem>>
      %dma_wait3A_105 = arith.constant 0 : i32
      %dma_wait3A_106 = tpu.memref_slice %arg21[%add3A_17, %dma_wait3A_105] : memref<10000x144xf32, #tpu.memory_space<vmem_shared>> -> memref<80x144xf32, #tpu.memory_space<vmem_shared>>
      %dma_wait3A_107 = arith.constant 0 : i32
      %dma_wait3A_108 = tpu.memref_slice %arg21[%add3A_17, %dma_wait3A_107] : memref<10000x144xf32, #tpu.memory_space<vmem_shared>> -> memref<80x144xf32, #tpu.memory_space<vmem_shared>>
      %dma_wait3A_109 = arith.constant 0 : i32
      %dma_wait3A_110 = arith.constant 0 : i32
      %dma_wait3A_111 = tpu.memref_slice %arg11[%dma_wait3A_109, %dma_wait3A_110] : memref<80x144xf32, #tpu.memory_space<vmem>> -> memref<80x144xf32, #tpu.memory_space<vmem>>
      tpu.wait_dma2 semaphore(%run_scoped3A : memref<!tpu.dma_semaphore, #tpu.memory_space<semaphore_mem>>) src(%dma_wait3A_111 : memref<80x144xf32, #tpu.memory_space<vmem>>) dst(%dma_wait3A_108 : memref<80x144xf32, #tpu.memory_space<vmem_shared>>)
      tpu.yield
    }) : () -> ()
    %add3A_18 = arith.constant 320 : i32
    %add3A_19 = arith.addi %mul3A_9, %add3A_18 : i32
    "tpu.region"() ({
      %run_scoped3A = tpu.sem_alloc : memref<!tpu.dma_semaphore, #tpu.memory_space<semaphore_mem>>
      %dma_start3A_92 = arith.constant 0 : i32
      %dma_start3A_93 = arith.constant 0 : i32
      %dma_start3A_94 = tpu.memref_slice %arg11[%dma_start3A_92, %dma_start3A_93] : memref<80x144xf32, #tpu.memory_space<vmem>> -> memref<80x144xf32, #tpu.memory_space<vmem>>
      %dma_start3A_95 = arith.constant 0 : i32
      %dma_start3A_96 = tpu.memref_slice %arg21[%add3A_19, %dma_start3A_95] : memref<10000x144xf32, #tpu.memory_space<vmem_shared>> -> memref<80x144xf32, #tpu.memory_space<vmem_shared>>
      %dma_start3A_97 = arith.constant 0 : i32
      %dma_start3A_98 = tpu.memref_slice %arg21[%add3A_19, %dma_start3A_97] : memref<10000x144xf32, #tpu.memory_space<vmem_shared>> -> memref<80x144xf32, #tpu.memory_space<vmem_shared>>
      %dma_start3A_99 = arith.constant 0 : i32
      %dma_start3A_100 = arith.constant 0 : i32
      %dma_start3A_101 = tpu.memref_slice %arg11[%dma_start3A_99, %dma_start3A_100] : memref<80x144xf32, #tpu.memory_space<vmem>> -> memref<80x144xf32, #tpu.memory_space<vmem>>
      tpu.enqueue_dma source(%dma_start3A_101 : memref<80x144xf32, #tpu.memory_space<vmem>>) target(%dma_start3A_98 : memref<80x144xf32, #tpu.memory_space<vmem_shared>>) target_semaphore(%run_scoped3A : memref<!tpu.dma_semaphore, #tpu.memory_space<semaphore_mem>>)
      %dma_wait3A_102 = arith.constant 0 : i32
      %dma_wait3A_103 = arith.constant 0 : i32
      %dma_wait3A_104 = tpu.memref_slice %arg11[%dma_wait3A_102, %dma_wait3A_103] : memref<80x144xf32, #tpu.memory_space<vmem>> -> memref<80x144xf32, #tpu.memory_space<vmem>>
      %dma_wait3A_105 = arith.constant 0 : i32
      %dma_wait3A_106 = tpu.memref_slice %arg21[%add3A_19, %dma_wait3A_105] : memref<10000x144xf32, #tpu.memory_space<vmem_shared>> -> memref<80x144xf32, #tpu.memory_space<vmem_shared>>
      %dma_wait3A_107 = arith.constant 0 : i32
      %dma_wait3A_108 = tpu.memref_slice %arg21[%add3A_19, %dma_wait3A_107] : memref<10000x144xf32, #tpu.memory_space<vmem_shared>> -> memref<80x144xf32, #tpu.memory_space<vmem_shared>>
      %dma_wait3A_109 = arith.constant 0 : i32
      %dma_wait3A_110 = arith.constant 0 : i32
      %dma_wait3A_111 = tpu.memref_slice %arg11[%dma_wait3A_109, %dma_wait3A_110] : memref<80x144xf32, #tpu.memory_space<vmem>> -> memref<80x144xf32, #tpu.memory_space<vmem>>
      tpu.wait_dma2 semaphore(%run_scoped3A : memref<!tpu.dma_semaphore, #tpu.memory_space<semaphore_mem>>) src(%dma_wait3A_111 : memref<80x144xf32, #tpu.memory_space<vmem>>) dst(%dma_wait3A_108 : memref<80x144xf32, #tpu.memory_space<vmem_shared>>)
      tpu.yield
    }) : () -> ()
    %add3A_20 = arith.constant 400 : i32
    %add3A_21 = arith.addi %mul3A_9, %add3A_20 : i32
    "tpu.region"() ({
      %run_scoped3A = tpu.sem_alloc : memref<!tpu.dma_semaphore, #tpu.memory_space<semaphore_mem>>
      %dma_start3A_92 = arith.constant 0 : i32
      %dma_start3A_93 = arith.constant 0 : i32
      %dma_start3A_94 = tpu.memref_slice %arg11[%dma_start3A_92, %dma_start3A_93] : memref<80x144xf32, #tpu.memory_space<vmem>> -> memref<80x144xf32, #tpu.memory_space<vmem>>
      %dma_start3A_95 = arith.constant 0 : i32
      %dma_start3A_96 = tpu.memref_slice %arg21[%add3A_21, %dma_start3A_95] : memref<10000x144xf32, #tpu.memory_space<vmem_shared>> -> memref<80x144xf32, #tpu.memory_space<vmem_shared>>
      %dma_start3A_97 = arith.constant 0 : i32
      %dma_start3A_98 = tpu.memref_slice %arg21[%add3A_21, %dma_start3A_97] : memref<10000x144xf32, #tpu.memory_space<vmem_shared>> -> memref<80x144xf32, #tpu.memory_space<vmem_shared>>
      %dma_start3A_99 = arith.constant 0 : i32
      %dma_start3A_100 = arith.constant 0 : i32
      %dma_start3A_101 = tpu.memref_slice %arg11[%dma_start3A_99, %dma_start3A_100] : memref<80x144xf32, #tpu.memory_space<vmem>> -> memref<80x144xf32, #tpu.memory_space<vmem>>
      tpu.enqueue_dma source(%dma_start3A_101 : memref<80x144xf32, #tpu.memory_space<vmem>>) target(%dma_start3A_98 : memref<80x144xf32, #tpu.memory_space<vmem_shared>>) target_semaphore(%run_scoped3A : memref<!tpu.dma_semaphore, #tpu.memory_space<semaphore_mem>>)
      %dma_wait3A_102 = arith.constant 0 : i32
      %dma_wait3A_103 = arith.constant 0 : i32
      %dma_wait3A_104 = tpu.memref_slice %arg11[%dma_wait3A_102, %dma_wait3A_103] : memref<80x144xf32, #tpu.memory_space<vmem>> -> memref<80x144xf32, #tpu.memory_space<vmem>>
      %dma_wait3A_105 = arith.constant 0 : i32
      %dma_wait3A_106 = tpu.memref_slice %arg21[%add3A_21, %dma_wait3A_105] : memref<10000x144xf32, #tpu.memory_space<vmem_shared>> -> memref<80x144xf32, #tpu.memory_space<vmem_shared>>
      %dma_wait3A_107 = arith.constant 0 : i32
      %dma_wait3A_108 = tpu.memref_slice %arg21[%add3A_21, %dma_wait3A_107] : memref<10000x144xf32, #tpu.memory_space<vmem_shared>> -> memref<80x144xf32, #tpu.memory_space<vmem_shared>>
      %dma_wait3A_109 = arith.constant 0 : i32
      %dma_wait3A_110 = arith.constant 0 : i32
      %dma_wait3A_111 = tpu.memref_slice %arg11[%dma_wait3A_109, %dma_wait3A_110] : memref<80x144xf32, #tpu.memory_space<vmem>> -> memref<80x144xf32, #tpu.memory_space<vmem>>
      tpu.wait_dma2 semaphore(%run_scoped3A : memref<!tpu.dma_semaphore, #tpu.memory_space<semaphore_mem>>) src(%dma_wait3A_111 : memref<80x144xf32, #tpu.memory_space<vmem>>) dst(%dma_wait3A_108 : memref<80x144xf32, #tpu.memory_space<vmem_shared>>)
      tpu.yield
    }) : () -> ()
    %add3A_22 = arith.constant 480 : i32
    %add3A_23 = arith.addi %mul3A_9, %add3A_22 : i32
    "tpu.region"() ({
      %run_scoped3A = tpu.sem_alloc : memref<!tpu.dma_semaphore, #tpu.memory_space<semaphore_mem>>
      %dma_start3A_92 = arith.constant 0 : i32
      %dma_start3A_93 = arith.constant 0 : i32
      %dma_start3A_94 = tpu.memref_slice %arg11[%dma_start3A_92, %dma_start3A_93] : memref<80x144xf32, #tpu.memory_space<vmem>> -> memref<80x144xf32, #tpu.memory_space<vmem>>
      %dma_start3A_95 = arith.constant 0 : i32
      %dma_start3A_96 = tpu.memref_slice %arg21[%add3A_23, %dma_start3A_95] : memref<10000x144xf32, #tpu.memory_space<vmem_shared>> -> memref<80x144xf32, #tpu.memory_space<vmem_shared>>
      %dma_start3A_97 = arith.constant 0 : i32
      %dma_start3A_98 = tpu.memref_slice %arg21[%add3A_23, %dma_start3A_97] : memref<10000x144xf32, #tpu.memory_space<vmem_shared>> -> memref<80x144xf32, #tpu.memory_space<vmem_shared>>
      %dma_start3A_99 = arith.constant 0 : i32
      %dma_start3A_100 = arith.constant 0 : i32
      %dma_start3A_101 = tpu.memref_slice %arg11[%dma_start3A_99, %dma_start3A_100] : memref<80x144xf32, #tpu.memory_space<vmem>> -> memref<80x144xf32, #tpu.memory_space<vmem>>
      tpu.enqueue_dma source(%dma_start3A_101 : memref<80x144xf32, #tpu.memory_space<vmem>>) target(%dma_start3A_98 : memref<80x144xf32, #tpu.memory_space<vmem_shared>>) target_semaphore(%run_scoped3A : memref<!tpu.dma_semaphore, #tpu.memory_space<semaphore_mem>>)
      %dma_wait3A_102 = arith.constant 0 : i32
      %dma_wait3A_103 = arith.constant 0 : i32
      %dma_wait3A_104 = tpu.memref_slice %arg11[%dma_wait3A_102, %dma_wait3A_103] : memref<80x144xf32, #tpu.memory_space<vmem>> -> memref<80x144xf32, #tpu.memory_space<vmem>>
      %dma_wait3A_105 = arith.constant 0 : i32
      %dma_wait3A_106 = tpu.memref_slice %arg21[%add3A_23, %dma_wait3A_105] : memref<10000x144xf32, #tpu.memory_space<vmem_shared>> -> memref<80x144xf32, #tpu.memory_space<vmem_shared>>
      %dma_wait3A_107 = arith.constant 0 : i32
      %dma_wait3A_108 = tpu.memref_slice %arg21[%add3A_23, %dma_wait3A_107] : memref<10000x144xf32, #tpu.memory_space<vmem_shared>> -> memref<80x144xf32, #tpu.memory_space<vmem_shared>>
      %dma_wait3A_109 = arith.constant 0 : i32
      %dma_wait3A_110 = arith.constant 0 : i32
      %dma_wait3A_111 = tpu.memref_slice %arg11[%dma_wait3A_109, %dma_wait3A_110] : memref<80x144xf32, #tpu.memory_space<vmem>> -> memref<80x144xf32, #tpu.memory_space<vmem>>
      tpu.wait_dma2 semaphore(%run_scoped3A : memref<!tpu.dma_semaphore, #tpu.memory_space<semaphore_mem>>) src(%dma_wait3A_111 : memref<80x144xf32, #tpu.memory_space<vmem>>) dst(%dma_wait3A_108 : memref<80x144xf32, #tpu.memory_space<vmem_shared>>)
      tpu.yield
    }) : () -> ()
    %add3A_24 = arith.constant 560 : i32
    %add3A_25 = arith.addi %mul3A_9, %add3A_24 : i32
    "tpu.region"() ({
      %run_scoped3A = tpu.sem_alloc : memref<!tpu.dma_semaphore, #tpu.memory_space<semaphore_mem>>
      %dma_start3A_92 = arith.constant 0 : i32
      %dma_start3A_93 = arith.constant 0 : i32
      %dma_start3A_94 = tpu.memref_slice %arg11[%dma_start3A_92, %dma_start3A_93] : memref<80x144xf32, #tpu.memory_space<vmem>> -> memref<80x144xf32, #tpu.memory_space<vmem>>
      %dma_start3A_95 = arith.constant 0 : i32
      %dma_start3A_96 = tpu.memref_slice %arg21[%add3A_25, %dma_start3A_95] : memref<10000x144xf32, #tpu.memory_space<vmem_shared>> -> memref<80x144xf32, #tpu.memory_space<vmem_shared>>
      %dma_start3A_97 = arith.constant 0 : i32
      %dma_start3A_98 = tpu.memref_slice %arg21[%add3A_25, %dma_start3A_97] : memref<10000x144xf32, #tpu.memory_space<vmem_shared>> -> memref<80x144xf32, #tpu.memory_space<vmem_shared>>
      %dma_start3A_99 = arith.constant 0 : i32
      %dma_start3A_100 = arith.constant 0 : i32
      %dma_start3A_101 = tpu.memref_slice %arg11[%dma_start3A_99, %dma_start3A_100] : memref<80x144xf32, #tpu.memory_space<vmem>> -> memref<80x144xf32, #tpu.memory_space<vmem>>
      tpu.enqueue_dma source(%dma_start3A_101 : memref<80x144xf32, #tpu.memory_space<vmem>>) target(%dma_start3A_98 : memref<80x144xf32, #tpu.memory_space<vmem_shared>>) target_semaphore(%run_scoped3A : memref<!tpu.dma_semaphore, #tpu.memory_space<semaphore_mem>>)
      %dma_wait3A_102 = arith.constant 0 : i32
      %dma_wait3A_103 = arith.constant 0 : i32
      %dma_wait3A_104 = tpu.memref_slice %arg11[%dma_wait3A_102, %dma_wait3A_103] : memref<80x144xf32, #tpu.memory_space<vmem>> -> memref<80x144xf32, #tpu.memory_space<vmem>>
      %dma_wait3A_105 = arith.constant 0 : i32
      %dma_wait3A_106 = tpu.memref_slice %arg21[%add3A_25, %dma_wait3A_105] : memref<10000x144xf32, #tpu.memory_space<vmem_shared>> -> memref<80x144xf32, #tpu.memory_space<vmem_shared>>
      %dma_wait3A_107 = arith.constant 0 : i32
      %dma_wait3A_108 = tpu.memref_slice %arg21[%add3A_25, %dma_wait3A_107] : memref<10000x144xf32, #tpu.memory_space<vmem_shared>> -> memref<80x144xf32, #tpu.memory_space<vmem_shared>>
      %dma_wait3A_109 = arith.constant 0 : i32
      %dma_wait3A_110 = arith.constant 0 : i32
      %dma_wait3A_111 = tpu.memref_slice %arg11[%dma_wait3A_109, %dma_wait3A_110] : memref<80x144xf32, #tpu.memory_space<vmem>> -> memref<80x144xf32, #tpu.memory_space<vmem>>
      tpu.wait_dma2 semaphore(%run_scoped3A : memref<!tpu.dma_semaphore, #tpu.memory_space<semaphore_mem>>) src(%dma_wait3A_111 : memref<80x144xf32, #tpu.memory_space<vmem>>) dst(%dma_wait3A_108 : memref<80x144xf32, #tpu.memory_space<vmem_shared>>)
      tpu.yield
    }) : () -> ()
    %barrier3A = arith.constant 0 : index
    tpu.barrier barrier_id(%barrier3A)
    %get3A = arith.constant 0 : index
    %get3A_26 = tpu.vector_load %arg20[%get3A] {strides = array<i32>} : memref<16xf32, #tpu.memory_space<vmem>>, vector<16xf32>,
    %add3A_27 = arith.constant 0 : i32
    %add3A_28 = arith.addi %mul3A_2, %add3A_27 : i32
    %dma_start3A = tpu.memref_slice %arg5[%add3A_28] : memref<320000xi32, #tpu.memory_space<hbm>> -> memref<80xi32, #tpu.memory_space<hbm>>
    %dma_start3A_29 = tpu.memref_slice %arg5[%add3A_28] : memref<320000xi32, #tpu.memory_space<hbm>> -> memref<80xi32, #tpu.memory_space<hbm>>
    tpu.enqueue_dma source(%dma_start3A_29 : memref<80xi32, #tpu.memory_space<hbm>>) target(%arg16 : memref<80xi32, #tpu.memory_space<vmem>>) target_semaphore(%arg22 : memref<!tpu.dma_semaphore, #tpu.memory_space<semaphore_mem>>)
    %dma_start3A_30 = tpu.memref_slice %arg6[%add3A_28] : memref<320000xi32, #tpu.memory_space<hbm>> -> memref<80xi32, #tpu.memory_space<hbm>>
    %dma_start3A_31 = tpu.memref_slice %arg6[%add3A_28] : memref<320000xi32, #tpu.memory_space<hbm>> -> memref<80xi32, #tpu.memory_space<hbm>>
    tpu.enqueue_dma source(%dma_start3A_31 : memref<80xi32, #tpu.memory_space<hbm>>) target(%arg18 : memref<80xi32, #tpu.memory_space<vmem>>) target_semaphore(%arg22 : memref<!tpu.dma_semaphore, #tpu.memory_space<semaphore_mem>>)
    %mul3A_32 = arith.constant 8 : i32
    %mul3A_33 = arith.muli %mul3A_32, %add3A_28 : i32
    %dma_start3A_34 = arith.constant 0 : i32
    %dma_start3A_35 = tpu.memref_slice %arg14[%dma_start3A_34] : memref<656xf32, #tpu.memory_space<vmem>> -> memref<640xf32, #tpu.memory_space<vmem>>
    %dma_start3A_36 = tpu.memref_slice %arg4[%mul3A_33] : memref<2560000xf32, #tpu.memory_space<hbm>> -> memref<640xf32, #tpu.memory_space<hbm>>
    %dma_start3A_37 = arith.constant 0 : i32
    %dma_start3A_38 = tpu.memref_slice %arg14[%dma_start3A_37] : memref<656xf32, #tpu.memory_space<vmem>> -> memref<640xf32, #tpu.memory_space<vmem>>
    %dma_start3A_39 = tpu.memref_slice %arg4[%mul3A_33] : memref<2560000xf32, #tpu.memory_space<hbm>> -> memref<640xf32, #tpu.memory_space<hbm>>
    tpu.enqueue_dma source(%dma_start3A_39 : memref<640xf32, #tpu.memory_space<hbm>>) target(%dma_start3A_38 : memref<640xf32, #tpu.memory_space<vmem>>) target_semaphore(%arg22 : memref<!tpu.dma_semaphore, #tpu.memory_space<semaphore_mem>>)
    %add3A_40 = arith.constant 0 : i32
    %add3A_41 = arith.addi %mul3A_2, %add3A_40 : i32
    %dma_wait3A = tpu.memref_slice %arg5[%add3A_41] : memref<320000xi32, #tpu.memory_space<hbm>> -> memref<80xi32, #tpu.memory_space<hbm>>
    %dma_wait3A_42 = tpu.memref_slice %arg5[%add3A_41] : memref<320000xi32, #tpu.memory_space<hbm>> -> memref<80xi32, #tpu.memory_space<hbm>>
    tpu.wait_dma2 semaphore(%arg22 : memref<!tpu.dma_semaphore, #tpu.memory_space<semaphore_mem>>) src(%dma_wait3A_42 : memref<80xi32, #tpu.memory_space<hbm>>) dst(%arg16 : memref<80xi32, #tpu.memory_space<vmem>>)
    %dma_wait3A_43 = tpu.memref_slice %arg6[%add3A_41] : memref<320000xi32, #tpu.memory_space<hbm>> -> memref<80xi32, #tpu.memory_space<hbm>>
    %dma_wait3A_44 = tpu.memref_slice %arg6[%add3A_41] : memref<320000xi32, #tpu.memory_space<hbm>> -> memref<80xi32, #tpu.memory_space<hbm>>
    tpu.wait_dma2 semaphore(%arg22 : memref<!tpu.dma_semaphore, #tpu.memory_space<semaphore_mem>>) src(%dma_wait3A_44 : memref<80xi32, #tpu.memory_space<hbm>>) dst(%arg18 : memref<80xi32, #tpu.memory_space<vmem>>)
    %mul3A_45 = arith.constant 8 : i32
    %mul3A_46 = arith.muli %mul3A_45, %add3A_41 : i32
    %dma_wait3A_47 = arith.constant 0 : i32
    %dma_wait3A_48 = tpu.memref_slice %arg14[%dma_wait3A_47] : memref<656xf32, #tpu.memory_space<vmem>> -> memref<640xf32, #tpu.memory_space<vmem>>
    %dma_wait3A_49 = tpu.memref_slice %arg4[%mul3A_46] : memref<2560000xf32, #tpu.memory_space<hbm>> -> memref<640xf32, #tpu.memory_space<hbm>>
    %dma_wait3A_50 = arith.constant 0 : i32
    %dma_wait3A_51 = tpu.memref_slice %arg14[%dma_wait3A_50] : memref<656xf32, #tpu.memory_space<vmem>> -> memref<640xf32, #tpu.memory_space<vmem>>
    %dma_wait3A_52 = tpu.memref_slice %arg4[%mul3A_46] : memref<2560000xf32, #tpu.memory_space<hbm>> -> memref<640xf32, #tpu.memory_space<hbm>>
    tpu.wait_dma2 semaphore(%arg22 : memref<!tpu.dma_semaphore, #tpu.memory_space<semaphore_mem>>) src(%dma_wait3A_52 : memref<640xf32, #tpu.memory_space<hbm>>) dst(%dma_wait3A_51 : memref<640xf32, #tpu.memory_space<vmem>>)
    %dma_start3A_53 = arith.constant 0 : i32
    %dma_start3A_54 = arith.constant 0 : i32
    %dma_start3A_55 = tpu.memref_slice %arg2[%dma_start3A_53, %dma_start3A_54] : memref<10000x144xf32, #tpu.memory_space<hbm>> -> memref<10000x144xf32, #tpu.memory_space<hbm>>
    tpu.enqueue_indirect_dma source(%dma_start3A_55 : memref<10000x144xf32, #tpu.memory_space<hbm>>) target(%arg9 : memref<80x144xf32, #tpu.memory_space<vmem>>) offsets(%arg16 : memref<80xi32, #tpu.memory_space<vmem>>) semaphore(%arg24 : memref<!tpu.dma_semaphore, #tpu.memory_space<semaphore_mem>>)
    %dma_start3A_56 = arith.constant 0 : i32
    %dma_start3A_57 = arith.constant 0 : i32
    %dma_start3A_58 = tpu.memref_slice %arg3[%dma_start3A_56, %dma_start3A_57] : memref<10000x16xf32, #tpu.memory_space<hbm>> -> memref<10000x16xf32, #tpu.memory_space<hbm>>
    tpu.enqueue_indirect_dma source(%dma_start3A_58 : memref<10000x16xf32, #tpu.memory_space<hbm>>) target(%arg12 : memref<80x16xf32, #tpu.memory_space<vmem>>) offsets(%arg18 : memref<80xi32, #tpu.memory_space<vmem>>) semaphore(%arg24 : memref<!tpu.dma_semaphore, #tpu.memory_space<semaphore_mem>>)
    %add3A_59 = arith.constant 80 : i32
    %add3A_60 = arith.addi %mul3A_2, %add3A_59 : i32
    %dma_start3A_61 = tpu.memref_slice %arg5[%add3A_60] : memref<320000xi32, #tpu.memory_space<hbm>> -> memref<80xi32, #tpu.memory_space<hbm>>
    %dma_start3A_62 = tpu.memref_slice %arg5[%add3A_60] : memref<320000xi32, #tpu.memory_space<hbm>> -> memref<80xi32, #tpu.memory_space<hbm>>
    tpu.enqueue_dma source(%dma_start3A_62 : memref<80xi32, #tpu.memory_space<hbm>>) target(%arg17 : memref<80xi32, #tpu.memory_space<vmem>>) target_semaphore(%arg23 : memref<!tpu.dma_semaphore, #tpu.memory_space<semaphore_mem>>)
    %dma_start3A_63 = tpu.memref_slice %arg6[%add3A_60] : memref<320000xi32, #tpu.memory_space<hbm>> -> memref<80xi32, #tpu.memory_space<hbm>>
    %dma_start3A_64 = tpu.memref_slice %arg6[%add3A_60] : memref<320000xi32, #tpu.memory_space<hbm>> -> memref<80xi32, #tpu.memory_space<hbm>>
    tpu.enqueue_dma source(%dma_start3A_64 : memref<80xi32, #tpu.memory_space<hbm>>) target(%arg19 : memref<80xi32, #tpu.memory_space<vmem>>) target_semaphore(%arg23 : memref<!tpu.dma_semaphore, #tpu.memory_space<semaphore_mem>>)
    %mul3A_65 = arith.constant 8 : i32
    %mul3A_66 = arith.muli %mul3A_65, %add3A_60 : i32
    %dma_start3A_67 = arith.constant 0 : i32
    %dma_start3A_68 = tpu.memref_slice %arg15[%dma_start3A_67] : memref<656xf32, #tpu.memory_space<vmem>> -> memref<640xf32, #tpu.memory_space<vmem>>
    %dma_start3A_69 = tpu.memref_slice %arg4[%mul3A_66] : memref<2560000xf32, #tpu.memory_space<hbm>> -> memref<640xf32, #tpu.memory_space<hbm>>
    %dma_start3A_70 = arith.constant 0 : i32
    %dma_start3A_71 = tpu.memref_slice %arg15[%dma_start3A_70] : memref<656xf32, #tpu.memory_space<vmem>> -> memref<640xf32, #tpu.memory_space<vmem>>
    %dma_start3A_72 = tpu.memref_slice %arg4[%mul3A_66] : memref<2560000xf32, #tpu.memory_space<hbm>> -> memref<640xf32, #tpu.memory_space<hbm>>
    tpu.enqueue_dma source(%dma_start3A_72 : memref<640xf32, #tpu.memory_space<hbm>>) target(%dma_start3A_71 : memref<640xf32, #tpu.memory_space<vmem>>) target_semaphore(%arg23 : memref<!tpu.dma_semaphore, #tpu.memory_space<semaphore_mem>>)
    %scan3A_73 = arith.constant 0 : i32
    %scan3A_74 = arith.constant 0 : i32
    %scan3A_75 = arith.constant 62 : i32
    %scan3A_76 = arith.addi %scan3A_74, %scan3A_75 : i32
    %scan3A_77 = arith.constant 1 : i32
    scf.for %scan3A_92 = %scan3A_74 to %scan3A_76 step %scan3A_77  : i32 {
      %mul3A_93 = arith.constant 2 : i32
      %mul3A_94 = arith.muli %mul3A_93, %scan3A_92 : i32
      %add3A_95 = arith.constant 0 : i32
      %add3A_96 = arith.addi %mul3A_94, %add3A_95 : i32
      %add3A_97 = arith.constant 1 : i32
      %add3A_98 = arith.addi %add3A_96, %add3A_97 : i32
      %mul3A_99 = arith.constant 80 : i32
      %mul3A_100 = arith.muli %add3A_98, %mul3A_99 : i32
      %add3A_101 = arith.addi %mul3A_2, %mul3A_100 : i32
      %dma_wait3A_102 = tpu.memref_slice %arg5[%add3A_101] : memref<320000xi32, #tpu.memory_space<hbm>> -> memref<80xi32, #tpu.memory_space<hbm>>
      %dma_wait3A_103 = tpu.memref_slice %arg5[%add3A_101] : memref<320000xi32, #tpu.memory_space<hbm>> -> memref<80xi32, #tpu.memory_space<hbm>>
      tpu.wait_dma2 semaphore(%arg23 : memref<!tpu.dma_semaphore, #tpu.memory_space<semaphore_mem>>) src(%dma_wait3A_103 : memref<80xi32, #tpu.memory_space<hbm>>) dst(%arg17 : memref<80xi32, #tpu.memory_space<vmem>>)
      %dma_wait3A_104 = tpu.memref_slice %arg6[%add3A_101] : memref<320000xi32, #tpu.memory_space<hbm>> -> memref<80xi32, #tpu.memory_space<hbm>>
      %dma_wait3A_105 = tpu.memref_slice %arg6[%add3A_101] : memref<320000xi32, #tpu.memory_space<hbm>> -> memref<80xi32, #tpu.memory_space<hbm>>
      tpu.wait_dma2 semaphore(%arg23 : memref<!tpu.dma_semaphore, #tpu.memory_space<semaphore_mem>>) src(%dma_wait3A_105 : memref<80xi32, #tpu.memory_space<hbm>>) dst(%arg19 : memref<80xi32, #tpu.memory_space<vmem>>)
      %mul3A_106 = arith.constant 8 : i32
      %mul3A_107 = arith.muli %mul3A_106, %add3A_101 : i32
      %dma_wait3A_108 = arith.constant 0 : i32
      %dma_wait3A_109 = tpu.memref_slice %arg15[%dma_wait3A_108] : memref<656xf32, #tpu.memory_space<vmem>> -> memref<640xf32, #tpu.memory_space<vmem>>
      %dma_wait3A_110 = tpu.memref_slice %arg4[%mul3A_107] : memref<2560000xf32, #tpu.memory_space<hbm>> -> memref<640xf32, #tpu.memory_space<hbm>>
      %dma_wait3A_111 = arith.constant 0 : i32
      %dma_wait3A_112 = tpu.memref_slice %arg15[%dma_wait3A_111] : memref<656xf32, #tpu.memory_space<vmem>> -> memref<640xf32, #tpu.memory_space<vmem>>
      %dma_wait3A_113 = tpu.memref_slice %arg4[%mul3A_107] : memref<2560000xf32, #tpu.memory_space<hbm>> -> memref<640xf32, #tpu.memory_space<hbm>>
      tpu.wait_dma2 semaphore(%arg23 : memref<!tpu.dma_semaphore, #tpu.memory_space<semaphore_mem>>) src(%dma_wait3A_113 : memref<640xf32, #tpu.memory_space<hbm>>) dst(%dma_wait3A_112 : memref<640xf32, #tpu.memory_space<vmem>>)
      %dma_start3A_114 = arith.constant 0 : i32
      %dma_start3A_115 = arith.constant 0 : i32
      %dma_start3A_116 = tpu.memref_slice %arg2[%dma_start3A_114, %dma_start3A_115] : memref<10000x144xf32, #tpu.memory_space<hbm>> -> memref<10000x144xf32, #tpu.memory_space<hbm>>
      tpu.enqueue_indirect_dma source(%dma_start3A_116 : memref<10000x144xf32, #tpu.memory_space<hbm>>) target(%arg10 : memref<80x144xf32, #tpu.memory_space<vmem>>) offsets(%arg17 : memref<80xi32, #tpu.memory_space<vmem>>) semaphore(%arg25 : memref<!tpu.dma_semaphore, #tpu.memory_space<semaphore_mem>>)
      %dma_start3A_117 = arith.constant 0 : i32
      %dma_start3A_118 = arith.constant 0 : i32
      %dma_start3A_119 = tpu.memref_slice %arg3[%dma_start3A_117, %dma_start3A_118] : memref<10000x16xf32, #tpu.memory_space<hbm>> -> memref<10000x16xf32, #tpu.memory_space<hbm>>
      tpu.enqueue_indirect_dma source(%dma_start3A_119 : memref<10000x16xf32, #tpu.memory_space<hbm>>) target(%arg13 : memref<80x16xf32, #tpu.memory_space<vmem>>) offsets(%arg19 : memref<80xi32, #tpu.memory_space<vmem>>) semaphore(%arg25 : memref<!tpu.dma_semaphore, #tpu.memory_space<semaphore_mem>>)
      %dma_wait3A_120 = arith.constant 0 : i32
      %dma_wait3A_121 = arith.constant 0 : i32
      %dma_wait3A_122 = tpu.memref_slice %arg2[%dma_wait3A_120, %dma_wait3A_121] : memref<10000x144xf32, #tpu.memory_space<hbm>> -> memref<10000x144xf32, #tpu.memory_space<hbm>>
      tpu.wait_indirect_dma semaphore(%arg24 : memref<!tpu.dma_semaphore, #tpu.memory_space<semaphore_mem>>) src(%dma_wait3A_122 : memref<10000x144xf32, #tpu.memory_space<hbm>>) dst(%arg9 : memref<80x144xf32, #tpu.memory_space<vmem>>)
      %dma_wait3A_123 = arith.constant 0 : i32
      %dma_wait3A_124 = arith.constant 0 : i32
      %dma_wait3A_125 = tpu.memref_slice %arg3[%dma_wait3A_123, %dma_wait3A_124] : memref<10000x16xf32, #tpu.memory_space<hbm>> -> memref<10000x16xf32, #tpu.memory_space<hbm>>
      tpu.wait_indirect_dma semaphore(%arg24 : memref<!tpu.dma_semaphore, #tpu.memory_space<semaphore_mem>>) src(%dma_wait3A_125 : memref<10000x16xf32, #tpu.memory_space<hbm>>) dst(%arg12 : memref<80x16xf32, #tpu.memory_space<vmem>>)
      %scan3A_126 = arith.constant 0 : i32
      %scan3A_127 = arith.constant 0 : i32
      %scan3A_128 = arith.constant 80 : i32
      %scan3A_129 = arith.addi %scan3A_127, %scan3A_128 : i32
      %scan3A_130 = arith.constant 1 : i32
      scf.for %scan3A_180 = %scan3A_127 to %scan3A_129 step %scan3A_130  : i32 {
        %get3A_181 = arith.index_cast %scan3A_180 : i32 to index
        %get3A_182 = arith.constant 128 : index
        %get3A_183 = tpu.vector_load %arg9[%get3A_181, %get3A_182] {strides = array<i32>} : memref<80x144xf32, #tpu.memory_space<vmem>>, vector<16xf32>,
        %get3A_184 = arith.index_cast %scan3A_180 : i32 to index
        %get3A_185 = arith.constant 0 : index
        %get3A_186 = tpu.vector_load %arg12[%get3A_184, %get3A_185] {strides = array<i32>} : memref<80x16xf32, #tpu.memory_space<vmem>>, vector<16xf32>,
        %mul3A_187 = arith.constant 8 : i32
        %mul3A_188 = arith.muli %mul3A_187, %scan3A_180 : i32
        %add3A_189 = arith.constant 0 : i32
        %add3A_190 = arith.addi %mul3A_188, %add3A_189 : i32
        %get3A_191 = arith.index_cast %add3A_190 : i32 to index
        %get3A_192 = tpu.vector_load %arg14[%get3A_191] {strides = array<i32>} : memref<656xf32, #tpu.memory_space<vmem>>, vector<16xf32>,
        %add3A_193 = arith.addf %get3A_183, %get3A_186 : vector<16xf32>
        %add3A_194 = arith.addf %add3A_193, %get3A_192 : vector<16xf32>
        %ge3A = arith.constant 0.000000e+00 : f32
        %ge3A_195 = vector.broadcast %ge3A : f32 to vector<16xf32>
        %ge3A_196 = arith.cmpf oge, %add3A_194, %ge3A_195 : vector<16xf32>
        %mul3A_197 = arith.constant 2.000000e-01 : f32
        %mul3A_198 = vector.broadcast %mul3A_197 : f32 to vector<16xf32>
        %mul3A_199 = arith.mulf %mul3A_198, %add3A_194 : vector<16xf32>
        %select_n3A = arith.select %ge3A_196, %add3A_194, %mul3A_199 : vector<16xi1>, vector<16xf32>
        %sub3A = arith.subf %select_n3A, %get3A_26 : vector<16xf32>
        %exp3A = math.exp %sub3A : vector<16xf32>
        %broadcast_in_dim3A = arith.constant 0 : i32
        %broadcast_in_dim3A_200 = vector.broadcast %broadcast_in_dim3A : i32 to vector<16x1xi32>
        %gather3A = vector.shape_cast %broadcast_in_dim3A_200 : vector<16x1xi32> to vector<16xi32>
        %gather3A_201 = tpu.dynamic_gather %exp3A[%gather3A] in [0] : vector<16xf32>, vector<16xi32> -> vector<16xf32>
        %get3A_202 = arith.index_cast %scan3A_180 : i32 to index
        %get3A_203 = arith.constant 0 : index
        %get3A_204 = tpu.vector_load %arg9[%get3A_202, %get3A_203] {strides = array<i32>} : memref<80x144xf32, #tpu.memory_space<vmem>>, vector<16xf32>,
        %mul3A_205 = arith.mulf %get3A_204, %gather3A_201 : vector<16xf32>
        %swap3A = arith.index_cast %scan3A_180 : i32 to index
        %swap3A_206 = arith.constant 0 : index
        %swap3A_207 = tpu.vector_load %arg11[%swap3A, %swap3A_206] {strides = array<i32>} : memref<80x144xf32, #tpu.memory_space<vmem>>, vector<16xf32>,
        tpu.vector_store %arg11[%swap3A, %swap3A_206], %mul3A_205 {strides = array<i32>} : memref<80x144xf32, #tpu.memory_space<vmem>>, vector<16xf32>,
        %get3A_208 = arith.index_cast %scan3A_180 : i32 to index
        %get3A_209 = arith.constant 16 : index
        %get3A_210 = tpu.vector_load %arg9[%get3A_208, %get3A_209] {strides = array<i32>} : memref<80x144xf32, #tpu.memory_space<vmem>>, vector<16xf32>,
        %mul3A_211 = arith.mulf %get3A_210, %gather3A_201 : vector<16xf32>
        %swap3A_212 = arith.index_cast %scan3A_180 : i32 to index
        %swap3A_213 = arith.constant 16 : index
        %swap3A_214 = tpu.vector_load %arg11[%swap3A_212, %swap3A_213] {strides = array<i32>} : memref<80x144xf32, #tpu.memory_space<vmem>>, vector<16xf32>,
        tpu.vector_store %arg11[%swap3A_212, %swap3A_213], %mul3A_211 {strides = array<i32>} : memref<80x144xf32, #tpu.memory_space<vmem>>, vector<16xf32>,
        %broadcast_in_dim3A_215 = arith.constant 1 : i32
        %broadcast_in_dim3A_216 = vector.broadcast %broadcast_in_dim3A_215 : i32 to vector<16x1xi32>
        %gather3A_217 = vector.shape_cast %broadcast_in_dim3A_216 : vector<16x1xi32> to vector<16xi32>
        %gather3A_218 = tpu.dynamic_gather %exp3A[%gather3A_217] in [0] : vector<16xf32>, vector<16xi32> -> vector<16xf32>
        %get3A_219 = arith.index_cast %scan3A_180 : i32 to index
        %get3A_220 = arith.constant 32 : index
        %get3A_221 = tpu.vector_load %arg9[%get3A_219, %get3A_220] {strides = array<i32>} : memref<80x144xf32, #tpu.memory_space<vmem>>, vector<16xf32>,
        %mul3A_222 = arith.mulf %get3A_221, %gather3A_218 : vector<16xf32>
        %swap3A_223 = arith.index_cast %scan3A_180 : i32 to index
        %swap3A_224 = arith.constant 32 : index
        %swap3A_225 = tpu.vector_load %arg11[%swap3A_223, %swap3A_224] {strides = array<i32>} : memref<80x144xf32, #tpu.memory_space<vmem>>, vector<16xf32>,
        tpu.vector_store %arg11[%swap3A_223, %swap3A_224], %mul3A_222 {strides = array<i32>} : memref<80x144xf32, #tpu.memory_space<vmem>>, vector<16xf32>,
        %get3A_226 = arith.index_cast %scan3A_180 : i32 to index
        %get3A_227 = arith.constant 48 : index
        %get3A_228 = tpu.vector_load %arg9[%get3A_226, %get3A_227] {strides = array<i32>} : memref<80x144xf32, #tpu.memory_space<vmem>>, vector<16xf32>,
        %mul3A_229 = arith.mulf %get3A_228, %gather3A_218 : vector<16xf32>
        %swap3A_230 = arith.index_cast %scan3A_180 : i32 to index
        %swap3A_231 = arith.constant 48 : index
        %swap3A_232 = tpu.vector_load %arg11[%swap3A_230, %swap3A_231] {strides = array<i32>} : memref<80x144xf32, #tpu.memory_space<vmem>>, vector<16xf32>,
        tpu.vector_store %arg11[%swap3A_230, %swap3A_231], %mul3A_229 {strides = array<i32>} : memref<80x144xf32, #tpu.memory_space<vmem>>, vector<16xf32>,
        %broadcast_in_dim3A_233 = arith.constant 2 : i32
        %broadcast_in_dim3A_234 = vector.broadcast %broadcast_in_dim3A_233 : i32 to vector<16x1xi32>
        %gather3A_235 = vector.shape_cast %broadcast_in_dim3A_234 : vector<16x1xi32> to vector<16xi32>
        %gather3A_236 = tpu.dynamic_gather %exp3A[%gather3A_235] in [0] : vector<16xf32>, vector<16xi32> -> vector<16xf32>
        %get3A_237 = arith.index_cast %scan3A_180 : i32 to index
        %get3A_238 = arith.constant 64 : index
        %get3A_239 = tpu.vector_load %arg9[%get3A_237, %get3A_238] {strides = array<i32>} : memref<80x144xf32, #tpu.memory_space<vmem>>, vector<16xf32>,
        %mul3A_240 = arith.mulf %get3A_239, %gather3A_236 : vector<16xf32>
        %swap3A_241 = arith.index_cast %scan3A_180 : i32 to index
        %swap3A_242 = arith.constant 64 : index
        %swap3A_243 = tpu.vector_load %arg11[%swap3A_241, %swap3A_242] {strides = array<i32>} : memref<80x144xf32, #tpu.memory_space<vmem>>, vector<16xf32>,
        tpu.vector_store %arg11[%swap3A_241, %swap3A_242], %mul3A_240 {strides = array<i32>} : memref<80x144xf32, #tpu.memory_space<vmem>>, vector<16xf32>,
        %get3A_244 = arith.index_cast %scan3A_180 : i32 to index
        %get3A_245 = arith.constant 80 : index
        %get3A_246 = tpu.vector_load %arg9[%get3A_244, %get3A_245] {strides = array<i32>} : memref<80x144xf32, #tpu.memory_space<vmem>>, vector<16xf32>,
        %mul3A_247 = arith.mulf %get3A_246, %gather3A_236 : vector<16xf32>
        %swap3A_248 = arith.index_cast %scan3A_180 : i32 to index
        %swap3A_249 = arith.constant 80 : index
        %swap3A_250 = tpu.vector_load %arg11[%swap3A_248, %swap3A_249] {strides = array<i32>} : memref<80x144xf32, #tpu.memory_space<vmem>>, vector<16xf32>,
        tpu.vector_store %arg11[%swap3A_248, %swap3A_249], %mul3A_247 {strides = array<i32>} : memref<80x144xf32, #tpu.memory_space<vmem>>, vector<16xf32>,
        %broadcast_in_dim3A_251 = arith.constant 3 : i32
        %broadcast_in_dim3A_252 = vector.broadcast %broadcast_in_dim3A_251 : i32 to vector<16x1xi32>
        %gather3A_253 = vector.shape_cast %broadcast_in_dim3A_252 : vector<16x1xi32> to vector<16xi32>
        %gather3A_254 = tpu.dynamic_gather %exp3A[%gather3A_253] in [0] : vector<16xf32>, vector<16xi32> -> vector<16xf32>
        %get3A_255 = arith.index_cast %scan3A_180 : i32 to index
        %get3A_256 = arith.constant 96 : index
        %get3A_257 = tpu.vector_load %arg9[%get3A_255, %get3A_256] {strides = array<i32>} : memref<80x144xf32, #tpu.memory_space<vmem>>, vector<16xf32>,
        %mul3A_258 = arith.mulf %get3A_257, %gather3A_254 : vector<16xf32>
        %swap3A_259 = arith.index_cast %scan3A_180 : i32 to index
        %swap3A_260 = arith.constant 96 : index
        %swap3A_261 = tpu.vector_load %arg11[%swap3A_259, %swap3A_260] {strides = array<i32>} : memref<80x144xf32, #tpu.memory_space<vmem>>, vector<16xf32>,
        tpu.vector_store %arg11[%swap3A_259, %swap3A_260], %mul3A_258 {strides = array<i32>} : memref<80x144xf32, #tpu.memory_space<vmem>>, vector<16xf32>,
        %get3A_262 = arith.index_cast %scan3A_180 : i32 to index
        %get3A_263 = arith.constant 112 : index
        %get3A_264 = tpu.vector_load %arg9[%get3A_262, %get3A_263] {strides = array<i32>} : memref<80x144xf32, #tpu.memory_space<vmem>>, vector<16xf32>,
        %mul3A_265 = arith.mulf %get3A_264, %gather3A_254 : vector<16xf32>
        %swap3A_266 = arith.index_cast %scan3A_180 : i32 to index
        %swap3A_267 = arith.constant 112 : index
        %swap3A_268 = tpu.vector_load %arg11[%swap3A_266, %swap3A_267] {strides = array<i32>} : memref<80x144xf32, #tpu.memory_space<vmem>>, vector<16xf32>,
        tpu.vector_store %arg11[%swap3A_266, %swap3A_267], %mul3A_265 {strides = array<i32>} : memref<80x144xf32, #tpu.memory_space<vmem>>, vector<16xf32>,
        %swap3A_269 = arith.index_cast %scan3A_180 : i32 to index
        %swap3A_270 = arith.constant 128 : index
        %swap3A_271 = tpu.vector_load %arg11[%swap3A_269, %swap3A_270] {strides = array<i32>} : memref<80x144xf32, #tpu.memory_space<vmem>>, vector<16xf32>,
        tpu.vector_store %arg11[%swap3A_269, %swap3A_270], %exp3A {strides = array<i32>} : memref<80x144xf32, #tpu.memory_space<vmem>>, vector<16xf32>,
      }
      %scan3A_131 = arith.constant 80 : i32
      "tpu.region"() ({
        %run_scoped3A = tpu.sem_alloc : memref<!tpu.dma_semaphore, #tpu.memory_space<semaphore_mem>>
        %dma_start3A_180 = arith.constant 0 : i32
        %dma_start3A_181 = arith.constant 0 : i32
        %dma_start3A_182 = tpu.memref_slice %arg21[%dma_start3A_180, %dma_start3A_181] : memref<10000x144xf32, #tpu.memory_space<vmem_shared>> -> memref<10000x144xf32, #tpu.memory_space<vmem_shared>>
        tpu.enqueue_indirect_dma source(%arg11 : memref<80x144xf32, #tpu.memory_space<vmem>>) target(%dma_start3A_182 : memref<10000x144xf32, #tpu.memory_space<vmem_shared>>) offsets(%arg18 : memref<80xi32, #tpu.memory_space<vmem>>) semaphore(%run_scoped3A : memref<!tpu.dma_semaphore, #tpu.memory_space<semaphore_mem>>) {add = true}
        %dma_wait3A_183 = arith.constant 0 : i32
        %dma_wait3A_184 = arith.constant 0 : i32
        %dma_wait3A_185 = tpu.memref_slice %arg21[%dma_wait3A_183, %dma_wait3A_184] : memref<10000x144xf32, #tpu.memory_space<vmem_shared>> -> memref<10000x144xf32, #tpu.memory_space<vmem_shared>>
        tpu.wait_indirect_dma semaphore(%run_scoped3A : memref<!tpu.dma_semaphore, #tpu.memory_space<semaphore_mem>>) src(%arg11 : memref<80x144xf32, #tpu.memory_space<vmem>>) dst(%dma_wait3A_185 : memref<10000x144xf32, #tpu.memory_space<vmem_shared>>)
        tpu.yield
      }) : () -> ()
      %add3A_132 = arith.constant 2 : i32
      %add3A_133 = arith.addi %add3A_96, %add3A_132 : i32
      %lt3A = arith.constant 125 : i32
      %lt3A_134 = arith.cmpi slt, %add3A_133, %lt3A : i32
      %convert_element_type3A = arith.extui %lt3A_134 : i1 to i32
      %cond3A = arith.constant 0 : i32
      %cond3A_135 = arith.cmpi ne, %convert_element_type3A, %cond3A : i32
      scf.if %cond3A_135 {
        %add3A_180 = arith.constant 2 : i32
        %add3A_181 = arith.addi %add3A_96, %add3A_180 : i32
        %mul3A_182 = arith.constant 80 : i32
        %mul3A_183 = arith.muli %add3A_181, %mul3A_182 : i32
        %add3A_184 = arith.addi %mul3A_2, %mul3A_183 : i32
        %dma_start3A_185 = tpu.memref_slice %arg5[%add3A_184] : memref<320000xi32, #tpu.memory_space<hbm>> -> memref<80xi32, #tpu.memory_space<hbm>>
        %dma_start3A_186 = tpu.memref_slice %arg5[%add3A_184] : memref<320000xi32, #tpu.memory_space<hbm>> -> memref<80xi32, #tpu.memory_space<hbm>>
        tpu.enqueue_dma source(%dma_start3A_186 : memref<80xi32, #tpu.memory_space<hbm>>) target(%arg16 : memref<80xi32, #tpu.memory_space<vmem>>) target_semaphore(%arg22 : memref<!tpu.dma_semaphore, #tpu.memory_space<semaphore_mem>>)
        %dma_start3A_187 = tpu.memref_slice %arg6[%add3A_184] : memref<320000xi32, #tpu.memory_space<hbm>> -> memref<80xi32, #tpu.memory_space<hbm>>
        %dma_start3A_188 = tpu.memref_slice %arg6[%add3A_184] : memref<320000xi32, #tpu.memory_space<hbm>> -> memref<80xi32, #tpu.memory_space<hbm>>
        tpu.enqueue_dma source(%dma_start3A_188 : memref<80xi32, #tpu.memory_space<hbm>>) target(%arg18 : memref<80xi32, #tpu.memory_space<vmem>>) target_semaphore(%arg22 : memref<!tpu.dma_semaphore, #tpu.memory_space<semaphore_mem>>)
        %mul3A_189 = arith.constant 8 : i32
        %mul3A_190 = arith.muli %mul3A_189, %add3A_184 : i32
        %dma_start3A_191 = arith.constant 0 : i32
        %dma_start3A_192 = tpu.memref_slice %arg14[%dma_start3A_191] : memref<656xf32, #tpu.memory_space<vmem>> -> memref<640xf32, #tpu.memory_space<vmem>>
        %dma_start3A_193 = tpu.memref_slice %arg4[%mul3A_190] : memref<2560000xf32, #tpu.memory_space<hbm>> -> memref<640xf32, #tpu.memory_space<hbm>>
        %dma_start3A_194 = arith.constant 0 : i32
        %dma_start3A_195 = tpu.memref_slice %arg14[%dma_start3A_194] : memref<656xf32, #tpu.memory_space<vmem>> -> memref<640xf32, #tpu.memory_space<vmem>>
        %dma_start3A_196 = tpu.memref_slice %arg4[%mul3A_190] : memref<2560000xf32, #tpu.memory_space<hbm>> -> memref<640xf32, #tpu.memory_space<hbm>>
        tpu.enqueue_dma source(%dma_start3A_196 : memref<640xf32, #tpu.memory_space<hbm>>) target(%dma_start3A_195 : memref<640xf32, #tpu.memory_space<vmem>>) target_semaphore(%arg22 : memref<!tpu.dma_semaphore, #tpu.memory_space<semaphore_mem>>)
      } else {
      }
      %add3A_136 = arith.constant 1 : i32
      %add3A_137 = arith.addi %mul3A_94, %add3A_136 : i32
      %add3A_138 = arith.constant 1 : i32
      %add3A_139 = arith.addi %add3A_137, %add3A_138 : i32
      %mul3A_140 = arith.constant 80 : i32
      %mul3A_141 = arith.muli %add3A_139, %mul3A_140 : i32
      %add3A_142 = arith.addi %mul3A_2, %mul3A_141 : i32
      %dma_wait3A_143 = tpu.memref_slice %arg5[%add3A_142] : memref<320000xi32, #tpu.memory_space<hbm>> -> memref<80xi32, #tpu.memory_space<hbm>>
      %dma_wait3A_144 = tpu.memref_slice %arg5[%add3A_142] : memref<320000xi32, #tpu.memory_space<hbm>> -> memref<80xi32, #tpu.memory_space<hbm>>
      tpu.wait_dma2 semaphore(%arg22 : memref<!tpu.dma_semaphore, #tpu.memory_space<semaphore_mem>>) src(%dma_wait3A_144 : memref<80xi32, #tpu.memory_space<hbm>>) dst(%arg16 : memref<80xi32, #tpu.memory_space<vmem>>)
      %dma_wait3A_145 = tpu.memref_slice %arg6[%add3A_142] : memref<320000xi32, #tpu.memory_space<hbm>> -> memref<80xi32, #tpu.memory_space<hbm>>
      %dma_wait3A_146 = tpu.memref_slice %arg6[%add3A_142] : memref<320000xi32, #tpu.memory_space<hbm>> -> memref<80xi32, #tpu.memory_space<hbm>>
      tpu.wait_dma2 semaphore(%arg22 : memref<!tpu.dma_semaphore, #tpu.memory_space<semaphore_mem>>) src(%dma_wait3A_146 : memref<80xi32, #tpu.memory_space<hbm>>) dst(%arg18 : memref<80xi32, #tpu.memory_space<vmem>>)
      %mul3A_147 = arith.constant 8 : i32
      %mul3A_148 = arith.muli %mul3A_147, %add3A_142 : i32
      %dma_wait3A_149 = arith.constant 0 : i32
      %dma_wait3A_150 = tpu.memref_slice %arg14[%dma_wait3A_149] : memref<656xf32, #tpu.memory_space<vmem>> -> memref<640xf32, #tpu.memory_space<vmem>>
      %dma_wait3A_151 = tpu.memref_slice %arg4[%mul3A_148] : memref<2560000xf32, #tpu.memory_space<hbm>> -> memref<640xf32, #tpu.memory_space<hbm>>
      %dma_wait3A_152 = arith.constant 0 : i32
      %dma_wait3A_153 = tpu.memref_slice %arg14[%dma_wait3A_152] : memref<656xf32, #tpu.memory_space<vmem>> -> memref<640xf32, #tpu.memory_space<vmem>>
      %dma_wait3A_154 = tpu.memref_slice %arg4[%mul3A_148] : memref<2560000xf32, #tpu.memory_space<hbm>> -> memref<640xf32, #tpu.memory_space<hbm>>
      tpu.wait_dma2 semaphore(%arg22 : memref<!tpu.dma_semaphore, #tpu.memory_space<semaphore_mem>>) src(%dma_wait3A_154 : memref<640xf32, #tpu.memory_space<hbm>>) dst(%dma_wait3A_153 : memref<640xf32, #tpu.memory_space<vmem>>)
      %dma_start3A_155 = arith.constant 0 : i32
      %dma_start3A_156 = arith.constant 0 : i32
      %dma_start3A_157 = tpu.memref_slice %arg2[%dma_start3A_155, %dma_start3A_156] : memref<10000x144xf32, #tpu.memory_space<hbm>> -> memref<10000x144xf32, #tpu.memory_space<hbm>>
      tpu.enqueue_indirect_dma source(%dma_start3A_157 : memref<10000x144xf32, #tpu.memory_space<hbm>>) target(%arg9 : memref<80x144xf32, #tpu.memory_space<vmem>>) offsets(%arg16 : memref<80xi32, #tpu.memory_space<vmem>>) semaphore(%arg24 : memref<!tpu.dma_semaphore, #tpu.memory_space<semaphore_mem>>)
      %dma_start3A_158 = arith.constant 0 : i32
      %dma_start3A_159 = arith.constant 0 : i32
      %dma_start3A_160 = tpu.memref_slice %arg3[%dma_start3A_158, %dma_start3A_159] : memref<10000x16xf32, #tpu.memory_space<hbm>> -> memref<10000x16xf32, #tpu.memory_space<hbm>>
      tpu.enqueue_indirect_dma source(%dma_start3A_160 : memref<10000x16xf32, #tpu.memory_space<hbm>>) target(%arg12 : memref<80x16xf32, #tpu.memory_space<vmem>>) offsets(%arg18 : memref<80xi32, #tpu.memory_space<vmem>>) semaphore(%arg24 : memref<!tpu.dma_semaphore, #tpu.memory_space<semaphore_mem>>)
      %dma_wait3A_161 = arith.constant 0 : i32
      %dma_wait3A_162 = arith.constant 0 : i32
      %dma_wait3A_163 = tpu.memref_slice %arg2[%dma_wait3A_161, %dma_wait3A_162] : memref<10000x144xf32, #tpu.memory_space<hbm>> -> memref<10000x144xf32, #tpu.memory_space<hbm>>
      tpu.wait_indirect_dma semaphore(%arg25 : memref<!tpu.dma_semaphore, #tpu.memory_space<semaphore_mem>>) src(%dma_wait3A_163 : memref<10000x144xf32, #tpu.memory_space<hbm>>) dst(%arg10 : memref<80x144xf32, #tpu.memory_space<vmem>>)
      %dma_wait3A_164 = arith.constant 0 : i32
      %dma_wait3A_165 = arith.constant 0 : i32
      %dma_wait3A_166 = tpu.memref_slice %arg3[%dma_wait3A_164, %dma_wait3A_165] : memref<10000x16xf32, #tpu.memory_space<hbm>> -> memref<10000x16xf32, #tpu.memory_space<hbm>>
      tpu.wait_indirect_dma semaphore(%arg25 : memref<!tpu.dma_semaphore, #tpu.memory_space<semaphore_mem>>) src(%dma_wait3A_166 : memref<10000x16xf32, #tpu.memory_space<hbm>>) dst(%arg13 : memref<80x16xf32, #tpu.memory_space<vmem>>)
      %scan3A_167 = arith.constant 0 : i32
      %scan3A_168 = arith.constant 0 : i32
      %scan3A_169 = arith.constant 80 : i32
      %scan3A_170 = arith.addi %scan3A_168, %scan3A_169 : i32
      %scan3A_171 = arith.constant 1 : i32
      scf.for %scan3A_180 = %scan3A_168 to %scan3A_170 step %scan3A_171  : i32 {
        %get3A_181 = arith.index_cast %scan3A_180 : i32 to index
        %get3A_182 = arith.constant 128 : index
        %get3A_183 = tpu.vector_load %arg10[%get3A_181, %get3A_182] {strides = array<i32>} : memref<80x144xf32, #tpu.memory_space<vmem>>, vector<16xf32>,
        %get3A_184 = arith.index_cast %scan3A_180 : i32 to index
        %get3A_185 = arith.constant 0 : index
        %get3A_186 = tpu.vector_load %arg13[%get3A_184, %get3A_185] {strides = array<i32>} : memref<80x16xf32, #tpu.memory_space<vmem>>, vector<16xf32>,
        %mul3A_187 = arith.constant 8 : i32
        %mul3A_188 = arith.muli %mul3A_187, %scan3A_180 : i32
        %add3A_189 = arith.constant 0 : i32
        %add3A_190 = arith.addi %mul3A_188, %add3A_189 : i32
        %get3A_191 = arith.index_cast %add3A_190 : i32 to index
        %get3A_192 = tpu.vector_load %arg15[%get3A_191] {strides = array<i32>} : memref<656xf32, #tpu.memory_space<vmem>>, vector<16xf32>,
        %add3A_193 = arith.addf %get3A_183, %get3A_186 : vector<16xf32>
        %add3A_194 = arith.addf %add3A_193, %get3A_192 : vector<16xf32>
        %ge3A = arith.constant 0.000000e+00 : f32
        %ge3A_195 = vector.broadcast %ge3A : f32 to vector<16xf32>
        %ge3A_196 = arith.cmpf oge, %add3A_194, %ge3A_195 : vector<16xf32>
        %mul3A_197 = arith.constant 2.000000e-01 : f32
        %mul3A_198 = vector.broadcast %mul3A_197 : f32 to vector<16xf32>
        %mul3A_199 = arith.mulf %mul3A_198, %add3A_194 : vector<16xf32>
        %select_n3A = arith.select %ge3A_196, %add3A_194, %mul3A_199 : vector<16xi1>, vector<16xf32>
        %sub3A = arith.subf %select_n3A, %get3A_26 : vector<16xf32>
        %exp3A = math.exp %sub3A : vector<16xf32>
        %broadcast_in_dim3A = arith.constant 0 : i32
        %broadcast_in_dim3A_200 = vector.broadcast %broadcast_in_dim3A : i32 to vector<16x1xi32>
        %gather3A = vector.shape_cast %broadcast_in_dim3A_200 : vector<16x1xi32> to vector<16xi32>
        %gather3A_201 = tpu.dynamic_gather %exp3A[%gather3A] in [0] : vector<16xf32>, vector<16xi32> -> vector<16xf32>
        %get3A_202 = arith.index_cast %scan3A_180 : i32 to index
        %get3A_203 = arith.constant 0 : index
        %get3A_204 = tpu.vector_load %arg10[%get3A_202, %get3A_203] {strides = array<i32>} : memref<80x144xf32, #tpu.memory_space<vmem>>, vector<16xf32>,
        %mul3A_205 = arith.mulf %get3A_204, %gather3A_201 : vector<16xf32>
        %swap3A = arith.index_cast %scan3A_180 : i32 to index
        %swap3A_206 = arith.constant 0 : index
        %swap3A_207 = tpu.vector_load %arg11[%swap3A, %swap3A_206] {strides = array<i32>} : memref<80x144xf32, #tpu.memory_space<vmem>>, vector<16xf32>,
        tpu.vector_store %arg11[%swap3A, %swap3A_206], %mul3A_205 {strides = array<i32>} : memref<80x144xf32, #tpu.memory_space<vmem>>, vector<16xf32>,
        %get3A_208 = arith.index_cast %scan3A_180 : i32 to index
        %get3A_209 = arith.constant 16 : index
        %get3A_210 = tpu.vector_load %arg10[%get3A_208, %get3A_209] {strides = array<i32>} : memref<80x144xf32, #tpu.memory_space<vmem>>, vector<16xf32>,
        %mul3A_211 = arith.mulf %get3A_210, %gather3A_201 : vector<16xf32>
        %swap3A_212 = arith.index_cast %scan3A_180 : i32 to index
        %swap3A_213 = arith.constant 16 : index
        %swap3A_214 = tpu.vector_load %arg11[%swap3A_212, %swap3A_213] {strides = array<i32>} : memref<80x144xf32, #tpu.memory_space<vmem>>, vector<16xf32>,
        tpu.vector_store %arg11[%swap3A_212, %swap3A_213], %mul3A_211 {strides = array<i32>} : memref<80x144xf32, #tpu.memory_space<vmem>>, vector<16xf32>,
        %broadcast_in_dim3A_215 = arith.constant 1 : i32
        %broadcast_in_dim3A_216 = vector.broadcast %broadcast_in_dim3A_215 : i32 to vector<16x1xi32>
        %gather3A_217 = vector.shape_cast %broadcast_in_dim3A_216 : vector<16x1xi32> to vector<16xi32>
        %gather3A_218 = tpu.dynamic_gather %exp3A[%gather3A_217] in [0] : vector<16xf32>, vector<16xi32> -> vector<16xf32>
        %get3A_219 = arith.index_cast %scan3A_180 : i32 to index
        %get3A_220 = arith.constant 32 : index
        %get3A_221 = tpu.vector_load %arg10[%get3A_219, %get3A_220] {strides = array<i32>} : memref<80x144xf32, #tpu.memory_space<vmem>>, vector<16xf32>,
        %mul3A_222 = arith.mulf %get3A_221, %gather3A_218 : vector<16xf32>
        %swap3A_223 = arith.index_cast %scan3A_180 : i32 to index
        %swap3A_224 = arith.constant 32 : index
        %swap3A_225 = tpu.vector_load %arg11[%swap3A_223, %swap3A_224] {strides = array<i32>} : memref<80x144xf32, #tpu.memory_space<vmem>>, vector<16xf32>,
        tpu.vector_store %arg11[%swap3A_223, %swap3A_224], %mul3A_222 {strides = array<i32>} : memref<80x144xf32, #tpu.memory_space<vmem>>, vector<16xf32>,
        %get3A_226 = arith.index_cast %scan3A_180 : i32 to index
        %get3A_227 = arith.constant 48 : index
        %get3A_228 = tpu.vector_load %arg10[%get3A_226, %get3A_227] {strides = array<i32>} : memref<80x144xf32, #tpu.memory_space<vmem>>, vector<16xf32>,
        %mul3A_229 = arith.mulf %get3A_228, %gather3A_218 : vector<16xf32>
        %swap3A_230 = arith.index_cast %scan3A_180 : i32 to index
        %swap3A_231 = arith.constant 48 : index
        %swap3A_232 = tpu.vector_load %arg11[%swap3A_230, %swap3A_231] {strides = array<i32>} : memref<80x144xf32, #tpu.memory_space<vmem>>, vector<16xf32>,
        tpu.vector_store %arg11[%swap3A_230, %swap3A_231], %mul3A_229 {strides = array<i32>} : memref<80x144xf32, #tpu.memory_space<vmem>>, vector<16xf32>,
        %broadcast_in_dim3A_233 = arith.constant 2 : i32
        %broadcast_in_dim3A_234 = vector.broadcast %broadcast_in_dim3A_233 : i32 to vector<16x1xi32>
        %gather3A_235 = vector.shape_cast %broadcast_in_dim3A_234 : vector<16x1xi32> to vector<16xi32>
        %gather3A_236 = tpu.dynamic_gather %exp3A[%gather3A_235] in [0] : vector<16xf32>, vector<16xi32> -> vector<16xf32>
        %get3A_237 = arith.index_cast %scan3A_180 : i32 to index
        %get3A_238 = arith.constant 64 : index
        %get3A_239 = tpu.vector_load %arg10[%get3A_237, %get3A_238] {strides = array<i32>} : memref<80x144xf32, #tpu.memory_space<vmem>>, vector<16xf32>,
        %mul3A_240 = arith.mulf %get3A_239, %gather3A_236 : vector<16xf32>
        %swap3A_241 = arith.index_cast %scan3A_180 : i32 to index
        %swap3A_242 = arith.constant 64 : index
        %swap3A_243 = tpu.vector_load %arg11[%swap3A_241, %swap3A_242] {strides = array<i32>} : memref<80x144xf32, #tpu.memory_space<vmem>>, vector<16xf32>,
        tpu.vector_store %arg11[%swap3A_241, %swap3A_242], %mul3A_240 {strides = array<i32>} : memref<80x144xf32, #tpu.memory_space<vmem>>, vector<16xf32>,
        %get3A_244 = arith.index_cast %scan3A_180 : i32 to index
        %get3A_245 = arith.constant 80 : index
        %get3A_246 = tpu.vector_load %arg10[%get3A_244, %get3A_245] {strides = array<i32>} : memref<80x144xf32, #tpu.memory_space<vmem>>, vector<16xf32>,
        %mul3A_247 = arith.mulf %get3A_246, %gather3A_236 : vector<16xf32>
        %swap3A_248 = arith.index_cast %scan3A_180 : i32 to index
        %swap3A_249 = arith.constant 80 : index
        %swap3A_250 = tpu.vector_load %arg11[%swap3A_248, %swap3A_249] {strides = array<i32>} : memref<80x144xf32, #tpu.memory_space<vmem>>, vector<16xf32>,
        tpu.vector_store %arg11[%swap3A_248, %swap3A_249], %mul3A_247 {strides = array<i32>} : memref<80x144xf32, #tpu.memory_space<vmem>>, vector<16xf32>,
        %broadcast_in_dim3A_251 = arith.constant 3 : i32
        %broadcast_in_dim3A_252 = vector.broadcast %broadcast_in_dim3A_251 : i32 to vector<16x1xi32>
        %gather3A_253 = vector.shape_cast %broadcast_in_dim3A_252 : vector<16x1xi32> to vector<16xi32>
        %gather3A_254 = tpu.dynamic_gather %exp3A[%gather3A_253] in [0] : vector<16xf32>, vector<16xi32> -> vector<16xf32>
        %get3A_255 = arith.index_cast %scan3A_180 : i32 to index
        %get3A_256 = arith.constant 96 : index
        %get3A_257 = tpu.vector_load %arg10[%get3A_255, %get3A_256] {strides = array<i32>} : memref<80x144xf32, #tpu.memory_space<vmem>>, vector<16xf32>,
        %mul3A_258 = arith.mulf %get3A_257, %gather3A_254 : vector<16xf32>
        %swap3A_259 = arith.index_cast %scan3A_180 : i32 to index
        %swap3A_260 = arith.constant 96 : index
        %swap3A_261 = tpu.vector_load %arg11[%swap3A_259, %swap3A_260] {strides = array<i32>} : memref<80x144xf32, #tpu.memory_space<vmem>>, vector<16xf32>,
        tpu.vector_store %arg11[%swap3A_259, %swap3A_260], %mul3A_258 {strides = array<i32>} : memref<80x144xf32, #tpu.memory_space<vmem>>, vector<16xf32>,
        %get3A_262 = arith.index_cast %scan3A_180 : i32 to index
        %get3A_263 = arith.constant 112 : index
        %get3A_264 = tpu.vector_load %arg10[%get3A_262, %get3A_263] {strides = array<i32>} : memref<80x144xf32, #tpu.memory_space<vmem>>, vector<16xf32>,
        %mul3A_265 = arith.mulf %get3A_264, %gather3A_254 : vector<16xf32>
        %swap3A_266 = arith.index_cast %scan3A_180 : i32 to index
        %swap3A_267 = arith.constant 112 : index
        %swap3A_268 = tpu.vector_load %arg11[%swap3A_266, %swap3A_267] {strides = array<i32>} : memref<80x144xf32, #tpu.memory_space<vmem>>, vector<16xf32>,
        tpu.vector_store %arg11[%swap3A_266, %swap3A_267], %mul3A_265 {strides = array<i32>} : memref<80x144xf32, #tpu.memory_space<vmem>>, vector<16xf32>,
        %swap3A_269 = arith.index_cast %scan3A_180 : i32 to index
        %swap3A_270 = arith.constant 128 : index
        %swap3A_271 = tpu.vector_load %arg11[%swap3A_269, %swap3A_270] {strides = array<i32>} : memref<80x144xf32, #tpu.memory_space<vmem>>, vector<16xf32>,
        tpu.vector_store %arg11[%swap3A_269, %swap3A_270], %exp3A {strides = array<i32>} : memref<80x144xf32, #tpu.memory_space<vmem>>, vector<16xf32>,
      }
      %scan3A_172 = arith.constant 80 : i32
      "tpu.region"() ({
        %run_scoped3A = tpu.sem_alloc : memref<!tpu.dma_semaphore, #tpu.memory_space<semaphore_mem>>
        %dma_start3A_180 = arith.constant 0 : i32
        %dma_start3A_181 = arith.constant 0 : i32
        %dma_start3A_182 = tpu.memref_slice %arg21[%dma_start3A_180, %dma_start3A_181] : memref<10000x144xf32, #tpu.memory_space<vmem_shared>> -> memref<10000x144xf32, #tpu.memory_space<vmem_shared>>
        tpu.enqueue_indirect_dma source(%arg11 : memref<80x144xf32, #tpu.memory_space<vmem>>) target(%dma_start3A_182 : memref<10000x144xf32, #tpu.memory_space<vmem_shared>>) offsets(%arg19 : memref<80xi32, #tpu.memory_space<vmem>>) semaphore(%run_scoped3A : memref<!tpu.dma_semaphore, #tpu.memory_space<semaphore_mem>>) {add = true}
        %dma_wait3A_183 = arith.constant 0 : i32
        %dma_wait3A_184 = arith.constant 0 : i32
        %dma_wait3A_185 = tpu.memref_slice %arg21[%dma_wait3A_183, %dma_wait3A_184] : memref<10000x144xf32, #tpu.memory_space<vmem_shared>> -> memref<10000x144xf32, #tpu.memory_space<vmem_shared>>
        tpu.wait_indirect_dma semaphore(%run_scoped3A : memref<!tpu.dma_semaphore, #tpu.memory_space<semaphore_mem>>) src(%arg11 : memref<80x144xf32, #tpu.memory_space<vmem>>) dst(%dma_wait3A_185 : memref<10000x144xf32, #tpu.memory_space<vmem_shared>>)
        tpu.yield
      }) : () -> ()
      %add3A_173 = arith.constant 2 : i32
      %add3A_174 = arith.addi %add3A_137, %add3A_173 : i32
      %lt3A_175 = arith.constant 125 : i32
      %lt3A_176 = arith.cmpi slt, %add3A_174, %lt3A_175 : i32
      %convert_element_type3A_177 = arith.extui %lt3A_176 : i1 to i32
      %cond3A_178 = arith.constant 0 : i32
      %cond3A_179 = arith.cmpi ne, %convert_element_type3A_177, %cond3A_178 : i32
      scf.if %cond3A_179 {
        %add3A_180 = arith.constant 2 : i32
        %add3A_181 = arith.addi %add3A_137, %add3A_180 : i32
        %mul3A_182 = arith.constant 80 : i32
        %mul3A_183 = arith.muli %add3A_181, %mul3A_182 : i32
        %add3A_184 = arith.addi %mul3A_2, %mul3A_183 : i32
        %dma_start3A_185 = tpu.memref_slice %arg5[%add3A_184] : memref<320000xi32, #tpu.memory_space<hbm>> -> memref<80xi32, #tpu.memory_space<hbm>>
        %dma_start3A_186 = tpu.memref_slice %arg5[%add3A_184] : memref<320000xi32, #tpu.memory_space<hbm>> -> memref<80xi32, #tpu.memory_space<hbm>>
        tpu.enqueue_dma source(%dma_start3A_186 : memref<80xi32, #tpu.memory_space<hbm>>) target(%arg17 : memref<80xi32, #tpu.memory_space<vmem>>) target_semaphore(%arg23 : memref<!tpu.dma_semaphore, #tpu.memory_space<semaphore_mem>>)
        %dma_start3A_187 = tpu.memref_slice %arg6[%add3A_184] : memref<320000xi32, #tpu.memory_space<hbm>> -> memref<80xi32, #tpu.memory_space<hbm>>
        %dma_start3A_188 = tpu.memref_slice %arg6[%add3A_184] : memref<320000xi32, #tpu.memory_space<hbm>> -> memref<80xi32, #tpu.memory_space<hbm>>
        tpu.enqueue_dma source(%dma_start3A_188 : memref<80xi32, #tpu.memory_space<hbm>>) target(%arg19 : memref<80xi32, #tpu.memory_space<vmem>>) target_semaphore(%arg23 : memref<!tpu.dma_semaphore, #tpu.memory_space<semaphore_mem>>)
        %mul3A_189 = arith.constant 8 : i32
        %mul3A_190 = arith.muli %mul3A_189, %add3A_184 : i32
        %dma_start3A_191 = arith.constant 0 : i32
        %dma_start3A_192 = tpu.memref_slice %arg15[%dma_start3A_191] : memref<656xf32, #tpu.memory_space<vmem>> -> memref<640xf32, #tpu.memory_space<vmem>>
        %dma_start3A_193 = tpu.memref_slice %arg4[%mul3A_190] : memref<2560000xf32, #tpu.memory_space<hbm>> -> memref<640xf32, #tpu.memory_space<hbm>>
        %dma_start3A_194 = arith.constant 0 : i32
        %dma_start3A_195 = tpu.memref_slice %arg15[%dma_start3A_194] : memref<656xf32, #tpu.memory_space<vmem>> -> memref<640xf32, #tpu.memory_space<vmem>>
        %dma_start3A_196 = tpu.memref_slice %arg4[%mul3A_190] : memref<2560000xf32, #tpu.memory_space<hbm>> -> memref<640xf32, #tpu.memory_space<hbm>>
        tpu.enqueue_dma source(%dma_start3A_196 : memref<640xf32, #tpu.memory_space<hbm>>) target(%dma_start3A_195 : memref<640xf32, #tpu.memory_space<vmem>>) target_semaphore(%arg23 : memref<!tpu.dma_semaphore, #tpu.memory_space<semaphore_mem>>)
      } else {
      }
    }
    %scan3A_78 = arith.constant 62 : i32
    %dma_wait3A_79 = arith.constant 0 : i32
    %dma_wait3A_80 = arith.constant 0 : i32
    %dma_wait3A_81 = tpu.memref_slice %arg2[%dma_wait3A_79, %dma_wait3A_80] : memref<10000x144xf32, #tpu.memory_space<hbm>> -> memref<10000x144xf32, #tpu.memory_space<hbm>>
    tpu.wait_indirect_dma semaphore(%arg24 : memref<!tpu.dma_semaphore, #tpu.memory_space<semaphore_mem>>) src(%dma_wait3A_81 : memref<10000x144xf32, #tpu.memory_space<hbm>>) dst(%arg9 : memref<80x144xf32, #tpu.memory_space<vmem>>)
    %dma_wait3A_82 = arith.constant 0 : i32
    %dma_wait3A_83 = arith.constant 0 : i32
    %dma_wait3A_84 = tpu.memref_slice %arg3[%dma_wait3A_82, %dma_wait3A_83] : memref<10000x16xf32, #tpu.memory_space<hbm>> -> memref<10000x16xf32, #tpu.memory_space<hbm>>
    tpu.wait_indirect_dma semaphore(%arg24 : memref<!tpu.dma_semaphore, #tpu.memory_space<semaphore_mem>>) src(%dma_wait3A_84 : memref<10000x16xf32, #tpu.memory_space<hbm>>) dst(%arg12 : memref<80x16xf32, #tpu.memory_space<vmem>>)
    %scan3A_85 = arith.constant 0 : i32
    %scan3A_86 = arith.constant 0 : i32
    %scan3A_87 = arith.constant 80 : i32
    %scan3A_88 = arith.addi %scan3A_86, %scan3A_87 : i32
    %scan3A_89 = arith.constant 1 : i32
    scf.for %scan3A_92 = %scan3A_86 to %scan3A_88 step %scan3A_89  : i32 {
      %get3A_93 = arith.index_cast %scan3A_92 : i32 to index
      %get3A_94 = arith.constant 128 : index
      %get3A_95 = tpu.vector_load %arg9[%get3A_93, %get3A_94] {strides = array<i32>} : memref<80x144xf32, #tpu.memory_space<vmem>>, vector<16xf32>,
      %get3A_96 = arith.index_cast %scan3A_92 : i32 to index
      %get3A_97 = arith.constant 0 : index
      %get3A_98 = tpu.vector_load %arg12[%get3A_96, %get3A_97] {strides = array<i32>} : memref<80x16xf32, #tpu.memory_space<vmem>>, vector<16xf32>,
      %mul3A_99 = arith.constant 8 : i32
      %mul3A_100 = arith.muli %mul3A_99, %scan3A_92 : i32
      %add3A_101 = arith.constant 0 : i32
      %add3A_102 = arith.addi %mul3A_100, %add3A_101 : i32
      %get3A_103 = arith.index_cast %add3A_102 : i32 to index
      %get3A_104 = tpu.vector_load %arg14[%get3A_103] {strides = array<i32>} : memref<656xf32, #tpu.memory_space<vmem>>, vector<16xf32>,
      %add3A_105 = arith.addf %get3A_95, %get3A_98 : vector<16xf32>
      %add3A_106 = arith.addf %add3A_105, %get3A_104 : vector<16xf32>
      %ge3A = arith.constant 0.000000e+00 : f32
      %ge3A_107 = vector.broadcast %ge3A : f32 to vector<16xf32>
      %ge3A_108 = arith.cmpf oge, %add3A_106, %ge3A_107 : vector<16xf32>
      %mul3A_109 = arith.constant 2.000000e-01 : f32
      %mul3A_110 = vector.broadcast %mul3A_109 : f32 to vector<16xf32>
      %mul3A_111 = arith.mulf %mul3A_110, %add3A_106 : vector<16xf32>
      %select_n3A = arith.select %ge3A_108, %add3A_106, %mul3A_111 : vector<16xi1>, vector<16xf32>
      %sub3A = arith.subf %select_n3A, %get3A_26 : vector<16xf32>
      %exp3A = math.exp %sub3A : vector<16xf32>
      %broadcast_in_dim3A = arith.constant 0 : i32
      %broadcast_in_dim3A_112 = vector.broadcast %broadcast_in_dim3A : i32 to vector<16x1xi32>
      %gather3A = vector.shape_cast %broadcast_in_dim3A_112 : vector<16x1xi32> to vector<16xi32>
      %gather3A_113 = tpu.dynamic_gather %exp3A[%gather3A] in [0] : vector<16xf32>, vector<16xi32> -> vector<16xf32>
      %get3A_114 = arith.index_cast %scan3A_92 : i32 to index
      %get3A_115 = arith.constant 0 : index
      %get3A_116 = tpu.vector_load %arg9[%get3A_114, %get3A_115] {strides = array<i32>} : memref<80x144xf32, #tpu.memory_space<vmem>>, vector<16xf32>,
      %mul3A_117 = arith.mulf %get3A_116, %gather3A_113 : vector<16xf32>
      %swap3A = arith.index_cast %scan3A_92 : i32 to index
      %swap3A_118 = arith.constant 0 : index
      %swap3A_119 = tpu.vector_load %arg11[%swap3A, %swap3A_118] {strides = array<i32>} : memref<80x144xf32, #tpu.memory_space<vmem>>, vector<16xf32>,
      tpu.vector_store %arg11[%swap3A, %swap3A_118], %mul3A_117 {strides = array<i32>} : memref<80x144xf32, #tpu.memory_space<vmem>>, vector<16xf32>,
      %get3A_120 = arith.index_cast %scan3A_92 : i32 to index
      %get3A_121 = arith.constant 16 : index
      %get3A_122 = tpu.vector_load %arg9[%get3A_120, %get3A_121] {strides = array<i32>} : memref<80x144xf32, #tpu.memory_space<vmem>>, vector<16xf32>,
      %mul3A_123 = arith.mulf %get3A_122, %gather3A_113 : vector<16xf32>
      %swap3A_124 = arith.index_cast %scan3A_92 : i32 to index
      %swap3A_125 = arith.constant 16 : index
      %swap3A_126 = tpu.vector_load %arg11[%swap3A_124, %swap3A_125] {strides = array<i32>} : memref<80x144xf32, #tpu.memory_space<vmem>>, vector<16xf32>,
      tpu.vector_store %arg11[%swap3A_124, %swap3A_125], %mul3A_123 {strides = array<i32>} : memref<80x144xf32, #tpu.memory_space<vmem>>, vector<16xf32>,
      %broadcast_in_dim3A_127 = arith.constant 1 : i32
      %broadcast_in_dim3A_128 = vector.broadcast %broadcast_in_dim3A_127 : i32 to vector<16x1xi32>
      %gather3A_129 = vector.shape_cast %broadcast_in_dim3A_128 : vector<16x1xi32> to vector<16xi32>
      %gather3A_130 = tpu.dynamic_gather %exp3A[%gather3A_129] in [0] : vector<16xf32>, vector<16xi32> -> vector<16xf32>
      %get3A_131 = arith.index_cast %scan3A_92 : i32 to index
      %get3A_132 = arith.constant 32 : index
      %get3A_133 = tpu.vector_load %arg9[%get3A_131, %get3A_132] {strides = array<i32>} : memref<80x144xf32, #tpu.memory_space<vmem>>, vector<16xf32>,
      %mul3A_134 = arith.mulf %get3A_133, %gather3A_130 : vector<16xf32>
      %swap3A_135 = arith.index_cast %scan3A_92 : i32 to index
      %swap3A_136 = arith.constant 32 : index
      %swap3A_137 = tpu.vector_load %arg11[%swap3A_135, %swap3A_136] {strides = array<i32>} : memref<80x144xf32, #tpu.memory_space<vmem>>, vector<16xf32>,
      tpu.vector_store %arg11[%swap3A_135, %swap3A_136], %mul3A_134 {strides = array<i32>} : memref<80x144xf32, #tpu.memory_space<vmem>>, vector<16xf32>,
      %get3A_138 = arith.index_cast %scan3A_92 : i32 to index
      %get3A_139 = arith.constant 48 : index
      %get3A_140 = tpu.vector_load %arg9[%get3A_138, %get3A_139] {strides = array<i32>} : memref<80x144xf32, #tpu.memory_space<vmem>>, vector<16xf32>,
      %mul3A_141 = arith.mulf %get3A_140, %gather3A_130 : vector<16xf32>
      %swap3A_142 = arith.index_cast %scan3A_92 : i32 to index
      %swap3A_143 = arith.constant 48 : index
      %swap3A_144 = tpu.vector_load %arg11[%swap3A_142, %swap3A_143] {strides = array<i32>} : memref<80x144xf32, #tpu.memory_space<vmem>>, vector<16xf32>,
      tpu.vector_store %arg11[%swap3A_142, %swap3A_143], %mul3A_141 {strides = array<i32>} : memref<80x144xf32, #tpu.memory_space<vmem>>, vector<16xf32>,
      %broadcast_in_dim3A_145 = arith.constant 2 : i32
      %broadcast_in_dim3A_146 = vector.broadcast %broadcast_in_dim3A_145 : i32 to vector<16x1xi32>
      %gather3A_147 = vector.shape_cast %broadcast_in_dim3A_146 : vector<16x1xi32> to vector<16xi32>
      %gather3A_148 = tpu.dynamic_gather %exp3A[%gather3A_147] in [0] : vector<16xf32>, vector<16xi32> -> vector<16xf32>
      %get3A_149 = arith.index_cast %scan3A_92 : i32 to index
      %get3A_150 = arith.constant 64 : index
      %get3A_151 = tpu.vector_load %arg9[%get3A_149, %get3A_150] {strides = array<i32>} : memref<80x144xf32, #tpu.memory_space<vmem>>, vector<16xf32>,
      %mul3A_152 = arith.mulf %get3A_151, %gather3A_148 : vector<16xf32>
      %swap3A_153 = arith.index_cast %scan3A_92 : i32 to index
      %swap3A_154 = arith.constant 64 : index
      %swap3A_155 = tpu.vector_load %arg11[%swap3A_153, %swap3A_154] {strides = array<i32>} : memref<80x144xf32, #tpu.memory_space<vmem>>, vector<16xf32>,
      tpu.vector_store %arg11[%swap3A_153, %swap3A_154], %mul3A_152 {strides = array<i32>} : memref<80x144xf32, #tpu.memory_space<vmem>>, vector<16xf32>,
      %get3A_156 = arith.index_cast %scan3A_92 : i32 to index
      %get3A_157 = arith.constant 80 : index
      %get3A_158 = tpu.vector_load %arg9[%get3A_156, %get3A_157] {strides = array<i32>} : memref<80x144xf32, #tpu.memory_space<vmem>>, vector<16xf32>,
      %mul3A_159 = arith.mulf %get3A_158, %gather3A_148 : vector<16xf32>
      %swap3A_160 = arith.index_cast %scan3A_92 : i32 to index
      %swap3A_161 = arith.constant 80 : index
      %swap3A_162 = tpu.vector_load %arg11[%swap3A_160, %swap3A_161] {strides = array<i32>} : memref<80x144xf32, #tpu.memory_space<vmem>>, vector<16xf32>,
      tpu.vector_store %arg11[%swap3A_160, %swap3A_161], %mul3A_159 {strides = array<i32>} : memref<80x144xf32, #tpu.memory_space<vmem>>, vector<16xf32>,
      %broadcast_in_dim3A_163 = arith.constant 3 : i32
      %broadcast_in_dim3A_164 = vector.broadcast %broadcast_in_dim3A_163 : i32 to vector<16x1xi32>
      %gather3A_165 = vector.shape_cast %broadcast_in_dim3A_164 : vector<16x1xi32> to vector<16xi32>
      %gather3A_166 = tpu.dynamic_gather %exp3A[%gather3A_165] in [0] : vector<16xf32>, vector<16xi32> -> vector<16xf32>
      %get3A_167 = arith.index_cast %scan3A_92 : i32 to index
      %get3A_168 = arith.constant 96 : index
      %get3A_169 = tpu.vector_load %arg9[%get3A_167, %get3A_168] {strides = array<i32>} : memref<80x144xf32, #tpu.memory_space<vmem>>, vector<16xf32>,
      %mul3A_170 = arith.mulf %get3A_169, %gather3A_166 : vector<16xf32>
      %swap3A_171 = arith.index_cast %scan3A_92 : i32 to index
      %swap3A_172 = arith.constant 96 : index
      %swap3A_173 = tpu.vector_load %arg11[%swap3A_171, %swap3A_172] {strides = array<i32>} : memref<80x144xf32, #tpu.memory_space<vmem>>, vector<16xf32>,
      tpu.vector_store %arg11[%swap3A_171, %swap3A_172], %mul3A_170 {strides = array<i32>} : memref<80x144xf32, #tpu.memory_space<vmem>>, vector<16xf32>,
      %get3A_174 = arith.index_cast %scan3A_92 : i32 to index
      %get3A_175 = arith.constant 112 : index
      %get3A_176 = tpu.vector_load %arg9[%get3A_174, %get3A_175] {strides = array<i32>} : memref<80x144xf32, #tpu.memory_space<vmem>>, vector<16xf32>,
      %mul3A_177 = arith.mulf %get3A_176, %gather3A_166 : vector<16xf32>
      %swap3A_178 = arith.index_cast %scan3A_92 : i32 to index
      %swap3A_179 = arith.constant 112 : index
      %swap3A_180 = tpu.vector_load %arg11[%swap3A_178, %swap3A_179] {strides = array<i32>} : memref<80x144xf32, #tpu.memory_space<vmem>>, vector<16xf32>,
      tpu.vector_store %arg11[%swap3A_178, %swap3A_179], %mul3A_177 {strides = array<i32>} : memref<80x144xf32, #tpu.memory_space<vmem>>, vector<16xf32>,
      %swap3A_181 = arith.index_cast %scan3A_92 : i32 to index
      %swap3A_182 = arith.constant 128 : index
      %swap3A_183 = tpu.vector_load %arg11[%swap3A_181, %swap3A_182] {strides = array<i32>} : memref<80x144xf32, #tpu.memory_space<vmem>>, vector<16xf32>,
      tpu.vector_store %arg11[%swap3A_181, %swap3A_182], %exp3A {strides = array<i32>} : memref<80x144xf32, #tpu.memory_space<vmem>>, vector<16xf32>,
    }
    %scan3A_90 = arith.constant 80 : i32
    "tpu.region"() ({
      %run_scoped3A = tpu.sem_alloc : memref<!tpu.dma_semaphore, #tpu.memory_space<semaphore_mem>>
      %dma_start3A_92 = arith.constant 0 : i32
      %dma_start3A_93 = arith.constant 0 : i32
      %dma_start3A_94 = tpu.memref_slice %arg21[%dma_start3A_92, %dma_start3A_93] : memref<10000x144xf32, #tpu.memory_space<vmem_shared>> -> memref<10000x144xf32, #tpu.memory_space<vmem_shared>>
      tpu.enqueue_indirect_dma source(%arg11 : memref<80x144xf32, #tpu.memory_space<vmem>>) target(%dma_start3A_94 : memref<10000x144xf32, #tpu.memory_space<vmem_shared>>) offsets(%arg18 : memref<80xi32, #tpu.memory_space<vmem>>) semaphore(%run_scoped3A : memref<!tpu.dma_semaphore, #tpu.memory_space<semaphore_mem>>) {add = true}
      %dma_wait3A_95 = arith.constant 0 : i32
      %dma_wait3A_96 = arith.constant 0 : i32
      %dma_wait3A_97 = tpu.memref_slice %arg21[%dma_wait3A_95, %dma_wait3A_96] : memref<10000x144xf32, #tpu.memory_space<vmem_shared>> -> memref<10000x144xf32, #tpu.memory_space<vmem_shared>>
      tpu.wait_indirect_dma semaphore(%run_scoped3A : memref<!tpu.dma_semaphore, #tpu.memory_space<semaphore_mem>>) src(%arg11 : memref<80x144xf32, #tpu.memory_space<vmem>>) dst(%dma_wait3A_97 : memref<10000x144xf32, #tpu.memory_space<vmem_shared>>)
      tpu.yield
    }) : () -> ()
    %barrier3A_91 = arith.constant 0 : index
    tpu.barrier barrier_id(%barrier3A_91)
    "tpu.region"() ({
      %run_scoped3A = tpu.sem_alloc : memref<!tpu.dma_semaphore, #tpu.memory_space<semaphore_mem>>
      %dma_start3A_92 = arith.constant 0 : i32
      %dma_start3A_93 = tpu.memref_slice %arg8[%arg0, %mul3A_9, %dma_start3A_92] : memref<2x10000x144xf32, #tpu.memory_space<hbm>> -> memref<1x640x144xf32, #tpu.memory_space<hbm>>
      %dma_start3A_94 = tpu.memref_squeeze %dma_start3A_93 : memref<1x640x144xf32, #tpu.memory_space<hbm>> -> memref<640x144xf32, #tpu.memory_space<hbm>>
      %dma_start3A_95 = arith.constant 0 : i32
      %dma_start3A_96 = tpu.memref_slice %arg21[%mul3A_9, %dma_start3A_95] : memref<10000x144xf32, #tpu.memory_space<vmem_shared>> -> memref<640x144xf32, #tpu.memory_space<vmem_shared>>
      tpu.enqueue_dma source(%dma_start3A_96 : memref<640x144xf32, #tpu.memory_space<vmem_shared>>) target(%dma_start3A_94 : memref<640x144xf32, #tpu.memory_space<hbm>>) target_semaphore(%run_scoped3A : memref<!tpu.dma_semaphore, #tpu.memory_space<semaphore_mem>>)
      %dma_wait3A_97 = arith.constant 0 : i32
      %dma_wait3A_98 = tpu.memref_slice %arg8[%arg0, %mul3A_9, %dma_wait3A_97] : memref<2x10000x144xf32, #tpu.memory_space<hbm>> -> memref<1x640x144xf32, #tpu.memory_space<hbm>>
      %dma_wait3A_99 = tpu.memref_squeeze %dma_wait3A_98 : memref<1x640x144xf32, #tpu.memory_space<hbm>> -> memref<640x144xf32, #tpu.memory_space<hbm>>
      %dma_wait3A_100 = arith.constant 0 : i32
      %dma_wait3A_101 = tpu.memref_slice %arg21[%mul3A_9, %dma_wait3A_100] : memref<10000x144xf32, #tpu.memory_space<vmem_shared>> -> memref<640x144xf32, #tpu.memory_space<vmem_shared>>
      tpu.wait_dma2 semaphore(%run_scoped3A : memref<!tpu.dma_semaphore, #tpu.memory_space<semaphore_mem>>) src(%dma_wait3A_101 : memref<640x144xf32, #tpu.memory_space<vmem_shared>>) dst(%dma_wait3A_99 : memref<640x144xf32, #tpu.memory_space<hbm>>)
      tpu.yield
    }) : () -> ()
    return
  }
}

module attributes {stable_mosaic.version = 14 : i64} {
  func.func @_node_pre_body(%arg0: i32, %arg1: memref<2000x128xf32, #tpu.memory_space<vmem>>, %arg2: memref<128x128xf32, #tpu.memory_space<vmem>>, %arg3: memref<128x8xf32, #tpu.memory_space<vmem>>, %arg4: memref<2000x144xf32, #tpu.memory_space<vmem>>, %arg5: memref<2000x16xf32, #tpu.memory_space<vmem>>, %arg6: memref<8x128xf32, #tpu.memory_space<vmem>>) attributes {dimension_semantics = [#tpu.dimension_semantics<arbitrary>], iteration_bounds = array<i64: 5>, scalar_prefetch = 0 : i64, scratch_operands = 0 : i64, tpu.core_type = #tpu.core_type<tc>, window_params = [{transform_indices = @transform_0, window_bounds = array<i64: 2000, 128>}, {pipeline_mode = #tpu.pipeline_mode<synchronous>, transform_indices = @transform_1, window_bounds = array<i64: 128, 128>}, {pipeline_mode = #tpu.pipeline_mode<synchronous>, transform_indices = @transform_2, window_bounds = array<i64: 128, 8>}, {transform_indices = @transform_3, window_bounds = array<i64: 2000, 144>}, {transform_indices = @transform_4, window_bounds = array<i64: 2000, 16>}, {pipeline_mode = #tpu.pipeline_mode<synchronous>, transform_indices = @transform_5, window_bounds = array<i64: 8, 128>}]} {
    %get3A = arith.constant 0 : index
    %get3A_0 = arith.constant 0 : index
    %get3A_1 = vector.load %arg1[%get3A, %get3A_0] : memref<2000x128xf32, #tpu.memory_space<vmem>>, vector<2000x128xf32>
    %get3A_2 = arith.constant 0 : index
    %get3A_3 = arith.constant 0 : index
    %get3A_4 = vector.load %arg2[%get3A_2, %get3A_3] : memref<128x128xf32, #tpu.memory_space<vmem>>, vector<128x128xf32>
    %dot_general3A = arith.constant dense<0.000000e+00> : vector<2000x128xf32>
    %dot_general3A_5 = tpu.matmul %get3A_1, %get3A_4, %dot_general3A {dimension_numbers = #tpu.dot_dimension_numbers<[1], [0], [0], [1], [0, 0, 1, 1], [], []>, transpose_lhs_hint = false} : vector<2000x128xf32>, vector<128x128xf32>, vector<2000x128xf32> -> vector<2000x128xf32>
    %get3A_6 = arith.constant 0 : index
    %get3A_7 = arith.constant 0 : index
    %get3A_8 = vector.load %arg3[%get3A_6, %get3A_7] : memref<128x8xf32, #tpu.memory_space<vmem>>, vector<128x8xf32>
    %dot_general3A_9 = arith.constant dense<0.000000e+00> : vector<2000x8xf32>
    %dot_general3A_10 = tpu.matmul %dot_general3A_5, %get3A_8, %dot_general3A_9 {dimension_numbers = #tpu.dot_dimension_numbers<[1], [0], [0], [1], [0, 0, 1, 1], [], []>, transpose_lhs_hint = false} : vector<2000x128xf32>, vector<128x8xf32>, vector<2000x8xf32> -> vector<2000x8xf32>
    %broadcast_in_dim3A = arith.constant 0.000000e+00 : f32
    %broadcast_in_dim3A_11 = vector.broadcast %broadcast_in_dim3A : f32 to vector<2000x12xf32>
    %slice3A = vector.extract_strided_slice %dot_general3A_10 {offsets = [0, 0], sizes = [2000, 4], strides = [1, 1]} : vector<2000x8xf32> to vector<2000x4xf32>
    %concatenate3A = tpu.concatenate %dot_general3A_5, %slice3A, %broadcast_in_dim3A_11 in 1 : vector<2000x128xf32>, vector<2000x4xf32>, vector<2000x12xf32> -> vector<2000x144xf32>
    %swap3A = arith.constant 0 : index
    %swap3A_12 = arith.constant 0 : index
    %swap3A_13 = vector.load %arg4[%swap3A, %swap3A_12] : memref<2000x144xf32, #tpu.memory_space<vmem>>, vector<2000x144xf32>
    tpu.vector_store %arg4[%swap3A, %swap3A_12], %concatenate3A {strides = array<i32>} : memref<2000x144xf32, #tpu.memory_space<vmem>>, vector<2000x144xf32>,
    %broadcast_in_dim3A_14 = arith.constant 0.000000e+00 : f32
    %broadcast_in_dim3A_15 = vector.broadcast %broadcast_in_dim3A_14 : f32 to vector<2000x12xf32>
    %slice3A_16 = vector.extract_strided_slice %dot_general3A_10 {offsets = [0, 4], sizes = [2000, 4], strides = [1, 1]} : vector<2000x8xf32> to vector<2000x4xf32>
    %concatenate3A_17 = tpu.concatenate %slice3A_16, %broadcast_in_dim3A_15 in 1 : vector<2000x4xf32>, vector<2000x12xf32> -> vector<2000x16xf32>
    %swap3A_18 = arith.constant 0 : index
    %swap3A_19 = arith.constant 0 : index
    %swap3A_20 = vector.load %arg5[%swap3A_18, %swap3A_19] : memref<2000x16xf32, #tpu.memory_space<vmem>>, vector<2000x16xf32>
    tpu.vector_store %arg5[%swap3A_18, %swap3A_19], %concatenate3A_17 {strides = array<i32>} : memref<2000x16xf32, #tpu.memory_space<vmem>>, vector<2000x16xf32>,
    %reduce_max3A = arith.constant dense<0xFF800000> : vector<8xf32>
    %reduce_max3A_21 = vector.multi_reduction <maximumf>, %dot_general3A_10, %reduce_max3A [0] : vector<2000x8xf32> to vector<8xf32>
    %broadcast_in_dim3A_22 = vector.shape_cast %reduce_max3A_21 : vector<8xf32> to vector<8x1xf32>
    %broadcast_in_dim3A_23 = vector.shape_cast %broadcast_in_dim3A_22 : vector<8x1xf32> to vector<8x1xf32>
    %broadcast_in_dim3A_24 = vector.broadcast %broadcast_in_dim3A_23 : vector<8x1xf32> to vector<8x128xf32>
    %eq3A = arith.constant 0 : i32
    %eq3A_25 = arith.cmpi eq, %arg0, %eq3A : i32
    %convert_element_type3A = arith.extui %eq3A_25 : i1 to i32
    %cond3A = arith.constant 0 : i32
    %cond3A_26 = arith.cmpi ne, %convert_element_type3A, %cond3A : i32
    scf.if %cond3A_26 {
      %swap3A_31 = arith.constant 0 : index
      %swap3A_32 = arith.constant 0 : index
      %swap3A_33 = vector.load %arg6[%swap3A_31, %swap3A_32] : memref<8x128xf32, #tpu.memory_space<vmem>>, vector<8x128xf32>
      tpu.vector_store %arg6[%swap3A_31, %swap3A_32], %broadcast_in_dim3A_24 {strides = array<i32>} : memref<8x128xf32, #tpu.memory_space<vmem>>, vector<8x128xf32>,
    } else {
    }
    %gt3A = arith.constant 0 : i32
    %gt3A_27 = arith.cmpi sgt, %arg0, %gt3A : i32
    %convert_element_type3A_28 = arith.extui %gt3A_27 : i1 to i32
    %cond3A_29 = arith.constant 0 : i32
    %cond3A_30 = arith.cmpi ne, %convert_element_type3A_28, %cond3A_29 : i32
    scf.if %cond3A_30 {
      %get3A_31 = arith.constant 0 : index
      %get3A_32 = arith.constant 0 : index
      %get3A_33 = vector.load %arg6[%get3A_31, %get3A_32] : memref<8x128xf32, #tpu.memory_space<vmem>>, vector<8x128xf32>
      %max3A = arith.maximumf %get3A_33, %broadcast_in_dim3A_24 : vector<8x128xf32>
      %swap3A_34 = arith.constant 0 : index
      %swap3A_35 = arith.constant 0 : index
      %swap3A_36 = vector.load %arg6[%swap3A_34, %swap3A_35] : memref<8x128xf32, #tpu.memory_space<vmem>>, vector<8x128xf32>
      tpu.vector_store %arg6[%swap3A_34, %swap3A_35], %max3A {strides = array<i32>} : memref<8x128xf32, #tpu.memory_space<vmem>>, vector<8x128xf32>,
    } else {
    }
    return
  }
  func.func @transform_0(%arg0: i32) -> (i32, i32) {
    %c0_i32 = arith.constant 0 : i32
    %c0_i32_0 = arith.constant 0 : i32
    return %arg0, %c0_i32 : i32, i32
  }
  func.func @transform_1(%arg0: i32) -> (i32, i32) {
    %c0_i32 = arith.constant 0 : i32
    %c0_i32_0 = arith.constant 0 : i32
    %c0_i32_1 = arith.constant 0 : i32
    return %c0_i32, %c0_i32_0 : i32, i32
  }
  func.func @transform_2(%arg0: i32) -> (i32, i32) {
    %c0_i32 = arith.constant 0 : i32
    %c0_i32_0 = arith.constant 0 : i32
    %c0_i32_1 = arith.constant 0 : i32
    return %c0_i32, %c0_i32_0 : i32, i32
  }
  func.func @transform_3(%arg0: i32) -> (i32, i32) {
    %c0_i32 = arith.constant 0 : i32
    %c0_i32_0 = arith.constant 0 : i32
    return %arg0, %c0_i32 : i32, i32
  }
  func.func @transform_4(%arg0: i32) -> (i32, i32) {
    %c0_i32 = arith.constant 0 : i32
    %c0_i32_0 = arith.constant 0 : i32
    return %arg0, %c0_i32 : i32, i32
  }
  func.func @transform_5(%arg0: i32) -> (i32, i32) {
    %c0_i32 = arith.constant 0 : i32
    %c0_i32_0 = arith.constant 0 : i32
    %c0_i32_1 = arith.constant 0 : i32
    return %c0_i32, %c0_i32_0 : i32, i32
  }
}

module attributes {stable_mosaic.version = 14 : i64} {
  func.func @_edge_pre_body(%arg0: i32, %arg1: memref<16000x48xf32, #tpu.memory_space<vmem>>, %arg2: memref<48x8xf32, #tpu.memory_space<vmem>>, %arg3: memref<16000x8xf32, #tpu.memory_space<vmem>>, %arg4: memref<8x128xf32, #tpu.memory_space<vmem>>) attributes {dimension_semantics = [#tpu.dimension_semantics<arbitrary>], iteration_bounds = array<i64: 20>, scalar_prefetch = 0 : i64, scratch_operands = 0 : i64, tpu.core_type = #tpu.core_type<tc>, window_params = [{transform_indices = @transform_0, window_bounds = array<i64: 16000, 48>}, {pipeline_mode = #tpu.pipeline_mode<synchronous>, transform_indices = @transform_1, window_bounds = array<i64: 48, 8>}, {transform_indices = @transform_2, window_bounds = array<i64: 16000, 8>}, {pipeline_mode = #tpu.pipeline_mode<synchronous>, transform_indices = @transform_3, window_bounds = array<i64: 8, 128>}]} {
    %get3A = arith.constant 0 : index
    %get3A_0 = arith.constant 0 : index
    %get3A_1 = vector.load %arg1[%get3A, %get3A_0] : memref<16000x48xf32, #tpu.memory_space<vmem>>, vector<16000x48xf32>
    %get3A_2 = arith.constant 0 : index
    %get3A_3 = arith.constant 0 : index
    %get3A_4 = vector.load %arg2[%get3A_2, %get3A_3] : memref<48x8xf32, #tpu.memory_space<vmem>>, vector<48x8xf32>
    %dot_general3A = arith.constant dense<0.000000e+00> : vector<16000x8xf32>
    %dot_general3A_5 = tpu.matmul %get3A_1, %get3A_4, %dot_general3A {dimension_numbers = #tpu.dot_dimension_numbers<[1], [0], [0], [1], [0, 0, 1, 1], [], []>, transpose_lhs_hint = false} : vector<16000x48xf32>, vector<48x8xf32>, vector<16000x8xf32> -> vector<16000x8xf32>
    %swap3A = arith.constant 0 : index
    %swap3A_6 = arith.constant 0 : index
    %swap3A_7 = vector.load %arg3[%swap3A, %swap3A_6] : memref<16000x8xf32, #tpu.memory_space<vmem>>, vector<16000x8xf32>
    tpu.vector_store %arg3[%swap3A, %swap3A_6], %dot_general3A_5 {strides = array<i32>} : memref<16000x8xf32, #tpu.memory_space<vmem>>, vector<16000x8xf32>,
    %reduce_max3A = arith.constant dense<0xFF800000> : vector<8xf32>
    %reduce_max3A_8 = vector.multi_reduction <maximumf>, %dot_general3A_5, %reduce_max3A [0] : vector<16000x8xf32> to vector<8xf32>
    %broadcast_in_dim3A = vector.shape_cast %reduce_max3A_8 : vector<8xf32> to vector<8x1xf32>
    %broadcast_in_dim3A_9 = vector.shape_cast %broadcast_in_dim3A : vector<8x1xf32> to vector<8x1xf32>
    %broadcast_in_dim3A_10 = vector.broadcast %broadcast_in_dim3A_9 : vector<8x1xf32> to vector<8x128xf32>
    %eq3A = arith.constant 0 : i32
    %eq3A_11 = arith.cmpi eq, %arg0, %eq3A : i32
    %convert_element_type3A = arith.extui %eq3A_11 : i1 to i32
    %cond3A = arith.constant 0 : i32
    %cond3A_12 = arith.cmpi ne, %convert_element_type3A, %cond3A : i32
    scf.if %cond3A_12 {
      %swap3A_17 = arith.constant 0 : index
      %swap3A_18 = arith.constant 0 : index
      %swap3A_19 = vector.load %arg4[%swap3A_17, %swap3A_18] : memref<8x128xf32, #tpu.memory_space<vmem>>, vector<8x128xf32>
      tpu.vector_store %arg4[%swap3A_17, %swap3A_18], %broadcast_in_dim3A_10 {strides = array<i32>} : memref<8x128xf32, #tpu.memory_space<vmem>>, vector<8x128xf32>,
    } else {
    }
    %gt3A = arith.constant 0 : i32
    %gt3A_13 = arith.cmpi sgt, %arg0, %gt3A : i32
    %convert_element_type3A_14 = arith.extui %gt3A_13 : i1 to i32
    %cond3A_15 = arith.constant 0 : i32
    %cond3A_16 = arith.cmpi ne, %convert_element_type3A_14, %cond3A_15 : i32
    scf.if %cond3A_16 {
      %get3A_17 = arith.constant 0 : index
      %get3A_18 = arith.constant 0 : index
      %get3A_19 = vector.load %arg4[%get3A_17, %get3A_18] : memref<8x128xf32, #tpu.memory_space<vmem>>, vector<8x128xf32>
      %max3A = arith.maximumf %get3A_19, %broadcast_in_dim3A_10 : vector<8x128xf32>
      %swap3A_20 = arith.constant 0 : index
      %swap3A_21 = arith.constant 0 : index
      %swap3A_22 = vector.load %arg4[%swap3A_20, %swap3A_21] : memref<8x128xf32, #tpu.memory_space<vmem>>, vector<8x128xf32>
      tpu.vector_store %arg4[%swap3A_20, %swap3A_21], %max3A {strides = array<i32>} : memref<8x128xf32, #tpu.memory_space<vmem>>, vector<8x128xf32>,
    } else {
    }
    return
  }
  func.func @transform_0(%arg0: i32) -> (i32, i32) {
    %c0_i32 = arith.constant 0 : i32
    %c0_i32_0 = arith.constant 0 : i32
    return %arg0, %c0_i32 : i32, i32
  }
  func.func @transform_1(%arg0: i32) -> (i32, i32) {
    %c0_i32 = arith.constant 0 : i32
    %c0_i32_0 = arith.constant 0 : i32
    %c0_i32_1 = arith.constant 0 : i32
    return %c0_i32, %c0_i32_0 : i32, i32
  }
  func.func @transform_2(%arg0: i32) -> (i32, i32) {
    %c0_i32 = arith.constant 0 : i32
    %c0_i32_0 = arith.constant 0 : i32
    return %arg0, %c0_i32 : i32, i32
  }
  func.func @transform_3(%arg0: i32) -> (i32, i32) {
    %c0_i32 = arith.constant 0 : i32
    %c0_i32_0 = arith.constant 0 : i32
    %c0_i32_1 = arith.constant 0 : i32
    return %c0_i32, %c0_i32_0 : i32, i32
  }
}

module attributes {stable_mosaic.version = 14 : i64} {
  func.func @_mid_body(%arg0: i32, %arg1: memref<2x2000x144xf32, #tpu.memory_space<vmem>>, %arg2: memref<4x128xf32, #tpu.memory_space<vmem>>, %arg3: memref<1x128xf32, #tpu.memory_space<vmem>>, %arg4: memref<128x128xf32, #tpu.memory_space<vmem>>, %arg5: memref<128x8xf32, #tpu.memory_space<vmem>>, %arg6: memref<2000x144xf32, #tpu.memory_space<vmem>>, %arg7: memref<2000x16xf32, #tpu.memory_space<vmem>>, %arg8: memref<8x128xf32, #tpu.memory_space<vmem>>) attributes {dimension_semantics = [#tpu.dimension_semantics<arbitrary>], iteration_bounds = array<i64: 5>, scalar_prefetch = 0 : i64, scratch_operands = 0 : i64, tpu.core_type = #tpu.core_type<tc>, window_params = [{transform_indices = @transform_0, window_bounds = array<i64: 2, 2000, 144>}, {pipeline_mode = #tpu.pipeline_mode<synchronous>, transform_indices = @transform_1, window_bounds = array<i64: 4, 128>}, {pipeline_mode = #tpu.pipeline_mode<synchronous>, transform_indices = @transform_2, window_bounds = array<i64: 1, 128>}, {pipeline_mode = #tpu.pipeline_mode<synchronous>, transform_indices = @transform_3, window_bounds = array<i64: 128, 128>}, {pipeline_mode = #tpu.pipeline_mode<synchronous>, transform_indices = @transform_4, window_bounds = array<i64: 128, 8>}, {transform_indices = @transform_5, window_bounds = array<i64: 2000, 144>}, {transform_indices = @transform_6, window_bounds = array<i64: 2000, 16>}, {pipeline_mode = #tpu.pipeline_mode<synchronous>, transform_indices = @transform_7, window_bounds = array<i64: 8, 128>}]} {
    %get3A = arith.constant 0 : index
    %get3A_0 = arith.constant 0 : index
    %get3A_1 = arith.constant 0 : index
    %get3A_2 = vector.load %arg1[%get3A, %get3A_0, %get3A_1] : memref<2x2000x144xf32, #tpu.memory_space<vmem>>, vector<1x2000x144xf32>
    %get3A_3 = vector.shape_cast %get3A_2 : vector<1x2000x144xf32> to vector<2000x144xf32>
    %get3A_4 = arith.constant 1 : index
    %get3A_5 = arith.constant 0 : index
    %get3A_6 = arith.constant 0 : index
    %get3A_7 = vector.load %arg1[%get3A_4, %get3A_5, %get3A_6] : memref<2x2000x144xf32, #tpu.memory_space<vmem>>, vector<1x2000x144xf32>
    %get3A_8 = vector.shape_cast %get3A_7 : vector<1x2000x144xf32> to vector<2000x144xf32>
    %add3A = arith.addf %get3A_3, %get3A_8 : vector<2000x144xf32>
    %slice3A = vector.extract_strided_slice %add3A {offsets = [0, 0], sizes = [2000, 128], strides = [1, 1]} : vector<2000x144xf32> to vector<2000x128xf32>
    %slice3A_9 = vector.extract_strided_slice %add3A {offsets = [0, 128], sizes = [2000, 4], strides = [1, 1]} : vector<2000x144xf32> to vector<2000x4xf32>
    %add3A_10 = arith.constant 1.000000e-16 : f32
    %add3A_11 = vector.broadcast %add3A_10 : f32 to vector<2000x4xf32>
    %add3A_12 = arith.addf %slice3A_9, %add3A_11 : vector<2000x4xf32>
    %div3A = arith.constant 1.000000e+00 : f32
    %div3A_13 = vector.broadcast %div3A : f32 to vector<2000x4xf32>
    %div3A_14 = arith.divf %div3A_13, %add3A_12 : vector<2000x4xf32>
    %get3A_15 = arith.constant 0 : index
    %get3A_16 = arith.constant 0 : index
    %get3A_17 = vector.load %arg2[%get3A_15, %get3A_16] : memref<4x128xf32, #tpu.memory_space<vmem>>, vector<4x128xf32>
    %dot_general3A = arith.constant dense<0.000000e+00> : vector<2000x128xf32>
    %dot_general3A_18 = tpu.matmul %div3A_14, %get3A_17, %dot_general3A {dimension_numbers = #tpu.dot_dimension_numbers<[1], [0], [0], [1], [0, 0, 1, 1], [], []>, transpose_lhs_hint = false} : vector<2000x4xf32>, vector<4x128xf32>, vector<2000x128xf32> -> vector<2000x128xf32>
    %mul3A = arith.mulf %slice3A, %dot_general3A_18 : vector<2000x128xf32>
    %get3A_19 = arith.constant 0 : index
    %get3A_20 = arith.constant 0 : index
    %get3A_21 = vector.load %arg3[%get3A_19, %get3A_20] : memref<1x128xf32, #tpu.memory_space<vmem>>, vector<1x128xf32>
    %add3A_22 = vector.broadcast %get3A_21 : vector<1x128xf32> to vector<2000x128xf32>
    %add3A_23 = arith.addf %mul3A, %add3A_22 : vector<2000x128xf32>
    %max3A = arith.constant 0.000000e+00 : f32
    %max3A_24 = vector.broadcast %max3A : f32 to vector<2000x128xf32>
    %max3A_25 = arith.maximumf %add3A_23, %max3A_24 : vector<2000x128xf32>
    %get3A_26 = arith.constant 0 : index
    %get3A_27 = arith.constant 0 : index
    %get3A_28 = vector.load %arg4[%get3A_26, %get3A_27] : memref<128x128xf32, #tpu.memory_space<vmem>>, vector<128x128xf32>
    %dot_general3A_29 = arith.constant dense<0.000000e+00> : vector<2000x128xf32>
    %dot_general3A_30 = tpu.matmul %max3A_25, %get3A_28, %dot_general3A_29 {dimension_numbers = #tpu.dot_dimension_numbers<[1], [0], [0], [1], [0, 0, 1, 1], [], []>, transpose_lhs_hint = false} : vector<2000x128xf32>, vector<128x128xf32>, vector<2000x128xf32> -> vector<2000x128xf32>
    %get3A_31 = arith.constant 0 : index
    %get3A_32 = arith.constant 0 : index
    %get3A_33 = vector.load %arg5[%get3A_31, %get3A_32] : memref<128x8xf32, #tpu.memory_space<vmem>>, vector<128x8xf32>
    %dot_general3A_34 = arith.constant dense<0.000000e+00> : vector<2000x8xf32>
    %dot_general3A_35 = tpu.matmul %dot_general3A_30, %get3A_33, %dot_general3A_34 {dimension_numbers = #tpu.dot_dimension_numbers<[1], [0], [0], [1], [0, 0, 1, 1], [], []>, transpose_lhs_hint = false} : vector<2000x128xf32>, vector<128x8xf32>, vector<2000x8xf32> -> vector<2000x8xf32>
    %broadcast_in_dim3A = arith.constant 0.000000e+00 : f32
    %broadcast_in_dim3A_36 = vector.broadcast %broadcast_in_dim3A : f32 to vector<2000x12xf32>
    %slice3A_37 = vector.extract_strided_slice %dot_general3A_35 {offsets = [0, 0], sizes = [2000, 4], strides = [1, 1]} : vector<2000x8xf32> to vector<2000x4xf32>
    %concatenate3A = tpu.concatenate %dot_general3A_30, %slice3A_37, %broadcast_in_dim3A_36 in 1 : vector<2000x128xf32>, vector<2000x4xf32>, vector<2000x12xf32> -> vector<2000x144xf32>
    %swap3A = arith.constant 0 : index
    %swap3A_38 = arith.constant 0 : index
    %swap3A_39 = vector.load %arg6[%swap3A, %swap3A_38] : memref<2000x144xf32, #tpu.memory_space<vmem>>, vector<2000x144xf32>
    tpu.vector_store %arg6[%swap3A, %swap3A_38], %concatenate3A {strides = array<i32>} : memref<2000x144xf32, #tpu.memory_space<vmem>>, vector<2000x144xf32>,
    %broadcast_in_dim3A_40 = arith.constant 0.000000e+00 : f32
    %broadcast_in_dim3A_41 = vector.broadcast %broadcast_in_dim3A_40 : f32 to vector<2000x12xf32>
    %slice3A_42 = vector.extract_strided_slice %dot_general3A_35 {offsets = [0, 4], sizes = [2000, 4], strides = [1, 1]} : vector<2000x8xf32> to vector<2000x4xf32>
    %concatenate3A_43 = tpu.concatenate %slice3A_42, %broadcast_in_dim3A_41 in 1 : vector<2000x4xf32>, vector<2000x12xf32> -> vector<2000x16xf32>
    %swap3A_44 = arith.constant 0 : index
    %swap3A_45 = arith.constant 0 : index
    %swap3A_46 = vector.load %arg7[%swap3A_44, %swap3A_45] : memref<2000x16xf32, #tpu.memory_space<vmem>>, vector<2000x16xf32>
    tpu.vector_store %arg7[%swap3A_44, %swap3A_45], %concatenate3A_43 {strides = array<i32>} : memref<2000x16xf32, #tpu.memory_space<vmem>>, vector<2000x16xf32>,
    %reduce_max3A = arith.constant dense<0xFF800000> : vector<8xf32>
    %reduce_max3A_47 = vector.multi_reduction <maximumf>, %dot_general3A_35, %reduce_max3A [0] : vector<2000x8xf32> to vector<8xf32>
    %broadcast_in_dim3A_48 = vector.shape_cast %reduce_max3A_47 : vector<8xf32> to vector<8x1xf32>
    %broadcast_in_dim3A_49 = vector.shape_cast %broadcast_in_dim3A_48 : vector<8x1xf32> to vector<8x1xf32>
    %broadcast_in_dim3A_50 = vector.broadcast %broadcast_in_dim3A_49 : vector<8x1xf32> to vector<8x128xf32>
    %eq3A = arith.constant 0 : i32
    %eq3A_51 = arith.cmpi eq, %arg0, %eq3A : i32
    %convert_element_type3A = arith.extui %eq3A_51 : i1 to i32
    %cond3A = arith.constant 0 : i32
    %cond3A_52 = arith.cmpi ne, %convert_element_type3A, %cond3A : i32
    scf.if %cond3A_52 {
      %swap3A_57 = arith.constant 0 : index
      %swap3A_58 = arith.constant 0 : index
      %swap3A_59 = vector.load %arg8[%swap3A_57, %swap3A_58] : memref<8x128xf32, #tpu.memory_space<vmem>>, vector<8x128xf32>
      tpu.vector_store %arg8[%swap3A_57, %swap3A_58], %broadcast_in_dim3A_50 {strides = array<i32>} : memref<8x128xf32, #tpu.memory_space<vmem>>, vector<8x128xf32>,
    } else {
    }
    %gt3A = arith.constant 0 : i32
    %gt3A_53 = arith.cmpi sgt, %arg0, %gt3A : i32
    %convert_element_type3A_54 = arith.extui %gt3A_53 : i1 to i32
    %cond3A_55 = arith.constant 0 : i32
    %cond3A_56 = arith.cmpi ne, %convert_element_type3A_54, %cond3A_55 : i32
    scf.if %cond3A_56 {
      %get3A_57 = arith.constant 0 : index
      %get3A_58 = arith.constant 0 : index
      %get3A_59 = vector.load %arg8[%get3A_57, %get3A_58] : memref<8x128xf32, #tpu.memory_space<vmem>>, vector<8x128xf32>
      %max3A_60 = arith.maximumf %get3A_59, %broadcast_in_dim3A_50 : vector<8x128xf32>
      %swap3A_61 = arith.constant 0 : index
      %swap3A_62 = arith.constant 0 : index
      %swap3A_63 = vector.load %arg8[%swap3A_61, %swap3A_62] : memref<8x128xf32, #tpu.memory_space<vmem>>, vector<8x128xf32>
      tpu.vector_store %arg8[%swap3A_61, %swap3A_62], %max3A_60 {strides = array<i32>} : memref<8x128xf32, #tpu.memory_space<vmem>>, vector<8x128xf32>,
    } else {
    }
    return
  }
  func.func @transform_0(%arg0: i32) -> (i32, i32, i32) {
    %c0_i32 = arith.constant 0 : i32
    %c0_i32_0 = arith.constant 0 : i32
    %c0_i32_1 = arith.constant 0 : i32
    return %c0_i32, %arg0, %c0_i32_0 : i32, i32, i32
  }
  func.func @transform_1(%arg0: i32) -> (i32, i32) {
    %c0_i32 = arith.constant 0 : i32
    %c0_i32_0 = arith.constant 0 : i32
    %c0_i32_1 = arith.constant 0 : i32
    return %c0_i32, %c0_i32_0 : i32, i32
  }
  func.func @transform_2(%arg0: i32) -> (i32, i32) {
    %c0_i32 = arith.constant 0 : i32
    %c0_i32_0 = arith.constant 0 : i32
    %c0_i32_1 = arith.constant 0 : i32
    return %c0_i32, %c0_i32_0 : i32, i32
  }
  func.func @transform_3(%arg0: i32) -> (i32, i32) {
    %c0_i32 = arith.constant 0 : i32
    %c0_i32_0 = arith.constant 0 : i32
    %c0_i32_1 = arith.constant 0 : i32
    return %c0_i32, %c0_i32_0 : i32, i32
  }
  func.func @transform_4(%arg0: i32) -> (i32, i32) {
    %c0_i32 = arith.constant 0 : i32
    %c0_i32_0 = arith.constant 0 : i32
    %c0_i32_1 = arith.constant 0 : i32
    return %c0_i32, %c0_i32_0 : i32, i32
  }
  func.func @transform_5(%arg0: i32) -> (i32, i32) {
    %c0_i32 = arith.constant 0 : i32
    %c0_i32_0 = arith.constant 0 : i32
    return %arg0, %c0_i32 : i32, i32
  }
  func.func @transform_6(%arg0: i32) -> (i32, i32) {
    %c0_i32 = arith.constant 0 : i32
    %c0_i32_0 = arith.constant 0 : i32
    return %arg0, %c0_i32 : i32, i32
  }
  func.func @transform_7(%arg0: i32) -> (i32, i32) {
    %c0_i32 = arith.constant 0 : i32
    %c0_i32_0 = arith.constant 0 : i32
    %c0_i32_1 = arith.constant 0 : i32
    return %c0_i32, %c0_i32_0 : i32, i32
  }
}

module attributes {stable_mosaic.version = 14 : i64} {
  func.func @_post_body(%arg0: i32, %arg1: memref<2x2000x144xf32, #tpu.memory_space<vmem>>, %arg2: memref<4x128xf32, #tpu.memory_space<vmem>>, %arg3: memref<1x128xf32, #tpu.memory_space<vmem>>, %arg4: memref<128x128xf32, #tpu.memory_space<vmem>>, %arg5: memref<1x128xf32, #tpu.memory_space<vmem>>, %arg6: memref<2000x128xf32, #tpu.memory_space<vmem>>) attributes {dimension_semantics = [#tpu.dimension_semantics<arbitrary>], iteration_bounds = array<i64: 5>, scalar_prefetch = 0 : i64, scratch_operands = 0 : i64, tpu.core_type = #tpu.core_type<tc>, window_params = [{transform_indices = @transform_0, window_bounds = array<i64: 2, 2000, 144>}, {pipeline_mode = #tpu.pipeline_mode<synchronous>, transform_indices = @transform_1, window_bounds = array<i64: 4, 128>}, {pipeline_mode = #tpu.pipeline_mode<synchronous>, transform_indices = @transform_2, window_bounds = array<i64: 1, 128>}, {pipeline_mode = #tpu.pipeline_mode<synchronous>, transform_indices = @transform_3, window_bounds = array<i64: 128, 128>}, {pipeline_mode = #tpu.pipeline_mode<synchronous>, transform_indices = @transform_4, window_bounds = array<i64: 1, 128>}, {transform_indices = @transform_5, window_bounds = array<i64: 2000, 128>}]} {
    %get3A = arith.constant 0 : index
    %get3A_0 = arith.constant 0 : index
    %get3A_1 = arith.constant 0 : index
    %get3A_2 = vector.load %arg1[%get3A, %get3A_0, %get3A_1] : memref<2x2000x144xf32, #tpu.memory_space<vmem>>, vector<1x2000x144xf32>
    %get3A_3 = vector.shape_cast %get3A_2 : vector<1x2000x144xf32> to vector<2000x144xf32>
    %get3A_4 = arith.constant 1 : index
    %get3A_5 = arith.constant 0 : index
    %get3A_6 = arith.constant 0 : index
    %get3A_7 = vector.load %arg1[%get3A_4, %get3A_5, %get3A_6] : memref<2x2000x144xf32, #tpu.memory_space<vmem>>, vector<1x2000x144xf32>
    %get3A_8 = vector.shape_cast %get3A_7 : vector<1x2000x144xf32> to vector<2000x144xf32>
    %add3A = arith.addf %get3A_3, %get3A_8 : vector<2000x144xf32>
    %slice3A = vector.extract_strided_slice %add3A {offsets = [0, 0], sizes = [2000, 128], strides = [1, 1]} : vector<2000x144xf32> to vector<2000x128xf32>
    %slice3A_9 = vector.extract_strided_slice %add3A {offsets = [0, 128], sizes = [2000, 4], strides = [1, 1]} : vector<2000x144xf32> to vector<2000x4xf32>
    %add3A_10 = arith.constant 1.000000e-16 : f32
    %add3A_11 = vector.broadcast %add3A_10 : f32 to vector<2000x4xf32>
    %add3A_12 = arith.addf %slice3A_9, %add3A_11 : vector<2000x4xf32>
    %div3A = arith.constant 1.000000e+00 : f32
    %div3A_13 = vector.broadcast %div3A : f32 to vector<2000x4xf32>
    %div3A_14 = arith.divf %div3A_13, %add3A_12 : vector<2000x4xf32>
    %get3A_15 = arith.constant 0 : index
    %get3A_16 = arith.constant 0 : index
    %get3A_17 = vector.load %arg2[%get3A_15, %get3A_16] : memref<4x128xf32, #tpu.memory_space<vmem>>, vector<4x128xf32>
    %dot_general3A = arith.constant dense<0.000000e+00> : vector<2000x128xf32>
    %dot_general3A_18 = tpu.matmul %div3A_14, %get3A_17, %dot_general3A {dimension_numbers = #tpu.dot_dimension_numbers<[1], [0], [0], [1], [0, 0, 1, 1], [], []>, transpose_lhs_hint = false} : vector<2000x4xf32>, vector<4x128xf32>, vector<2000x128xf32> -> vector<2000x128xf32>
    %mul3A = arith.mulf %slice3A, %dot_general3A_18 : vector<2000x128xf32>
    %get3A_19 = arith.constant 0 : index
    %get3A_20 = arith.constant 0 : index
    %get3A_21 = vector.load %arg3[%get3A_19, %get3A_20] : memref<1x128xf32, #tpu.memory_space<vmem>>, vector<1x128xf32>
    %add3A_22 = vector.broadcast %get3A_21 : vector<1x128xf32> to vector<2000x128xf32>
    %add3A_23 = arith.addf %mul3A, %add3A_22 : vector<2000x128xf32>
    %max3A = arith.constant 0.000000e+00 : f32
    %max3A_24 = vector.broadcast %max3A : f32 to vector<2000x128xf32>
    %max3A_25 = arith.maximumf %add3A_23, %max3A_24 : vector<2000x128xf32>
    %get3A_26 = arith.constant 0 : index
    %get3A_27 = arith.constant 0 : index
    %get3A_28 = vector.load %arg4[%get3A_26, %get3A_27] : memref<128x128xf32, #tpu.memory_space<vmem>>, vector<128x128xf32>
    %dot_general3A_29 = arith.constant dense<0.000000e+00> : vector<2000x128xf32>
    %dot_general3A_30 = tpu.matmul %max3A_25, %get3A_28, %dot_general3A_29 {dimension_numbers = #tpu.dot_dimension_numbers<[1], [0], [0], [1], [0, 0, 1, 1], [], []>, transpose_lhs_hint = false} : vector<2000x128xf32>, vector<128x128xf32>, vector<2000x128xf32> -> vector<2000x128xf32>
    %get3A_31 = arith.constant 0 : index
    %get3A_32 = arith.constant 0 : index
    %get3A_33 = vector.load %arg5[%get3A_31, %get3A_32] : memref<1x128xf32, #tpu.memory_space<vmem>>, vector<1x128xf32>
    %add3A_34 = vector.broadcast %get3A_33 : vector<1x128xf32> to vector<2000x128xf32>
    %add3A_35 = arith.addf %dot_general3A_30, %add3A_34 : vector<2000x128xf32>
    %swap3A = arith.constant 0 : index
    %swap3A_36 = arith.constant 0 : index
    %swap3A_37 = vector.load %arg6[%swap3A, %swap3A_36] : memref<2000x128xf32, #tpu.memory_space<vmem>>, vector<2000x128xf32>
    tpu.vector_store %arg6[%swap3A, %swap3A_36], %add3A_35 {strides = array<i32>} : memref<2000x128xf32, #tpu.memory_space<vmem>>, vector<2000x128xf32>,
    return
  }
  func.func @transform_0(%arg0: i32) -> (i32, i32, i32) {
    %c0_i32 = arith.constant 0 : i32
    %c0_i32_0 = arith.constant 0 : i32
    %c0_i32_1 = arith.constant 0 : i32
    return %c0_i32, %arg0, %c0_i32_0 : i32, i32, i32
  }
  func.func @transform_1(%arg0: i32) -> (i32, i32) {
    %c0_i32 = arith.constant 0 : i32
    %c0_i32_0 = arith.constant 0 : i32
    %c0_i32_1 = arith.constant 0 : i32
    return %c0_i32, %c0_i32_0 : i32, i32
  }
  func.func @transform_2(%arg0: i32) -> (i32, i32) {
    %c0_i32 = arith.constant 0 : i32
    %c0_i32_0 = arith.constant 0 : i32
    %c0_i32_1 = arith.constant 0 : i32
    return %c0_i32, %c0_i32_0 : i32, i32
  }
  func.func @transform_3(%arg0: i32) -> (i32, i32) {
    %c0_i32 = arith.constant 0 : i32
    %c0_i32_0 = arith.constant 0 : i32
    %c0_i32_1 = arith.constant 0 : i32
    return %c0_i32, %c0_i32_0 : i32, i32
  }
  func.func @transform_4(%arg0: i32) -> (i32, i32) {
    %c0_i32 = arith.constant 0 : i32
    %c0_i32_0 = arith.constant 0 : i32
    %c0_i32_1 = arith.constant 0 : i32
    return %c0_i32, %c0_i32_0 : i32, i32
  }
  func.func @transform_5(%arg0: i32) -> (i32, i32) {
    %c0_i32 = arith.constant 0 : i32
    %c0_i32_0 = arith.constant 0 : i32
    return %arg0, %c0_i32 : i32, i32
  }
}

</mosaic_0001>

<sc_bundles>
// kernel: kernel.11.cloned.1.call-start
scs
__scs_entry_jumppad:
0x0: {  	(pc) =	sbr.rel $0x88, $3  }
0x1: {  	(tag) =	ssettag $0x0;
	lr =	simm.s32 $0x1  }
0x2: {  	[smem:$0x3F90] =	sst lr;
	_ =	strace $0xD0000000  }
0x3: {  	_ = 	snop  }
0x4: {  	_ = 	snop  }
0x5: {  	_ = 	snop  }
0x6: {  	_ = 	snop  }
0x7: {  	_ = 	snop  }
__scs_overlays_trampoline_lowered:
0x8: {  	[smem:$0x3F9F] =	sst s0  }
0x9: {  	[smem:$0x3FA0] =	sst s1  }
0xa: {  	[smem:$0x3FA1] =	sst s2  }
0xb: {  	[smem:$0x3FA2] =	sst s3  }
0xc: {  	[smem:$0x3FA3] =	sst s4  }
0xd: {  	[smem:$0x3FA4] =	sst s5  }
0xe: {  	[smem:$0x3FA5] =	sst s6  }
0xf: {  	[smem:$0x3FA6] =	sst s7  }
0x10: {  	[smem:$0x3FA7] =	sst s8  }
0x11: {  	[smem:$0x3FA8] =	sst s9;
	s0 =	simm.s32 @!p0 $0x0  }
0x12: {  	s1 =	sld [smem:$0x3F8E];
	s0 =	simm.s32 @p0 $0x1  }
0x13: {  	[smem:$0x3FA9] =	sst s0;
	s0 =	simm.s32 @!p1 $0x0  }
0x14: {  	s2 =	sld [smem:$0x3F8D];
	s0 =	simm.s32 @p1 $0x1  }
0x15: {  	[smem:$0x3FAA] =	sst s0;
	s0 =	simm.s32 @!p2 $0x0  }
0x16: {  	s3 =	sld [smem:$0x3FDB];
	s0 =	simm.s32 @p2 $0x1  }
0x17: {  	s4 =	simm.s32 $0x1BF5;
	[smem:$0x3FAC] =	sst s0  }
0x18: {  	s0 =	sld [smem:$0x3F8F];
	_ =	swait.ge [sflag:s4], $0x0  }
0x19: {  	s7 =	sld [smem:$0x3F90]  }
0x1a: {  	s8 =	sadd.s32 $0xFFFFE003, lr  }
0x1b: {  	s9 =	sadd.s32 $0xFFFFFEF7, lr;
	s5 =	simm.s32 $0xFFFFFFFF;
	p2 =	slt.u32 s8, $0xFFFFF086  }
0x1c: {  	p1 =	slt.u32 s9, $0xF7A;
	s5 =	simm.s32 @!p2 $0x0  }
0x1d: {  	s5 =	simm.s32 @p1 $0x1;
	p0 =	seq.s32 s7, s2  }
0x1e: {  	s7 =	smul.u32 @!p0 $0xF7A, s2;
	p2 =	seq.s32 @!p0 s5, $0x0  }
0x1f: {  	s9 =	smul.u32 $0xF7A, s1;
	s8 =	simm.s32 @!p0 $0x1BF5;
	p2 =	por !p2, p0  }
0x20: {  	[sflag:s8] =	ssyncset.s32 @!p0 $0xFFFFF086;
	s6 =	sadd.s32 @!p0 s3, s7;
	s7 =	simm.s32 @!p0 $0x108  }
0x21: {  	s3 =	sadd.s32 s3, s9;
	s6 =	sadd.s32 @!p0 $0x88, s6;
	s7 =	simm.s32 @p2 $0x1082  }
0x22: {  	[simem:s7], [sflag:s8] =	dma.local @!p0 [hbm:s6], $0xF7A  }
0x23: {  	s9 =	sor.u32 $0xD0000000, s2;
	s6 =	simm.s32 $0x108;
	_ =	swait.ge @!p0 [sflag:s8], $0x0  }
0x24: {  	s3 =	sadd.s32 $0x88, s3;
	s6 =	simm.s32 @!p1 $0x1082;
	[sflag:s4] =	ssyncset.s32 $0xFFFFF086  }
0x25: {  	[simem:s6], [sflag:s4] =	dma.local [hbm:s3], $0xF7A  }
0x26: {  	[smem:$0x3F90] =	sst s1;
	(tag) =	ssettag s2;
	_ =	strace s9  }
0x27: {  	s1 =	sld [smem:$0x3FA0]  }
0x28: {  	s2 =	sld [smem:$0x3FA1]  }
0x29: {  	s4 =	sld [smem:$0x3FA3]  }
0x2a: {  	p0 =	seq.s32 s5, $0x0;
	s5 =	sld [smem:$0x3FA4]  }
0x2b: {  	s6 =	sld [smem:$0x3FA5]  }
0x2c: {  	s7 =	sld [smem:$0x3FA6]  }
0x2d: {  	s3 =	simm.s32 $0x108;
	s8 =	sld [smem:$0x3FA7]  }
0x2e: {  	s3 =	simm.s32 @!p0 $0x1082;
	s9 =	sld [smem:$0x3FA8]  }
0x2f: {  	lr =	sadd.s32 s0, s3;
	s0 =	sld [smem:$0x3F9F]  }
0x30: {  	s3 =	sld [smem:$0x3FA2]  }
0x31: {  	[smem:$0x3FAB] =	sst s10  }
0x32: {  	s10 =	sld [smem:$0x3FA9];
	_ =	sdelay $0x3  }
0x33: {  	p0 =	seq.s32 s10, $0x1;
	s10 =	sld [smem:$0x3FAB];
	_ =	sdelay $0x3  }
0x34: {  	[smem:$0x3FAB] =	sst s10  }
0x35: {  	s10 =	sld [smem:$0x3FAA];
	_ =	sdelay $0x3  }
0x36: {  	p1 =	seq.s32 s10, $0x1;
	s10 =	sld [smem:$0x3FAB];
	_ =	sdelay $0x3  }
0x37: {  	[smem:$0x3FAB] =	sst s10  }
0x38: {  	s10 =	sld [smem:$0x3FAC]  }
0x39: {  	_ = 	snop;
	(pc) =	sbr.ind lr, $3  }
0x3a: {  	_ = 	snop  }
0x3b: {  	_ = 	snop  }
0x3c: {  	p2 =	seq.s32 s10, $0x1;
	s10 =	sld [smem:$0x3FAB]  }
0x3d: {  	_ =	shalt  }
0x3e: {  	_ =	shalt  }
0x3f: {  	_ =	shalt  }
0x40: {  	_ =	shalt  }
0x41: {  	_ =	shalt  }
0x42: {  	_ =	shalt  }
0x43: {  	_ =	shalt  }
0x44: {  	_ =	shalt  }
0x45: {  	_ =	shalt  }
0x46: {  	_ =	shalt  }
0x47: {  	_ =	shalt  }
0x48: {  	_ =	shalt  }
0x49: {  	_ =	shalt  }
0x4a: {  	_ =	shalt  }
0x4b: {  	_ =	shalt  }
0x4c: {  	_ =	shalt  }
0x4d: {  	_ =	shalt  }
0x4e: {  	_ =	shalt  }
0x4f: {  	_ =	shalt  }
0x50: {  	_ =	shalt  }
0x51: {  	_ =	shalt  }
0x52: {  	_ =	shalt  }
0x53: {  	_ =	shalt  }
0x54: {  	_ =	shalt  }
0x55: {  	_ =	shalt  }
0x56: {  	_ =	shalt  }
0x57: {  	_ =	shalt  }
0x58: {  	_ =	shalt  }
0x59: {  	_ =	shalt  }
0x5a: {  	_ =	shalt  }
0x5b: {  	_ =	shalt  }
0x5c: {  	_ =	shalt  }
0x5d: {  	_ =	shalt  }
0x5e: {  	_ =	shalt  }
0x5f: {  	_ =	shalt  }
0x60: {  	_ =	shalt  }
0x61: {  	_ =	shalt  }
0x62: {  	_ =	shalt  }
0x63: {  	_ =	shalt  }
0x64: {  	_ =	shalt  }
0x65: {  	_ =	shalt  }
0x66: {  	_ =	shalt  }
0x67: {  	_ =	shalt  }
0x68: {  	_ =	shalt  }
0x69: {  	_ =	shalt  }
0x6a: {  	_ =	shalt  }
0x6b: {  	_ =	shalt  }
0x6c: {  	_ =	shalt  }
0x6d: {  	_ =	shalt  }
0x6e: {  	_ =	shalt  }
0x6f: {  	_ =	shalt  }
0x70: {  	_ =	shalt  }
0x71: {  	_ =	shalt  }
0x72: {  	_ =	shalt  }
0x73: {  	_ =	shalt  }
0x74: {  	_ =	shalt  }
0x75: {  	_ =	shalt  }
0x76: {  	_ =	shalt  }
0x77: {  	_ =	shalt  }
0x78: {  	_ =	shalt  }
0x79: {  	_ =	shalt  }
0x7a: {  	_ =	shalt  }
0x7b: {  	_ =	shalt  }
0x7c: {  	_ =	shalt  }
0x7d: {  	_ =	shalt  }
0x7e: {  	_ =	shalt  }
0x7f: {  	_ =	shalt  }
0x80: {  	_ =	shalt  }
0x81: {  	_ =	shalt  }
0x82: {  	_ =	shalt  }
0x83: {  	_ =	shalt  }
0x84: {  	_ =	shalt  }
0x85: {  	_ =	shalt  }
0x86: {  	_ =	shalt  }
0x87: {  	_ =	shalt  }
.Lfunc_end0:
.L_simem_size_0:
called_computation.1_lowered:
.L_overlay_start_0:
0x88: {  	s2 =	sld [smem:$0x3FD9]  }
0x89: {  	s3 =	sld [smem:$0x3FFE];
	_ =	sdelay $0x1  }
0x8a: {  	s1 =	srdreg.scid  }
0x8b: {  	s0 =	sand.u32 $0x1, s1  }
0x8c: {  	s17 =	sshll.u32 s0, $0xA;
	s2 =	sadd.s32 s3, s2  }
0x8d: {  	s2 =	sadd.s32 s2, s17  }
0x8e: {  	[smem:$0x3FB7] =	sst s2  }
0x8f: {  	_ = 	snop  }
0x90: {  	s2 =	sld [smem:$0x3FD0];
	(tm) =	ssettm $0x1  }
0x91: {  	s18 =	sld [smem:$0x3FFB];
	_ =	sdelay $0x3  }
0x92: {  	_ =	strace s18  }
0x93: {  	s3 =	sld [smem:$0x3FFC];
	_ =	sdelay $0x3  }
0x94: {  	_ =	strace s3  }
0x95: {  	s3 =	sld [smem:$0x3FFD];
	_ =	sdelay $0x3  }
0x96: {  	_ =	strace s3  }
0x97: {  	_ =	strace $0x8FFFFFFF  }
0x98: {  	s19 =	sld [smem:$0x3FDB];
	_ =	sdelay $0x1  }
0x99: {  	s4 =	simm.s32 $_scs_section_size  }
0x9a: {  	s5 =	simm.s32 $_size__tile_overlayer_lowered;
	s6 =	simm.s32 $_tile_overlayer_lowered  }
0x9b: {  	s22 =	simm.s32 $0x1BFF;
	s21 =	sshll.u32 s6, $0x1;
	s3 =	sadd.s32 s4, s19  }
0x9c: {  	s7 =	simm.s32 $0x0;
	s20 =	sshll.u32 s5, $0x1;
	s5 =	sadd.s32 s21, s3  }
0x9d: {  	[timem:s7], [sflag:s22] =	dma.local [hbm:s5], s20  }
0x9e: {  	_ =	swait.ge [sflag:s22], s20  }
0x9f: {  	s4 =	ssub.s32 $0x0, s20;
	[sflag:s22] =	ssyncset.done $0x0  }
0xa0: {  	[sflag:s22] =	ssyncadd.s32 s4;
	_ =	sdelay $0x1  }
0xa1: {  	s23 =	simm.s32 $0x1B8B  }
0xa2: {  	_ =	swait.ge [sflag:s23], $0x1  }
0xa3: {  	[sflag:s23] =	ssyncset.done $0x0  }
0xa4: {  	s25 =	simm.s32 $0x1B8E;
	s24 =	sld [smem:$0x3FFE];
	[sflag:s23] =	ssyncadd.s32 $0xFFFFFFFF  }
0xa5: {  	s26 =	simm.s32 $execute0_lowered;
	[smem:$0x3FD2] =	sst s25  }
0xa6: {  	s5 =	sshll.u32 s26, $0x1;
	_ =	strace $0x80000049;
	[dreg:$0x1] =	wrdreg $0xFFFFFFFF  }
0xa7: {  	s28 =	simm.s32 $_size_execute0_lowered;
	s3 =	sadd.s32 s3, s5;
	[dreg:$0x0] =	wrdreg $0x0  }
0xa8: {  	s5 =	sshll.u32 s28, $0x1;
	[dreg:$0x2] =	wrdreg s3  }
0xa9: {  	[dreg:$0x3] =	wrdreg s5  }
0xaa: {  	[dreg:$0x4] =	wrdreg $0xC0  }
0xab: {  	_ =	task [dreg:s7], $0x5FFFF  }
0xac: {  	[dreg:$0x1] =	wrdreg $0xFFFFFFFF  }
0xad: {  	[dreg:$0x0] =	wrdreg $0x60  }
0xae: {  	[dreg:$0x2] =	wrdreg s24  }
0xaf: {  	[dreg:$0x3] =	wrdreg s2  }
0xb0: {  	[dreg:$0x4] =	wrdreg $0x97700  }
0xb1: {  	[dreg:$0x5] =	wrdreg $0x9  }
0xb2: {  	_ =	task.clear_ibuf [dreg:s7], $0x6FFFF;
	_ =	strace $0x90000049  }
0xb3: {  	s29 =	simm.s32 $0x9;
	_ =	strace $0x8000004B  }
0xb4: {  	_ =	swait.ge [sflag:s29], $0x1  }
0xb5: {  	[sflag:s29] =	ssyncadd.s32 $0xFFFFFFFF  }
0xb6: {  	_ =	strace $0x9000004B  }
0xb7: {  	_ =	sfence  }
0xb8: {  	s30 =	sld [smem:$0x0];
	_ =	sdelay $0x2  }
0xb9: {  	s31 =	sshll.u32 s1, $0xD;
	s1 =	sshrl.u32 s1, $0x2  }
0xba: {  	s3 =	sand.u32 $0x4000, s31;
	s1 =	sadd.s32 s1, s30  }
0xbb: {  	s0 =	sor.u32 s3, s0;
	s1 =	sshll.u32 s1, $0x11  }
0xbc: {  	s0 =	sor.u32 s1, s0  }
0xbd: {  	s0 =	sadd.s32 $0x8F2B, s0  }
0xbe: {  	[sflag:s0] =	ssyncadd.remote.s32 $0x1  }
0xbf: {  	_ =	sfence.sel $0xFFFF  }
0xc0: {  	[dreg:$0x0] =	wrdreg $0xFFFFFFFF;
	(pc) =	sbr.abs _section_cstart, $3  }
0xc1: {  	[dreg:$0x1] =	wrdreg $0xFFFFFFFF  }
0xc2: {  	_ =	task.clear_ibuf [dreg:s7], $0x2FFFF;
	_ =	strace $0x9FFFFFFF  }
0xc3: {  	(tm) =	ssettm $0x7FFFFFFF  }
tec
execute0_lowered:
.L_overlay_start_1:
0x0: {  	(tag) =	ssettag $0x1  }
0x1: {  	s0 =	rddreg [dreg:$0x0]  }
0x2: {  	s2 =	rddreg [dreg:$0x1]  }
0x3: {  	s3 =	rddreg [dreg:$0x2];
	s1 =	srdreg.scid  }
0x4: {  	s13 =	stileid.u32;
	s4 =	simm.s32 $0x0;
	s30 =	simm.s32 $0x5  }
0x5: {  	s31 =	simm.s32 $0x5A00;
	s29 =	simm.s32 $0x96C0;
	s1 =	sand.u32 $0x1, s1  }
0x6: {  	s9 =	smul.u32 $0x15F00, s13;
	[smem:$0x7FF] =	sst s4;
	s5 =	sadd.s32 $0x1800, s0  }
0x7: {  	s6 =	sadd.s32 $0x2D800, s0;
	s7 =	sadd.s32 $0x32E00, s0;
	s26 =	smul.u32 $0x57C00, s13  }
0x8: {  	s8 =	sadd.s32 $0x81000, s0;
	s11 =	sadd.s32 $0x32800, s0;
	s10 =	smul.u32 $0x15F900, s1  }
0x9: {  	_ =	strace $0x8000004A;
	[dreg:$0x4] =	wrdreg s11;
	s28 =	ssub.s32 $0x2, s1  }
0xa: {  	s1 =	sshll.u32 s1, $0x4;
	s12 =	sshrl.u32 s28, $0x1;
	s11 =	sshrl.u32 s26, $0x2  }
0xb: {  	s1 =	sor.u32 s13, s1;
	s22 =	sadd.s32 s9, s3;
	s11 =	sadd.s32 s11, s3  }
0xc: {  	s10 =	sadd.s32 s9, s10;
	[dreg:$0x5] =	wrdreg s22;
	s13 =	sadd.s32 $0x5A00, s11  }
0xd: {  	s1 =	smul.u32 $0x2710, s1;
	s14 =	sadd.s32 $0x8700, s11;
	[dreg:$0x7] =	wrdreg s13  }
0xe: {  	s10 =	sshrl.u32 s10, $0x3;
	s15 =	sadd.s32 $0xB400, s11;
	[dreg:$0x8] =	wrdreg s14  }
0xf: {  	s16 =	sadd.s32 $0xE100, s11;
	s17 =	sadd.s32 $0x10E00, s11;
	[dreg:$0x9] =	wrdreg s15  }
0x10: {  	s0 =	sadd.s32 s10, s0;
	s10 =	ssub.s32 s28, s12;
	[dreg:$0xa] =	wrdreg s16  }
0x11: {  	s12 =	sadd.s32 $0x2D00, s11;
	[dreg:$0xb] =	wrdreg s17;
	s18 =	sshrl.u32 s1, $0x3  }
0x12: {  	s19 =	sadd.s32 $0x50, s1;
	s11 =	sadd.s32 $0x13B00, s11;
	s26 =	sadd.s32 s7, s1  }
0x13: {  	s13 =	simm.s32 $0x9670;
	s14 =	simm.s32 $0x9710;
	s16 =	simm.s32 $0x2  }
0x14: {  	s17 =	simm.s32 $0x2D00;
	s15 =	simm.s32 $0x0;
	[dreg:$0x6] =	wrdreg s12  }
0x15: {  	[dreg:$0xc] =	wrdreg s11;
	s20 =	sadd.s32 s8, s18;
	s21 =	sshrl.u32 s19, $0x3  }
0x16: {  	s9 =	sadd.s32 s2, s18;
	s25 =	sadd.s32 s7, s19;
	[dreg:$0x12] =	wrdreg s26  }
0x17: {  	s0 =	sadd.s32 $0x8AE00, s0;
	s28 =	smax.u32 s10, $0x1;
	[dreg:$0xd] =	wrdreg s20  }
0x18: {  	s11 =	simm.s32 $0x50;
	s12 =	simm.s32 $0x8700;
	[dreg:$0xe] =	wrdreg s9  }
0x19: {  	s18 =	simm.s32 $0x8C00;
	s19 =	simm.s32 $0x3;
	[dreg:$0x11] =	wrdreg s25  }
0x1a: {  	s23 =	sadd.s32 s8, s21;
	s24 =	sadd.s32 s2, s21;
	[dreg:$0x13] =	wrdreg s0  }
0x1b: {  	s25 =	sadd.s32 $0xF0, s1;
	[dreg:$0x14] =	wrdreg s28;
	s0 =	simm.s32 $0x9620  }
0x1c: {  	v0 =	vimm.f32 $0.0e+00;
	v1 =	vimm.s32 $0x0;
	s9 =	simm.s32 $0x1;
	s20 =	simm.s32 $0x4;
	[dreg:$0xf] =	wrdreg s23  }
0x1d: {  	v2 =	vimm.s32 $0x1;
	v3 =	vimm.s32 $0x2;
	v4 =	vimm.s32 $0x3;
	[dreg:$0x10] =	wrdreg s24;
	s24 =	sadd.s32 $0xA0, s1;
	s1 =	simm.s32 $0x9100  }
.LBB2_1:
0x1e: {  	[dreg:$0x15] =	wrdreg s15  }
0x1f: {  	s10 =	rddreg [dreg:$0x4];
	s28 =	simm.s32 $0x9760  }
0x20: {  	[tilespmem:s28], [sflag:$0x5] =	stream.linear.gather [hbm4b:s10+s4], $0x10, $0x38;
	[tilespmem:$0x1F700] =	vst v63  }
0x21: {  	_ =	swait.ge [sflag:s30], $0x10  }
0x22: {  	[sflag:s30] =	ssyncset.done $0x0  }
0x23: {  	s21 =	simm.s32 $0x240;
	s10 =	simm.s32 $0x0;
	[sflag:s30] =	ssyncadd.s32 $0xFFFFFFF0  }
.LBB2_2:
0x24: {  	p0 =	sne.s32 s21, $0xB1C0;
	[tilespmem:s10+$0x5A80] =	vst v0  }
0x25: {  	[tilespmem:s10+$0x5A00] =	vst v0  }
0x26: {  	[tilespmem:s10+$0x5A10] =	vst v0  }
0x27: {  	[tilespmem:s10+$0x5A20] =	vst v0  }
.Ltmp0:
0x28: {  	[tilespmem:s10+$0x5A30] =	vst v0;
	(pc) =	sbr.rel @p0 .LBB2_2-.Ltmp0, $4  }
0x29: {  	[tilespmem:s10+$0x5A40] =	vst v0  }
0x2a: {  	[tilespmem:s10+$0x5A50] =	vst v0  }
0x2b: {  	[tilespmem:s10+$0x5A60] =	vst v0  }
0x2c: {  	[tilespmem:s10+$0x5A70] =	vst v0;
	s10 =	sshra.s32 s21, $0x2;
	s21 =	sadd.s32 $0x240, s21  }
0x2d: {  	[tilespmem:s10+$0x5A80] =	vst v0  }
0x2e: {  	[tilespmem:s10+$0x5A00] =	vst v0  }
0x2f: {  	[tilespmem:s10+$0x5A10] =	vst v0  }
0x30: {  	[tilespmem:s10+$0x5A20] =	vst v0  }
0x31: {  	[tilespmem:s10+$0x5A30] =	vst v0  }
0x32: {  	[tilespmem:s10+$0x5A40] =	vst v0  }
0x33: {  	[tilespmem:s10+$0x5A50] =	vst v0  }
0x34: {  	[tilespmem:s10+$0x5A60] =	vst v0  }
0x35: {  	[tilespmem:s10+$0x5A70] =	vst v0  }
0x36: {  	[spmem:s22] =	stream.linear.scatter [tilespmem:s31], [sflag:$0x5], $0x2D00, $0x38;
	[tilespmem:$0x1F700] =	vst v63  }
0x37: {  	_ =	swait.ge [sflag:s30], $0x2D00  }
0x38: {  	[sflag:s30] =	ssyncset.done $0x0  }
0x39: {  	s26 =	rddreg [dreg:$0x6];
	[sflag:s30] =	ssyncadd.s32 $0xFFFFD300  }
0x3a: {  	[spmem:s26] =	stream.linear.scatter [tilespmem:s31], [sflag:$0x5], $0x2D00, $0x38;
	[tilespmem:$0x1F700] =	vst v63  }
0x3b: {  	_ =	swait.ge [sflag:s30], $0x2D00  }
0x3c: {  	[sflag:s30] =	ssyncset.done $0x0  }
0x3d: {  	s28 =	rddreg [dreg:$0x7];
	[sflag:s30] =	ssyncadd.s32 $0xFFFFD300  }
0x3e: {  	[spmem:s28] =	stream.linear.scatter [tilespmem:s31], [sflag:$0x5], $0x2D00, $0x38;
	[tilespmem:$0x1F700] =	vst v63  }
0x3f: {  	_ =	swait.ge [sflag:s30], $0x2D00  }
0x40: {  	[sflag:s30] =	ssyncset.done $0x0  }
0x41: {  	s15 =	rddreg [dreg:$0x8];
	[sflag:s30] =	ssyncadd.s32 $0xFFFFD300  }
0x42: {  	[spmem:s15] =	stream.linear.scatter [tilespmem:s31], [sflag:$0x5], $0x2D00, $0x38;
	[tilespmem:$0x1F700] =	vst v63  }
0x43: {  	_ =	swait.ge [sflag:s30], $0x2D00  }
0x44: {  	[sflag:s30] =	ssyncset.done $0x0  }
0x45: {  	s21 =	rddreg [dreg:$0x9];
	[sflag:s30] =	ssyncadd.s32 $0xFFFFD300  }
0x46: {  	[spmem:s21] =	stream.linear.scatter [tilespmem:s31], [sflag:$0x5], $0x2D00, $0x38;
	[tilespmem:$0x1F700] =	vst v63  }
0x47: {  	_ =	swait.ge [sflag:s30], $0x2D00  }
0x48: {  	[sflag:s30] =	ssyncset.done $0x0  }
0x49: {  	s22 =	rddreg [dreg:$0xa];
	[sflag:s30] =	ssyncadd.s32 $0xFFFFD300  }
0x4a: {  	[spmem:s22] =	stream.linear.scatter [tilespmem:s31], [sflag:$0x5], $0x2D00, $0x38;
	[tilespmem:$0x1F700] =	vst v63  }
0x4b: {  	_ =	swait.ge [sflag:s30], $0x2D00  }
0x4c: {  	[sflag:s30] =	ssyncset.done $0x0  }
0x4d: {  	s23 =	rddreg [dreg:$0xb];
	[sflag:s30] =	ssyncadd.s32 $0xFFFFD300  }
0x4e: {  	[spmem:s23] =	stream.linear.scatter [tilespmem:s31], [sflag:$0x5], $0x2D00, $0x38;
	[tilespmem:$0x1F700] =	vst v63  }
0x4f: {  	_ =	swait.ge [sflag:s30], $0x2D00  }
0x50: {  	[sflag:s30] =	ssyncset.done $0x0  }
0x51: {  	s26 =	rddreg [dreg:$0xc];
	[sflag:s30] =	ssyncadd.s32 $0xFFFFD300  }
0x52: {  	[spmem:s26] =	stream.linear.scatter [tilespmem:s31], [sflag:$0x5], $0x2D00, $0x38;
	[tilespmem:$0x1F700] =	vst v63  }
0x53: {  	_ =	swait.ge [sflag:s30], $0x2D00  }
0x54: {  	[sflag:s30] =	ssyncset.done $0x0  }
0x55: {  	[sflag:s30] =	ssyncadd.s32 $0xFFFFD300  }
0x56: {  	[bflag:$0x0] =	sbarrier.arrive $0xFFFF  }
0x57: {  	s22 =	simm.s32 $0x0;
	s28 =	rddreg [dreg:$0xd]  }
0x58: {  	v5 =	vld [tilespmem:$0x9760];
	[tilespmem:s0], [sflag:$0x1] =	stream.linear.gather [hbm4b:s28+s22], $0x50, $0x38  }
0x59: {  	s15 =	rddreg [dreg:$0xe]  }
0x5a: {  	[tilespmem:s29], [sflag:$0x1] =	stream.linear.gather [hbm4b:s15+s22], $0x50, $0x38;
	[tilespmem:$0x1F700] =	vst v63  }
0x5b: {  	s21 =	rddreg [dreg:$0x12]  }
0x5c: {  	[tilespmem:s1], [sflag:$0x1] =	stream.linear.gather [hbm4b:s21+s22], $0x280, $0x38;
	[tilespmem:$0x1F700] =	vst v63  }
0x5d: {  	_ =	swait.ge [sflag:s9], $0x50  }
0x5e: {  	[sflag:s9] =	ssyncset.done $0x0  }
0x5f: {  	[sflag:s9] =	ssyncadd.s32 $0xFFFFFFB0  }
0x60: {  	_ =	swait.ge [sflag:s9], $0x50  }
0x61: {  	[sflag:s9] =	ssyncset.done $0x0  }
0x62: {  	[sflag:s9] =	ssyncadd.s32 $0xFFFFFFB0  }
0x63: {  	_ =	swait.ge [sflag:s9], $0x280  }
0x64: {  	[sflag:s9] =	ssyncset.done $0x0  }
0x65: {  	[sflag:s9] =	ssyncadd.s32 $0xFFFFFD80  }
0x66: {  	[tilespmem:s22], [sflag:$0x3] =	stream.indirect.gather [hbm4b:s5+s11], $0x90, s0, s11, $0xb8;
	[tilespmem:$0x1F700] =	vst v63  }
0x67: {  	_ = 	snop  }
0x68: {  	[tilespmem:s12], [sflag:$0x3] =	stream.indirect.gather [hbm4b:s6+s11], $0x10, s29, s11, $0xb8;
	[tilespmem:$0x1F700] =	vst v63  }
0x69: {  	s23 =	rddreg [dreg:$0xf]  }
0x6a: {  	[tilespmem:s13], [sflag:$0x2] =	stream.linear.gather [hbm4b:s23+s22], $0x50, $0x38;
	[tilespmem:$0x1F700] =	vst v63  }
0x6b: {  	s26 =	rddreg [dreg:$0x10]  }
0x6c: {  	[tilespmem:s14], [sflag:$0x2] =	stream.linear.gather [hbm4b:s26+s22], $0x50, $0x38;
	[tilespmem:$0x1F700] =	vst v63  }
0x6d: {  	s15 =	simm.s32 $0x9390;
	s28 =	rddreg [dreg:$0x11]  }
0x6e: {  	[tilespmem:s15], [sflag:$0x2] =	stream.linear.gather [hbm4b:s28+s22], $0x280, $0x38;
	[tilespmem:$0x1F700] =	vst v63  }
.LBB2_4:
0x6f: {  	_ =	swait.ge [sflag:s16], $0x50  }
0x70: {  	[sflag:s16] =	ssyncset.done $0x0  }
0x71: {  	[sflag:s16] =	ssyncadd.s32 $0xFFFFFFB0  }
0x72: {  	_ =	swait.ge [sflag:s16], $0x50  }
0x73: {  	[sflag:s16] =	ssyncset.done $0x0  }
0x74: {  	[sflag:s16] =	ssyncadd.s32 $0xFFFFFFB0  }
0x75: {  	_ =	swait.ge [sflag:s16], $0x280  }
0x76: {  	[sflag:s16] =	ssyncset.done $0x0  }
0x77: {  	[sflag:s16] =	ssyncadd.s32 $0xFFFFFD80  }
0x78: {  	[tilespmem:s17], [sflag:$0x4] =	stream.indirect.gather [hbm4b:s5+s11], $0x90, s13, s11, $0xb8;
	[tilespmem:$0x1F700] =	vst v63  }
0x79: {  	_ = 	snop  }
0x7a: {  	[tilespmem:s18], [sflag:$0x4] =	stream.indirect.gather [hbm4b:s6+s11], $0x10, s14, s11, $0xb8;
	[tilespmem:$0x1F700] =	vst v63  }
0x7b: {  	_ =	swait.ge [sflag:s19], $0x2D00  }
0x7c: {  	[sflag:s19] =	ssyncset.done $0x0  }
0x7d: {  	[sflag:s19] =	ssyncadd.s32 $0xFFFFD300  }
0x7e: {  	_ =	swait.ge [sflag:s19], $0x500  }
0x7f: {  	[sflag:s19] =	ssyncset.done $0x0  }
0x80: {  	s10 =	simm.s32 $0x0;
	[sflag:s19] =	ssyncadd.s32 $0xFFFFFB00  }
0x81: {  	s21 =	simm.s32 $0x8700;
	v6 =	vld [tilespmem:s10+$0x80]  }
0x82: {  	v7 =	vld [tilespmem:s21+$0x0]  }
0x83: {  	s23 =	simm.s32 $0x9104  }
0x84: {  	v8 =	vld [tilespmem:s23+$0x0];
	_ =	sdelay $0x2  }
0x85: {  	v6 =	vadd.f32 v7, v6;
	_ =	sdelay $0x1  }
0x86: {  	v6 =	vadd.f32 v8, v6;
	_ =	sdelay $0x1  }
0x87: {  	v7 =	vmul.f32 $2.000000030e-01, v6  }
0x88: {  	vm0 =	vge.f32 v6, $0.0e+00  }
0x89: {  	v6 =	vsel vm0, v6, v7  }
0x8a: {  	v6 =	vsub.f32 v6, v5;
	_ =	sdelay $0x1  }
0x8b: {  	v6 =	vmul.f32 $1.442695020e+00, v6;
	_ =	sdelay $0x1  }
0x8c: {  	(erf) = vpow2.f32 v6;
	_ =	sdelay $0x6  }
0x8d: {  	v6 =	vld [tilespmem:s10+$0x70]  }
0x8e: {  	v7 =	vld [tilespmem:s10+$0x60]  }
0x8f: {  	v8 =	vld [tilespmem:s10+$0x50];
	v9 =	vpop (erf)  }
0x90: {  	v10 =	vld [tilespmem:s10+$0x40];
	v11 =	vperm.xlane v9, v4  }
0x91: {  	v12 =	vld [tilespmem:s10+$0x30]  }
0x92: {  	v13 =	vld [tilespmem:s10+$0x20];
	v14 =	vperm.xlane v9, v3;
	v6 =	vmul.f32 v6, v11  }
0x93: {  	v15 =	vld [tilespmem:s10+$0x10];
	[tilespmem:s10+$0x5A80] =	vst v9;
	v7 =	vmul.f32 v7, v11  }
0x94: {  	v61 =	vperm.xlane v9, v2;
	v8 =	vmul.f32 v8, v14;
	[tilespmem:s10+$0x5A70] =	vst v6;
	v6 =	vld [tilespmem:s10+$0x0]  }
0x95: {  	v10 =	vmul.f32 v10, v14;
	[tilespmem:s10+$0x5A60] =	vst v7  }
0x96: {  	v62 =	vmul.f32 v12, v61;
	v7 =	vperm.xlane v9, v1;
	[tilespmem:s10+$0x5A50] =	vst v8  }
0x97: {  	v8 =	vmul.f32 v13, v61;
	[tilespmem:s10+$0x5A40] =	vst v10  }
0x98: {  	[tilespmem:s10+$0x5A30] =	vst v62;
	v63 =	vmul.f32 v15, v7  }
0x99: {  	[tilespmem:s10+$0x5A20] =	vst v8;
	v7 =	vmul.f32 v6, v7  }
0x9a: {  	s26 =	simm.s32 $0x90;
	[tilespmem:s10+$0x5A10] =	vst v63  }
0x9b: {  	s28 =	simm.s32 $0x480;
	v6 =	vld [tilespmem:s26+$0x80];
	[tilespmem:s10+$0x5A00] =	vst v7;
	s10 =	simm.s32 $0x8710  }
.LBB2_5:
0x9c: {  	p0 =	sne.s32 s28, $0xB1C0;
	v7 =	vld [tilespmem:s10+$0x0];
	s23 =	sadd.s32 $0x8, s23  }
0x9d: {  	v8 =	vld [tilespmem:s23+$0x0];
	_ =	sdelay $0x3  }
0x9e: {  	v6 =	vadd.f32 v7, v6;
	_ =	sdelay $0x1  }
0x9f: {  	v6 =	vadd.f32 v8, v6;
	_ =	sdelay $0x1  }
0xa0: {  	v7 =	vmul.f32 $2.000000030e-01, v6  }
0xa1: {  	vm0 =	vge.f32 v6, $0.0e+00  }
0xa2: {  	v6 =	vsel vm0, v6, v7  }
0xa3: {  	v6 =	vsub.f32 v6, v5;
	_ =	sdelay $0x1  }
0xa4: {  	v6 =	vmul.f32 $1.442695020e+00, v6;
	_ =	sdelay $0x1  }
0xa5: {  	(erf) = vpow2.f32 v6;
	_ =	sdelay $0x2  }
0xa6: {  	v6 =	vld [tilespmem:s26+$0x0]  }
0xa7: {  	v7 =	vld [tilespmem:s26+$0x20]  }
0xa8: {  	v8 =	vld [tilespmem:s26+$0x40]  }
0xa9: {  	v9 =	vld [tilespmem:s26+$0x60]  }
0xaa: {  	v10 =	vld [tilespmem:s26+$0x70]  }
0xab: {  	v11 =	vld [tilespmem:s26+$0x50]  }
0xac: {  	v12 =	vld [tilespmem:s26+$0x30];
	v13 =	vpop (erf)  }
0xad: {  	v14 =	vld [tilespmem:s26+$0x10];
	v15 =	vperm.xlane v13, v3;
	v16 =	vperm.xlane v13, v4;
	[tilespmem:s26+$0x5A80] =	vst v13  }
0xae: {  	v17 =	vperm.xlane v13, v1;
	v13 =	vperm.xlane v13, v2  }
0xaf: {  	v9 =	vmul.f32 v9, v16;
	v10 =	vmul.f32 v10, v16  }
0xb0: {  	v8 =	vmul.f32 v8, v15;
	v11 =	vmul.f32 v11, v15  }
0xb1: {  	v7 =	vmul.f32 v7, v13;
	v12 =	vmul.f32 v12, v13;
	[tilespmem:s26+$0x5A70] =	vst v10  }
0xb2: {  	v10 =	vmul.f32 v6, v17;
	v6 =	vmul.f32 v14, v17;
	[tilespmem:s26+$0x5A60] =	vst v9  }
0xb3: {  	[tilespmem:s26+$0x5A50] =	vst v11  }
.Ltmp1:
0xb4: {  	[tilespmem:s26+$0x5A40] =	vst v8;
	(pc) =	sbr.rel @p0 .LBB2_5-.Ltmp1, $4  }
0xb5: {  	[tilespmem:s26+$0x5A30] =	vst v12  }
0xb6: {  	[tilespmem:s26+$0x5A20] =	vst v7  }
0xb7: {  	s21 =	sshra.s32 s28, $0x2;
	[tilespmem:s26+$0x5A10] =	vst v6  }
0xb8: {  	s28 =	sadd.s32 $0x240, s28;
	s10 =	sadd.s32 $0x10, s10;
	v6 =	vld [tilespmem:s21+$0x80];
	[tilespmem:s26+$0x5A00] =	vst v10;
	s26 =	smov.u32 s21  }
0xb9: {  	v7 =	vld [tilespmem:s10+$0x0]  }
0xba: {  	s23 =	sadd.s32 $0x8, s23  }
0xbb: {  	v8 =	vld [tilespmem:s23+$0x0];
	_ =	sdelay $0x2  }
0xbc: {  	v6 =	vadd.f32 v7, v6;
	_ =	sdelay $0x1  }
0xbd: {  	v6 =	vadd.f32 v8, v6;
	_ =	sdelay $0x1  }
0xbe: {  	v7 =	vmul.f32 $2.000000030e-01, v6  }
0xbf: {  	vm0 =	vge.f32 v6, $0.0e+00  }
0xc0: {  	v6 =	vsel vm0, v6, v7  }
0xc1: {  	v6 =	vsub.f32 v6, v5;
	_ =	sdelay $0x1  }
0xc2: {  	v6 =	vmul.f32 $1.442695020e+00, v6;
	_ =	sdelay $0x1  }
0xc3: {  	(erf) = vpow2.f32 v6;
	_ =	sdelay $0x6  }
0xc4: {  	v8 =	vld [tilespmem:s26+$0x70]  }
0xc5: {  	v9 =	vld [tilespmem:s26+$0x60]  }
0xc6: {  	v10 =	vld [tilespmem:s26+$0x50];
	v11 =	vpop (erf)  }
0xc7: {  	v14 =	vld [tilespmem:s26+$0x30];
	v13 =	vperm.xlane v11, v4  }
0xc8: {  	v7 =	vld [tilespmem:s26+$0x20]  }
0xc9: {  	v12 =	vld [tilespmem:s26+$0x40];
	v16 =	vperm.xlane v11, v3;
	v8 =	vmul.f32 v8, v13  }
0xca: {  	v6 =	vld [tilespmem:s26+$0x0];
	[tilespmem:s26+$0x5A80] =	vst v11;
	v51 =	vperm.xlane v11, v2;
	v9 =	vmul.f32 v9, v13  }
0xcb: {  	v15 =	vld [tilespmem:s26+$0x10];
	v10 =	vmul.f32 v10, v16;
	[tilespmem:s26+$0x5A70] =	vst v8  }
0xcc: {  	v53 =	vmul.f32 v14, v51;
	[tilespmem:s26+$0x5A60] =	vst v9  }
0xcd: {  	v52 =	vperm.xlane v11, v1;
	v7 =	vmul.f32 v7, v51;
	[tilespmem:s26+$0x5A50] =	vst v10  }
0xce: {  	v8 =	vmul.f32 v12, v16;
	[tilespmem:s26+$0x5A30] =	vst v53  }
0xcf: {  	v6 =	vmul.f32 v6, v52;
	[tilespmem:s26+$0x5A20] =	vst v7  }
0xd0: {  	[tilespmem:s26+$0x5A40] =	vst v8;
	v8 =	vmul.f32 v15, v52  }
0xd1: {  	[tilespmem:s26+$0x5A00] =	vst v6  }
0xd2: {  	s23 =	smul.u32 $0xA0, s22;
	[tilespmem:s26+$0x5A10] =	vst v8  }
0xd3: {  	[spmem:s3] =	stream.indirect.scatter.add.f32 [tilespmem:s31], [sflag:$0x5], $0x90, s29, s11, $0xb8;
	[tilespmem:$0x1F700] =	vst v63  }
0xd4: {  	s10 =	sadd.s32 s23, s24;
	_ =	swait.ge [sflag:s30], $0x2D00  }
0xd5: {  	s21 =	sshrl.u32 s10, $0x3;
	[sflag:s30] =	ssyncset.done $0x0  }
0xd6: {  	s28 =	simm.s32 $0x0;
	s15 =	sadd.s32 s8, s21;
	[sflag:s30] =	ssyncadd.s32 $0xFFFFD300  }
0xd7: {  	[tilespmem:s0], [sflag:$0x1] =	stream.linear.gather [hbm4b:s15+s28], $0x50, $0x38;
	[tilespmem:$0x1F700] =	vst v63  }
0xd8: {  	s21 =	sadd.s32 s2, s21  }
0xd9: {  	[tilespmem:s29], [sflag:$0x1] =	stream.linear.gather [hbm4b:s21+s28], $0x50, $0x38;
	[tilespmem:$0x1F700] =	vst v63  }
0xda: {  	s10 =	sadd.s32 s7, s10  }
0xdb: {  	[tilespmem:s1], [sflag:$0x1] =	stream.linear.gather [hbm4b:s10+s28], $0x280, $0x38;
	[tilespmem:$0x1F700] =	vst v63  }
0xdc: {  	_ =	swait.ge [sflag:s9], $0x50  }
0xdd: {  	[sflag:s9] =	ssyncset.done $0x0  }
0xde: {  	[sflag:s9] =	ssyncadd.s32 $0xFFFFFFB0  }
0xdf: {  	_ =	swait.ge [sflag:s9], $0x50  }
0xe0: {  	[sflag:s9] =	ssyncset.done $0x0  }
0xe1: {  	[sflag:s9] =	ssyncadd.s32 $0xFFFFFFB0  }
0xe2: {  	_ =	swait.ge [sflag:s9], $0x280  }
0xe3: {  	[sflag:s9] =	ssyncset.done $0x0  }
0xe4: {  	[sflag:s9] =	ssyncadd.s32 $0xFFFFFD80  }
0xe5: {  	[tilespmem:s28], [sflag:$0x3] =	stream.indirect.gather [hbm4b:s5+s11], $0x90, s0, s11, $0xb8;
	[tilespmem:$0x1F700] =	vst v63  }
0xe6: {  	_ = 	snop  }
0xe7: {  	[tilespmem:s12], [sflag:$0x3] =	stream.indirect.gather [hbm4b:s6+s11], $0x10, s29, s11, $0xb8;
	[tilespmem:$0x1F700] =	vst v63  }
0xe8: {  	_ =	swait.ge [sflag:s20], $0x2D00  }
0xe9: {  	[sflag:s20] =	ssyncset.done $0x0  }
0xea: {  	[sflag:s20] =	ssyncadd.s32 $0xFFFFD300  }
0xeb: {  	_ =	swait.ge [sflag:s20], $0x500  }
0xec: {  	[sflag:s20] =	ssyncset.done $0x0  }
0xed: {  	s15 =	simm.s32 $0x0;
	[sflag:s20] =	ssyncadd.s32 $0xFFFFFB00  }
0xee: {  	s26 =	simm.s32 $0x8C00;
	v6 =	vld [tilespmem:s15+$0x2D80]  }
0xef: {  	v7 =	vld [tilespmem:s26+$0x0]  }
0xf0: {  	s26 =	simm.s32 $0x9394  }
0xf1: {  	v8 =	vld [tilespmem:s26+$0x0];
	_ =	sdelay $0x2  }
0xf2: {  	v6 =	vadd.f32 v7, v6;
	_ =	sdelay $0x1  }
0xf3: {  	v6 =	vadd.f32 v8, v6;
	_ =	sdelay $0x1  }
0xf4: {  	v7 =	vmul.f32 $2.000000030e-01, v6  }
0xf5: {  	vm15 =	vge.f32 v6, $0.0e+00  }
0xf6: {  	v6 =	vsel vm15, v6, v7  }
0xf7: {  	v6 =	vsub.f32 v6, v5;
	_ =	sdelay $0x1  }
0xf8: {  	v6 =	vmul.f32 $1.442695020e+00, v6;
	_ =	sdelay $0x1  }
0xf9: {  	(erf) = vpow2.f32 v6;
	_ =	sdelay $0x6  }
0xfa: {  	v6 =	vld [tilespmem:s15+$0x2D70]  }
0xfb: {  	v7 =	vld [tilespmem:s15+$0x2D60]  }
0xfc: {  	v8 =	vld [tilespmem:s15+$0x2D50];
	v54 =	vpop (erf)  }
0xfd: {  	v55 =	vld [tilespmem:s15+$0x2D40];
	v56 =	vperm.xlane v54, v4  }
0xfe: {  	v57 =	vld [tilespmem:s15+$0x2D30]  }
0xff: {  	v58 =	vld [tilespmem:s15+$0x2D20];
	v59 =	vperm.xlane v54, v3;
	v6 =	vmul.f32 v6, v56  }
0x100: {  	v60 =	vld [tilespmem:s15+$0x2D10];
	[tilespmem:s15+$0x5A80] =	vst v54;
	v7 =	vmul.f32 v7, v56  }
0x101: {  	v61 =	vperm.xlane v54, v2;
	v8 =	vmul.f32 v8, v59;
	[tilespmem:s15+$0x5A70] =	vst v6;
	v6 =	vld [tilespmem:s15+$0x2D00]  }
0x102: {  	v10 =	vmul.f32 v55, v59;
	[tilespmem:s15+$0x5A60] =	vst v7  }
0x103: {  	v62 =	vmul.f32 v57, v61;
	v7 =	vperm.xlane v54, v1;
	[tilespmem:s15+$0x5A50] =	vst v8  }
0x104: {  	v8 =	vmul.f32 v58, v61;
	[tilespmem:s15+$0x5A40] =	vst v10  }
0x105: {  	[tilespmem:s15+$0x5A30] =	vst v62;
	v63 =	vmul.f32 v60, v7  }
0x106: {  	[tilespmem:s15+$0x5A20] =	vst v8;
	v7 =	vmul.f32 v6, v7  }
0x107: {  	s28 =	simm.s32 $0x90;
	[tilespmem:s15+$0x5A10] =	vst v63  }
0x108: {  	s21 =	simm.s32 $0x8C10;
	s10 =	simm.s32 $0x480;
	v6 =	vld [tilespmem:s28+$0x2D80];
	[tilespmem:s15+$0x5A00] =	vst v7  }
.LBB2_7:
0x109: {  	p0 =	sne.s32 s10, $0xB1C0;
	v7 =	vld [tilespmem:s21+$0x0];
	s26 =	sadd.s32 $0x8, s26  }
0x10a: {  	v8 =	vld [tilespmem:s26+$0x0];
	_ =	sdelay $0x3  }
0x10b: {  	v6 =	vadd.f32 v7, v6;
	_ =	sdelay $0x1  }
0x10c: {  	v6 =	vadd.f32 v8, v6;
	_ =	sdelay $0x1  }
0x10d: {  	v7 =	vmul.f32 $2.000000030e-01, v6  }
0x10e: {  	vm0 =	vge.f32 v6, $0.0e+00  }
0x10f: {  	v6 =	vsel vm0, v6, v7  }
0x110: {  	v6 =	vsub.f32 v6, v5;
	_ =	sdelay $0x1  }
0x111: {  	v6 =	vmul.f32 $1.442695020e+00, v6;
	_ =	sdelay $0x1  }
0x112: {  	(erf) = vpow2.f32 v6;
	_ =	sdelay $0x2  }
0x113: {  	v6 =	vld [tilespmem:s28+$0x2D00]  }
0x114: {  	v7 =	vld [tilespmem:s28+$0x2D20]  }
0x115: {  	v8 =	vld [tilespmem:s28+$0x2D40]  }
0x116: {  	v9 =	vld [tilespmem:s28+$0x2D60]  }
0x117: {  	v10 =	vld [tilespmem:s28+$0x2D70]  }
0x118: {  	v11 =	vld [tilespmem:s28+$0x2D50]  }
0x119: {  	v12 =	vld [tilespmem:s28+$0x2D30];
	v13 =	vpop (erf)  }
0x11a: {  	v14 =	vld [tilespmem:s28+$0x2D10];
	v15 =	vperm.xlane v13, v3;
	v16 =	vperm.xlane v13, v4;
	[tilespmem:s28+$0x5A80] =	vst v13  }
0x11b: {  	v17 =	vperm.xlane v13, v1;
	v13 =	vperm.xlane v13, v2  }
0x11c: {  	v9 =	vmul.f32 v9, v16;
	v10 =	vmul.f32 v10, v16  }
0x11d: {  	v8 =	vmul.f32 v8, v15;
	v11 =	vmul.f32 v11, v15  }
0x11e: {  	v7 =	vmul.f32 v7, v13;
	v12 =	vmul.f32 v12, v13;
	[tilespmem:s28+$0x5A70] =	vst v10  }
0x11f: {  	v10 =	vmul.f32 v6, v17;
	v6 =	vmul.f32 v14, v17;
	[tilespmem:s28+$0x5A60] =	vst v9  }
0x120: {  	[tilespmem:s28+$0x5A50] =	vst v11  }
.Ltmp2:
0x121: {  	[tilespmem:s28+$0x5A40] =	vst v8;
	(pc) =	sbr.rel @p0 .LBB2_7-.Ltmp2, $4  }
0x122: {  	[tilespmem:s28+$0x5A30] =	vst v12  }
0x123: {  	[tilespmem:s28+$0x5A20] =	vst v7  }
0x124: {  	s15 =	sshra.s32 s10, $0x2;
	[tilespmem:s28+$0x5A10] =	vst v6  }
0x125: {  	s10 =	sadd.s32 $0x240, s10;
	s21 =	sadd.s32 $0x10, s21;
	v6 =	vld [tilespmem:s15+$0x2D80];
	[tilespmem:s28+$0x5A00] =	vst v10;
	s28 =	smov.u32 s15  }
0x126: {  	v7 =	vld [tilespmem:s21+$0x0]  }
0x127: {  	s10 =	sadd.s32 $0x8, s26  }
0x128: {  	v8 =	vld [tilespmem:s10+$0x0];
	_ =	sdelay $0x2  }
0x129: {  	v6 =	vadd.f32 v7, v6;
	_ =	sdelay $0x1  }
0x12a: {  	v6 =	vadd.f32 v8, v6;
	_ =	sdelay $0x1  }
0x12b: {  	v7 =	vmul.f32 $2.000000030e-01, v6  }
0x12c: {  	vm0 =	vge.f32 v6, $0.0e+00  }
0x12d: {  	v6 =	vsel vm0, v6, v7  }
0x12e: {  	v6 =	vsub.f32 v6, v5;
	_ =	sdelay $0x1  }
0x12f: {  	v6 =	vmul.f32 $1.442695020e+00, v6;
	_ =	sdelay $0x1  }
0x130: {  	(erf) = vpow2.f32 v6;
	_ =	sdelay $0x6  }
0x131: {  	v58 =	vld [tilespmem:s28+$0x2D70]  }
0x132: {  	v9 =	vld [tilespmem:s28+$0x2D60]  }
0x133: {  	v10 =	vld [tilespmem:s28+$0x2D50];
	v11 =	vpop (erf)  }
0x134: {  	v12 =	vld [tilespmem:s28+$0x2D40];
	v13 =	vperm.xlane v11, v4  }
0x135: {  	v14 =	vld [tilespmem:s28+$0x2D30]  }
0x136: {  	v7 =	vld [tilespmem:s28+$0x2D20];
	v16 =	vperm.xlane v11, v3;
	v8 =	vmul.f32 v58, v13  }
0x137: {  	v15 =	vld [tilespmem:s28+$0x2D10];
	[tilespmem:s28+$0x5A80] =	vst v11;
	v9 =	vmul.f32 v9, v13  }
0x138: {  	v6 =	vld [tilespmem:s28+$0x2D00];
	v59 =	vperm.xlane v11, v2;
	v10 =	vmul.f32 v10, v16;
	[tilespmem:s28+$0x5A70] =	vst v8  }
0x139: {  	v60 =	vmul.f32 v12, v16;
	[tilespmem:s28+$0x5A60] =	vst v9  }
0x13a: {  	v61 =	vperm.xlane v11, v1;
	v62 =	vmul.f32 v14, v59;
	[tilespmem:s28+$0x5A50] =	vst v10  }
0x13b: {  	v7 =	vmul.f32 v7, v59;
	[tilespmem:s28+$0x5A40] =	vst v60  }
0x13c: {  	v63 =	vmul.f32 v15, v61;
	[tilespmem:s28+$0x5A30] =	vst v62  }
0x13d: {  	v6 =	vmul.f32 v6, v61;
	[tilespmem:s28+$0x5A20] =	vst v7  }
0x13e: {  	p0 =	seq.s32 s22, $0x3D;
	[tilespmem:s28+$0x5A10] =	vst v63  }
.Ltmp3:
0x13f: {  	[tilespmem:s28+$0x5A00] =	vst v6;
	(pc) =	sbr.rel @p0 .LBB2_10-.Ltmp3, $4  }
0x140: {  	[spmem:s3] =	stream.indirect.scatter.add.f32 [tilespmem:s31], [sflag:$0x5], $0x90, s14, s11, $0xb8;
	[tilespmem:$0x1F700] =	vst v63  }
0x141: {  	_ =	swait.ge [sflag:s30], $0x2D00  }
0x142: {  	[sflag:s30] =	ssyncset.done $0x0  }
0x143: {  	[sflag:s30] =	ssyncadd.s32 $0xFFFFD300  }
0x144: {  	s10 =	sadd.s32 s23, s25  }
0x145: {  	s15 =	sshrl.u32 s10, $0x3  }
0x146: {  	s21 =	sadd.s32 s8, s15  }
0x147: {  	[tilespmem:s13], [sflag:$0x2] =	stream.linear.gather [hbm4b:s21+s4], $0x50, $0x38;
	[tilespmem:$0x1F700] =	vst v63  }
.Ltmp4:
0x148: {  	_ = 	snop;
	(pc) =	sbr.rel .LBB2_4-.Ltmp4, $4  }
0x149: {  	s15 =	sadd.s32 s2, s15  }
0x14a: {  	[tilespmem:s14], [sflag:$0x2] =	stream.linear.gather [hbm4b:s15+s4], $0x50, $0x38;
	[tilespmem:$0x1F700] =	vst v63  }
0x14b: {  	s28 =	simm.s32 $0x9390;
	s22 =	sadd.s32 $0x1, s22;
	s10 =	sadd.s32 s7, s10  }
0x14c: {  	[tilespmem:s28], [sflag:$0x2] =	stream.linear.gather [hbm4b:s10+s4], $0x280, $0x38;
	[tilespmem:$0x1F700] =	vst v63  }
.LBB2_10:
0x14d: {  	_ =	swait.ge [sflag:s19], $0x2D00  }
0x14e: {  	[sflag:s19] =	ssyncset.done $0x0  }
0x14f: {  	[sflag:s19] =	ssyncadd.s32 $0xFFFFD300  }
0x150: {  	_ =	swait.ge [sflag:s19], $0x500  }
0x151: {  	[sflag:s19] =	ssyncset.done $0x0  }
0x152: {  	s15 =	simm.s32 $0x0;
	[sflag:s19] =	ssyncadd.s32 $0xFFFFFB00  }
0x153: {  	s10 =	simm.s32 $0x8700;
	v6 =	vld [tilespmem:s15+$0x80]  }
0x154: {  	v7 =	vld [tilespmem:s10+$0x0]  }
0x155: {  	s22 =	simm.s32 $0x9104  }
0x156: {  	v8 =	vld [tilespmem:s22+$0x0];
	_ =	sdelay $0x2  }
0x157: {  	v6 =	vadd.f32 v7, v6;
	_ =	sdelay $0x1  }
0x158: {  	v6 =	vadd.f32 v8, v6;
	_ =	sdelay $0x1  }
0x159: {  	v7 =	vmul.f32 $2.000000030e-01, v6  }
0x15a: {  	vm0 =	vge.f32 v6, $0.0e+00  }
0x15b: {  	v6 =	vsel vm0, v6, v7  }
0x15c: {  	v6 =	vsub.f32 v6, v5;
	_ =	sdelay $0x1  }
0x15d: {  	v6 =	vmul.f32 $1.442695020e+00, v6;
	_ =	sdelay $0x1  }
0x15e: {  	(erf) = vpow2.f32 v6;
	_ =	sdelay $0x6  }
0x15f: {  	v6 =	vld [tilespmem:s15+$0x70]  }
0x160: {  	v7 =	vld [tilespmem:s15+$0x60]  }
0x161: {  	v8 =	vld [tilespmem:s15+$0x50];
	v9 =	vpop (erf)  }
0x162: {  	v10 =	vld [tilespmem:s15+$0x40];
	v11 =	vperm.xlane v9, v4  }
0x163: {  	v12 =	vld [tilespmem:s15+$0x30]  }
0x164: {  	v13 =	vld [tilespmem:s15+$0x20];
	v14 =	vperm.xlane v9, v3;
	v6 =	vmul.f32 v6, v11  }
0x165: {  	v15 =	vld [tilespmem:s15+$0x10];
	[tilespmem:s15+$0x5A80] =	vst v9;
	v7 =	vmul.f32 v7, v11  }
0x166: {  	v61 =	vperm.xlane v9, v2;
	v8 =	vmul.f32 v8, v14;
	[tilespmem:s15+$0x5A70] =	vst v6;
	v6 =	vld [tilespmem:s15+$0x0]  }
0x167: {  	v10 =	vmul.f32 v10, v14;
	[tilespmem:s15+$0x5A60] =	vst v7  }
0x168: {  	v62 =	vmul.f32 v12, v61;
	v7 =	vperm.xlane v9, v1;
	[tilespmem:s15+$0x5A50] =	vst v8  }
0x169: {  	v8 =	vmul.f32 v13, v61;
	[tilespmem:s15+$0x5A40] =	vst v10  }
0x16a: {  	[tilespmem:s15+$0x5A30] =	vst v62;
	v63 =	vmul.f32 v15, v7  }
0x16b: {  	[tilespmem:s15+$0x5A20] =	vst v8;
	v7 =	vmul.f32 v6, v7  }
0x16c: {  	s23 =	simm.s32 $0x90;
	[tilespmem:s15+$0x5A10] =	vst v63  }
0x16d: {  	s21 =	simm.s32 $0x8710;
	s10 =	simm.s32 $0x480;
	v6 =	vld [tilespmem:s23+$0x80];
	[tilespmem:s15+$0x5A00] =	vst v7  }
.LBB2_11:
0x16e: {  	p0 =	sne.s32 s10, $0xB1C0;
	v7 =	vld [tilespmem:s21+$0x0];
	s22 =	sadd.s32 $0x8, s22  }
0x16f: {  	v8 =	vld [tilespmem:s22+$0x0];
	_ =	sdelay $0x3  }
0x170: {  	v6 =	vadd.f32 v7, v6;
	_ =	sdelay $0x1  }
0x171: {  	v6 =	vadd.f32 v8, v6;
	_ =	sdelay $0x1  }
0x172: {  	v7 =	vmul.f32 $2.000000030e-01, v6  }
0x173: {  	vm0 =	vge.f32 v6, $0.0e+00  }
0x174: {  	v6 =	vsel vm0, v6, v7  }
0x175: {  	v6 =	vsub.f32 v6, v5;
	_ =	sdelay $0x1  }
0x176: {  	v6 =	vmul.f32 $1.442695020e+00, v6;
	_ =	sdelay $0x1  }
0x177: {  	(erf) = vpow2.f32 v6;
	_ =	sdelay $0x2  }
0x178: {  	v6 =	vld [tilespmem:s23+$0x0]  }
0x179: {  	v7 =	vld [tilespmem:s23+$0x20]  }
0x17a: {  	v8 =	vld [tilespmem:s23+$0x40]  }
0x17b: {  	v9 =	vld [tilespmem:s23+$0x60]  }
0x17c: {  	v10 =	vld [tilespmem:s23+$0x70]  }
0x17d: {  	v11 =	vld [tilespmem:s23+$0x50]  }
0x17e: {  	v12 =	vld [tilespmem:s23+$0x30];
	v13 =	vpop (erf)  }
0x17f: {  	v14 =	vld [tilespmem:s23+$0x10];
	v15 =	vperm.xlane v13, v3;
	v16 =	vperm.xlane v13, v4;
	[tilespmem:s23+$0x5A80] =	vst v13  }
0x180: {  	v17 =	vperm.xlane v13, v1;
	v13 =	vperm.xlane v13, v2  }
0x181: {  	v9 =	vmul.f32 v9, v16;
	v10 =	vmul.f32 v10, v16  }
0x182: {  	v8 =	vmul.f32 v8, v15;
	v11 =	vmul.f32 v11, v15  }
0x183: {  	v7 =	vmul.f32 v7, v13;
	v12 =	vmul.f32 v12, v13;
	[tilespmem:s23+$0x5A70] =	vst v10  }
0x184: {  	v10 =	vmul.f32 v6, v17;
	v6 =	vmul.f32 v14, v17;
	[tilespmem:s23+$0x5A60] =	vst v9  }
0x185: {  	[tilespmem:s23+$0x5A50] =	vst v11  }
.Ltmp5:
0x186: {  	[tilespmem:s23+$0x5A40] =	vst v8;
	(pc) =	sbr.rel @p0 .LBB2_11-.Ltmp5, $4  }
0x187: {  	[tilespmem:s23+$0x5A30] =	vst v12  }
0x188: {  	[tilespmem:s23+$0x5A20] =	vst v7  }
0x189: {  	s15 =	sshra.s32 s10, $0x2;
	[tilespmem:s23+$0x5A10] =	vst v6  }
0x18a: {  	s10 =	sadd.s32 $0x240, s10;
	s21 =	sadd.s32 $0x10, s21;
	v6 =	vld [tilespmem:s15+$0x80];
	[tilespmem:s23+$0x5A00] =	vst v10;
	s23 =	smov.u32 s15  }
0x18b: {  	v7 =	vld [tilespmem:s21+$0x0]  }
0x18c: {  	s10 =	sadd.s32 $0x8, s22  }
0x18d: {  	v8 =	vld [tilespmem:s10+$0x0];
	_ =	sdelay $0x2  }
0x18e: {  	v6 =	vadd.f32 v7, v6;
	_ =	sdelay $0x1  }
0x18f: {  	v6 =	vadd.f32 v8, v6;
	_ =	sdelay $0x1  }
0x190: {  	v7 =	vmul.f32 $2.000000030e-01, v6  }
0x191: {  	vm0 =	vge.f32 v6, $0.0e+00  }
0x192: {  	v6 =	vsel vm0, v6, v7  }
0x193: {  	v5 =	vsub.f32 v6, v5;
	_ =	sdelay $0x1  }
0x194: {  	v5 =	vmul.f32 $1.442695020e+00, v5;
	_ =	sdelay $0x1  }
0x195: {  	(erf) = vpow2.f32 v5;
	_ =	sdelay $0x6  }
0x196: {  	v7 =	vld [tilespmem:s23+$0x70]  }
0x197: {  	v60 =	vld [tilespmem:s23+$0x60]  }
0x198: {  	v9 =	vld [tilespmem:s23+$0x50];
	v10 =	vpop (erf)  }
0x199: {  	v13 =	vld [tilespmem:s23+$0x30];
	v12 =	vperm.xlane v10, v4  }
0x19a: {  	v6 =	vld [tilespmem:s23+$0x20]  }
0x19b: {  	v11 =	vld [tilespmem:s23+$0x40];
	v15 =	vperm.xlane v10, v3;
	v7 =	vmul.f32 v7, v12  }
0x19c: {  	v5 =	vld [tilespmem:s23+$0x0];
	[tilespmem:s23+$0x5A80] =	vst v10;
	v61 =	vperm.xlane v10, v2;
	v8 =	vmul.f32 v60, v12  }
0x19d: {  	v14 =	vld [tilespmem:s23+$0x10];
	v9 =	vmul.f32 v9, v15;
	[tilespmem:s23+$0x5A70] =	vst v7  }
0x19e: {  	v63 =	vmul.f32 v13, v61;
	[tilespmem:s23+$0x5A60] =	vst v8  }
0x19f: {  	v62 =	vperm.xlane v10, v1;
	v6 =	vmul.f32 v6, v61;
	[tilespmem:s23+$0x5A50] =	vst v9  }
0x1a0: {  	v7 =	vmul.f32 v11, v15;
	[tilespmem:s23+$0x5A30] =	vst v63  }
0x1a1: {  	v5 =	vmul.f32 v5, v62;
	[tilespmem:s23+$0x5A20] =	vst v6  }
0x1a2: {  	[tilespmem:s23+$0x5A40] =	vst v7;
	v7 =	vmul.f32 v14, v62  }
0x1a3: {  	[tilespmem:s23+$0x5A00] =	vst v5  }
0x1a4: {  	[tilespmem:s23+$0x5A10] =	vst v7  }
0x1a5: {  	[spmem:s3] =	stream.indirect.scatter.add.f32 [tilespmem:s31], [sflag:$0x5], $0x90, s29, s11, $0xb8;
	[tilespmem:$0x1F700] =	vst v63  }
0x1a6: {  	_ =	swait.ge [sflag:s30], $0x2D00  }
0x1a7: {  	[sflag:s30] =	ssyncset.done $0x0  }
0x1a8: {  	[sflag:s30] =	ssyncadd.s32 $0xFFFFD300  }
0x1a9: {  	s22 =	stileid.u32;
	[bflag:$0x0] =	sbarrier.arrive $0xFFFF  }
0x1aa: {  	s10 =	sshll.u32 s22, $0x6;
	s22 =	rddreg [dreg:$0x5]  }
0x1ab: {  	s10 =	sor.u32 $0x1C05, s10;
	s23 =	rddreg [dreg:$0x13];
	s15 =	sshrl.u32 s22, $0x3  }
0x1ac: {  	[hbm:s23], [sflag:s10] =	dma.local [spmem:s15], $0x2D00  }
0x1ad: {  	_ =	swait.ge [sflag:s30], $0x2D00  }
0x1ae: {  	s26 =	rddreg [dreg:$0x15]  }
0x1af: {  	s28 =	rddreg [dreg:$0x14];
	s15 =	sadd.s32 $0x1, s26  }
0x1b0: {  	p0 =	sne.s32 s15, s28  }
.Ltmp6:
0x1b1: {  	_ = 	snop;
	(pc) =	sbr.rel @p0 .LBB2_1-.Ltmp6, $3  }
0x1b2: {  	_ =	sdelay $0x1  }
0x1b3: {  	[sflag:s30] =	ssyncset.done $0x0  }
0x1b4: {  	[sflag:s30] =	ssyncadd.s32 $0xFFFFD300  }
0x1b5: {  	_ =	sfence.sel $0x180000  }
0x1b6: {  	[bflag:$0x0] =	sbarrier.arrive $0xFFFF  }
0x1b7: {  	_ =	strace $0x9000004A  }
0x1b8: {  	s0 =	stileid.u32;
	[bflag:$0x2] =	sbarrier.arrive $0xFFFF  }
0x1b9: {  	p0 =	sne.s32 s0, $0x0;
	s0 =	rddreg [dreg:$0x3]  }
0x1ba: {  	s0 =	sadd.s32 @!p0 $0x100000, s0  }
0x1bb: {  	[sflag:s0] =	ssyncadd.tile.s32 @!p0 $0x1;
	_ =	shalt  }
.Lfunc_end2:
_tile_overlayer_lowered:
.L_overlay_start_2:
0x1bc: {  	(tag) =	ssettag $0x2  }
0x1bd: {  	s0 =	rddreg [dreg:$0x0];
	s2 =	stileid.u32  }
0x1be: {  	s1 =	rddreg [dreg:$0x1];
	p0 =	sne.s32 s2, $0x0  }
0x1bf: {  	s3 =	rddreg [dreg:$0x2];
	[bflag:$0x3] =	sbarrier.arrive $0xFFFF;
	s2 =	simm.s32 @!p0 $0x1C05  }
0x1c0: {  	[timem:s3], [sflag:s2] =	dma.local @!p0 [hbm:s0], s1  }
0x1c1: {  	s0 =	simm.s32 @!p0 $0x5  }
0x1c2: {  	_ =	swait.ge @!p0 [sflag:s0], s1  }
0x1c3: {  	s1 =	ssub.s32 @!p0 $0x0, s1;
	[sflag:s0] =	ssyncset.done @!p0 $0x0  }
0x1c4: {  	[sflag:s0] =	ssyncadd.s32 @!p0 s1  }
0x1c5: {  	[bflag:$0x3] =	sbarrier.arrive $0xFFFF  }
0x1c6: {  	_ =	shalt  }

// kernel: kernel.8.cloned.1.call-start
scs
__scs_entry_jumppad:
0x0: {  	(pc) =	sbr.rel $0x88, $3  }
0x1: {  	(tag) =	ssettag $0x0;
	lr =	simm.s32 $0x1  }
0x2: {  	[smem:$0x3F90] =	sst lr;
	_ =	strace $0xD0000000  }
0x3: {  	_ = 	snop  }
0x4: {  	_ = 	snop  }
0x5: {  	_ = 	snop  }
0x6: {  	_ = 	snop  }
0x7: {  	_ = 	snop  }
__scs_overlays_trampoline_lowered:
0x8: {  	[smem:$0x3F9F] =	sst s0  }
0x9: {  	[smem:$0x3FA0] =	sst s1  }
0xa: {  	[smem:$0x3FA1] =	sst s2  }
0xb: {  	[smem:$0x3FA2] =	sst s3  }
0xc: {  	[smem:$0x3FA3] =	sst s4  }
0xd: {  	[smem:$0x3FA4] =	sst s5  }
0xe: {  	[smem:$0x3FA5] =	sst s6  }
0xf: {  	[smem:$0x3FA6] =	sst s7  }
0x10: {  	[smem:$0x3FA7] =	sst s8  }
0x11: {  	[smem:$0x3FA8] =	sst s9;
	s0 =	simm.s32 @!p0 $0x0  }
0x12: {  	s1 =	sld [smem:$0x3F8E];
	s0 =	simm.s32 @p0 $0x1  }
0x13: {  	[smem:$0x3FA9] =	sst s0;
	s0 =	simm.s32 @!p1 $0x0  }
0x14: {  	s2 =	sld [smem:$0x3F8D];
	s0 =	simm.s32 @p1 $0x1  }
0x15: {  	[smem:$0x3FAA] =	sst s0;
	s0 =	simm.s32 @!p2 $0x0  }
0x16: {  	s3 =	sld [smem:$0x3FDB];
	s0 =	simm.s32 @p2 $0x1  }
0x17: {  	s4 =	simm.s32 $0x1BF5;
	[smem:$0x3FAC] =	sst s0  }
0x18: {  	s0 =	sld [smem:$0x3F8F];
	_ =	swait.ge [sflag:s4], $0x0  }
0x19: {  	s7 =	sld [smem:$0x3F90]  }
0x1a: {  	s8 =	sadd.s32 $0xFFFFE003, lr  }
0x1b: {  	s9 =	sadd.s32 $0xFFFFFEF7, lr;
	s5 =	simm.s32 $0xFFFFFFFF;
	p2 =	slt.u32 s8, $0xFFFFF086  }
0x1c: {  	p1 =	slt.u32 s9, $0xF7A;
	s5 =	simm.s32 @!p2 $0x0  }
0x1d: {  	s5 =	simm.s32 @p1 $0x1;
	p0 =	seq.s32 s7, s2  }
0x1e: {  	s7 =	smul.u32 @!p0 $0xF7A, s2;
	p2 =	seq.s32 @!p0 s5, $0x0  }
0x1f: {  	s9 =	smul.u32 $0xF7A, s1;
	s8 =	simm.s32 @!p0 $0x1BF5;
	p2 =	por !p2, p0  }
0x20: {  	[sflag:s8] =	ssyncset.s32 @!p0 $0xFFFFF086;
	s6 =	sadd.s32 @!p0 s3, s7;
	s7 =	simm.s32 @!p0 $0x108  }
0x21: {  	s3 =	sadd.s32 s3, s9;
	s6 =	sadd.s32 @!p0 $0x88, s6;
	s7 =	simm.s32 @p2 $0x1082  }
0x22: {  	[simem:s7], [sflag:s8] =	dma.local @!p0 [hbm:s6], $0xF7A  }
0x23: {  	s9 =	sor.u32 $0xD0000000, s2;
	s6 =	simm.s32 $0x108;
	_ =	swait.ge @!p0 [sflag:s8], $0x0  }
0x24: {  	s3 =	sadd.s32 $0x88, s3;
	s6 =	simm.s32 @!p1 $0x1082;
	[sflag:s4] =	ssyncset.s32 $0xFFFFF086  }
0x25: {  	[simem:s6], [sflag:s4] =	dma.local [hbm:s3], $0xF7A  }
0x26: {  	[smem:$0x3F90] =	sst s1;
	(tag) =	ssettag s2;
	_ =	strace s9  }
0x27: {  	s1 =	sld [smem:$0x3FA0]  }
0x28: {  	s2 =	sld [smem:$0x3FA1]  }
0x29: {  	s4 =	sld [smem:$0x3FA3]  }
0x2a: {  	p0 =	seq.s32 s5, $0x0;
	s5 =	sld [smem:$0x3FA4]  }
0x2b: {  	s6 =	sld [smem:$0x3FA5]  }
0x2c: {  	s7 =	sld [smem:$0x3FA6]  }
0x2d: {  	s3 =	simm.s32 $0x108;
	s8 =	sld [smem:$0x3FA7]  }
0x2e: {  	s3 =	simm.s32 @!p0 $0x1082;
	s9 =	sld [smem:$0x3FA8]  }
0x2f: {  	lr =	sadd.s32 s0, s3;
	s0 =	sld [smem:$0x3F9F]  }
0x30: {  	s3 =	sld [smem:$0x3FA2]  }
0x31: {  	[smem:$0x3FAB] =	sst s10  }
0x32: {  	s10 =	sld [smem:$0x3FA9];
	_ =	sdelay $0x3  }
0x33: {  	p0 =	seq.s32 s10, $0x1;
	s10 =	sld [smem:$0x3FAB];
	_ =	sdelay $0x3  }
0x34: {  	[smem:$0x3FAB] =	sst s10  }
0x35: {  	s10 =	sld [smem:$0x3FAA];
	_ =	sdelay $0x3  }
0x36: {  	p1 =	seq.s32 s10, $0x1;
	s10 =	sld [smem:$0x3FAB];
	_ =	sdelay $0x3  }
0x37: {  	[smem:$0x3FAB] =	sst s10  }
0x38: {  	s10 =	sld [smem:$0x3FAC]  }
0x39: {  	_ = 	snop;
	(pc) =	sbr.ind lr, $3  }
0x3a: {  	_ = 	snop  }
0x3b: {  	_ = 	snop  }
0x3c: {  	p2 =	seq.s32 s10, $0x1;
	s10 =	sld [smem:$0x3FAB]  }
0x3d: {  	_ =	shalt  }
0x3e: {  	_ =	shalt  }
0x3f: {  	_ =	shalt  }
0x40: {  	_ =	shalt  }
0x41: {  	_ =	shalt  }
0x42: {  	_ =	shalt  }
0x43: {  	_ =	shalt  }
0x44: {  	_ =	shalt  }
0x45: {  	_ =	shalt  }
0x46: {  	_ =	shalt  }
0x47: {  	_ =	shalt  }
0x48: {  	_ =	shalt  }
0x49: {  	_ =	shalt  }
0x4a: {  	_ =	shalt  }
0x4b: {  	_ =	shalt  }
0x4c: {  	_ =	shalt  }
0x4d: {  	_ =	shalt  }
0x4e: {  	_ =	shalt  }
0x4f: {  	_ =	shalt  }
0x50: {  	_ =	shalt  }
0x51: {  	_ =	shalt  }
0x52: {  	_ =	shalt  }
0x53: {  	_ =	shalt  }
0x54: {  	_ =	shalt  }
0x55: {  	_ =	shalt  }
0x56: {  	_ =	shalt  }
0x57: {  	_ =	shalt  }
0x58: {  	_ =	shalt  }
0x59: {  	_ =	shalt  }
0x5a: {  	_ =	shalt  }
0x5b: {  	_ =	shalt  }
0x5c: {  	_ =	shalt  }
0x5d: {  	_ =	shalt  }
0x5e: {  	_ =	shalt  }
0x5f: {  	_ =	shalt  }
0x60: {  	_ =	shalt  }
0x61: {  	_ =	shalt  }
0x62: {  	_ =	shalt  }
0x63: {  	_ =	shalt  }
0x64: {  	_ =	shalt  }
0x65: {  	_ =	shalt  }
0x66: {  	_ =	shalt  }
0x67: {  	_ =	shalt  }
0x68: {  	_ =	shalt  }
0x69: {  	_ =	shalt  }
0x6a: {  	_ =	shalt  }
0x6b: {  	_ =	shalt  }
0x6c: {  	_ =	shalt  }
0x6d: {  	_ =	shalt  }
0x6e: {  	_ =	shalt  }
0x6f: {  	_ =	shalt  }
0x70: {  	_ =	shalt  }
0x71: {  	_ =	shalt  }
0x72: {  	_ =	shalt  }
0x73: {  	_ =	shalt  }
0x74: {  	_ =	shalt  }
0x75: {  	_ =	shalt  }
0x76: {  	_ =	shalt  }
0x77: {  	_ =	shalt  }
0x78: {  	_ =	shalt  }
0x79: {  	_ =	shalt  }
0x7a: {  	_ =	shalt  }
0x7b: {  	_ =	shalt  }
0x7c: {  	_ =	shalt  }
0x7d: {  	_ =	shalt  }
0x7e: {  	_ =	shalt  }
0x7f: {  	_ =	shalt  }
0x80: {  	_ =	shalt  }
0x81: {  	_ =	shalt  }
0x82: {  	_ =	shalt  }
0x83: {  	_ =	shalt  }
0x84: {  	_ =	shalt  }
0x85: {  	_ =	shalt  }
0x86: {  	_ =	shalt  }
0x87: {  	_ =	shalt  }
.Lfunc_end0:
.L_simem_size_0:
called_computation_lowered:
.L_overlay_start_0:
0x88: {  	s2 =	sld [smem:$0x3FD9]  }
0x89: {  	s3 =	sld [smem:$0x3FFE];
	_ =	sdelay $0x1  }
0x8a: {  	s1 =	srdreg.scid  }
0x8b: {  	s0 =	sand.u32 $0x1, s1  }
0x8c: {  	s17 =	sshll.u32 s0, $0xA;
	s2 =	sadd.s32 s3, s2  }
0x8d: {  	s2 =	sadd.s32 s2, s17  }
0x8e: {  	[smem:$0x3FB7] =	sst s2  }
0x8f: {  	_ = 	snop  }
0x90: {  	s2 =	sld [smem:$0x3FD0];
	(tm) =	ssettm $0x1  }
0x91: {  	s18 =	sld [smem:$0x3FFB];
	_ =	sdelay $0x3  }
0x92: {  	_ =	strace s18  }
0x93: {  	s3 =	sld [smem:$0x3FFC];
	_ =	sdelay $0x3  }
0x94: {  	_ =	strace s3  }
0x95: {  	s3 =	sld [smem:$0x3FFD];
	_ =	sdelay $0x3  }
0x96: {  	_ =	strace s3  }
0x97: {  	_ =	strace $0x8FFFFFFF  }
0x98: {  	s19 =	sld [smem:$0x3FDB];
	_ =	sdelay $0x1  }
0x99: {  	s4 =	simm.s32 $_scs_section_size  }
0x9a: {  	s5 =	simm.s32 $_size__tile_overlayer_lowered;
	s6 =	simm.s32 $_tile_overlayer_lowered  }
0x9b: {  	s22 =	simm.s32 $0x1BFF;
	s21 =	sshll.u32 s6, $0x1;
	s3 =	sadd.s32 s4, s19  }
0x9c: {  	s7 =	simm.s32 $0x0;
	s20 =	sshll.u32 s5, $0x1;
	s5 =	sadd.s32 s21, s3  }
0x9d: {  	[timem:s7], [sflag:s22] =	dma.local [hbm:s5], s20  }
0x9e: {  	_ =	swait.ge [sflag:s22], s20  }
0x9f: {  	s4 =	ssub.s32 $0x0, s20;
	[sflag:s22] =	ssyncset.done $0x0  }
0xa0: {  	[sflag:s22] =	ssyncadd.s32 s4;
	_ =	sdelay $0x1  }
0xa1: {  	s23 =	simm.s32 $0x1B8B  }
0xa2: {  	_ =	swait.ge [sflag:s23], $0x1  }
0xa3: {  	[sflag:s23] =	ssyncset.done $0x0  }
0xa4: {  	s25 =	simm.s32 $0x1B8E;
	s24 =	sld [smem:$0x3FFE];
	[sflag:s23] =	ssyncadd.s32 $0xFFFFFFFF  }
0xa5: {  	s26 =	simm.s32 $execute0_lowered;
	[smem:$0x3FD2] =	sst s25  }
0xa6: {  	s5 =	sshll.u32 s26, $0x1;
	_ =	strace $0x80000046;
	[dreg:$0x1] =	wrdreg $0xFFFFFFFF  }
0xa7: {  	s28 =	simm.s32 $_size_execute0_lowered;
	s3 =	sadd.s32 s3, s5;
	[dreg:$0x0] =	wrdreg $0x0  }
0xa8: {  	s5 =	sshll.u32 s28, $0x1;
	[dreg:$0x2] =	wrdreg s3  }
0xa9: {  	[dreg:$0x3] =	wrdreg s5  }
0xaa: {  	[dreg:$0x4] =	wrdreg $0xC0  }
0xab: {  	_ =	task [dreg:s7], $0x5FFFF  }
0xac: {  	[dreg:$0x1] =	wrdreg $0xFFFFFFFF  }
0xad: {  	[dreg:$0x0] =	wrdreg $0x60  }
0xae: {  	[dreg:$0x2] =	wrdreg s24  }
0xaf: {  	[dreg:$0x3] =	wrdreg s2  }
0xb0: {  	[dreg:$0x4] =	wrdreg $0x97700  }
0xb1: {  	[dreg:$0x5] =	wrdreg $0x9  }
0xb2: {  	_ =	task.clear_ibuf [dreg:s7], $0x6FFFF;
	_ =	strace $0x90000046  }
0xb3: {  	s29 =	simm.s32 $0x9;
	_ =	strace $0x80000048  }
0xb4: {  	_ =	swait.ge [sflag:s29], $0x1  }
0xb5: {  	[sflag:s29] =	ssyncadd.s32 $0xFFFFFFFF  }
0xb6: {  	_ =	strace $0x90000048  }
0xb7: {  	_ =	sfence  }
0xb8: {  	s30 =	sld [smem:$0x0];
	_ =	sdelay $0x2  }
0xb9: {  	s31 =	sshll.u32 s1, $0xD;
	s1 =	sshrl.u32 s1, $0x2  }
0xba: {  	s3 =	sand.u32 $0x4000, s31;
	s1 =	sadd.s32 s1, s30  }
0xbb: {  	s0 =	sor.u32 s3, s0;
	s1 =	sshll.u32 s1, $0x11  }
0xbc: {  	s0 =	sor.u32 s1, s0  }
0xbd: {  	s0 =	sadd.s32 $0x8F2B, s0  }
0xbe: {  	[sflag:s0] =	ssyncadd.remote.s32 $0x1  }
0xbf: {  	_ =	sfence.sel $0xFFFF  }
0xc0: {  	[dreg:$0x0] =	wrdreg $0xFFFFFFFF;
	(pc) =	sbr.abs _section_cstart, $3  }
0xc1: {  	[dreg:$0x1] =	wrdreg $0xFFFFFFFF  }
0xc2: {  	_ =	task.clear_ibuf [dreg:s7], $0x2FFFF;
	_ =	strace $0x9FFFFFFF  }
0xc3: {  	(tm) =	ssettm $0x7FFFFFFF  }
tec
execute0_lowered:
.L_overlay_start_1:
0x0: {  	(tag) =	ssettag $0x1  }
0x1: {  	s0 =	rddreg [dreg:$0x0]  }
0x2: {  	s2 =	rddreg [dreg:$0x1]  }
0x3: {  	s3 =	rddreg [dreg:$0x2];
	s1 =	srdreg.scid  }
0x4: {  	s13 =	stileid.u32;
	s4 =	simm.s32 $0x0;
	s30 =	simm.s32 $0x5  }
0x5: {  	s31 =	simm.s32 $0x5A00;
	s29 =	simm.s32 $0x96C0;
	s1 =	sand.u32 $0x1, s1  }
0x6: {  	s9 =	smul.u32 $0x15F00, s13;
	[smem:$0x7FF] =	sst s4;
	s5 =	sadd.s32 $0x1E00, s0  }
0x7: {  	s6 =	sadd.s32 $0x2DE00, s0;
	s7 =	sadd.s32 $0x32E00, s0;
	s26 =	smul.u32 $0x57C00, s13  }
0x8: {  	s8 =	sadd.s32 $0x81000, s0;
	s11 =	sadd.s32 $0x1C00, s0;
	s10 =	smul.u32 $0x15F900, s1  }
0x9: {  	_ =	strace $0x80000047;
	[dreg:$0x4] =	wrdreg s11;
	s28 =	ssub.s32 $0x2, s1  }
0xa: {  	s1 =	sshll.u32 s1, $0x4;
	s12 =	sshrl.u32 s28, $0x1;
	s11 =	sshrl.u32 s26, $0x2  }
0xb: {  	s1 =	sor.u32 s13, s1;
	s22 =	sadd.s32 s9, s3;
	s11 =	sadd.s32 s11, s3  }
0xc: {  	s10 =	sadd.s32 s9, s10;
	[dreg:$0x5] =	wrdreg s22;
	s13 =	sadd.s32 $0x5A00, s11  }
0xd: {  	s1 =	smul.u32 $0x2710, s1;
	s14 =	sadd.s32 $0x8700, s11;
	[dreg:$0x7] =	wrdreg s13  }
0xe: {  	s10 =	sshrl.u32 s10, $0x3;
	s15 =	sadd.s32 $0xB400, s11;
	[dreg:$0x8] =	wrdreg s14  }
0xf: {  	s16 =	sadd.s32 $0xE100, s11;
	s17 =	sadd.s32 $0x10E00, s11;
	[dreg:$0x9] =	wrdreg s15  }
0x10: {  	s0 =	sadd.s32 s10, s0;
	s10 =	ssub.s32 s28, s12;
	[dreg:$0xa] =	wrdreg s16  }
0x11: {  	s12 =	sadd.s32 $0x2D00, s11;
	[dreg:$0xb] =	wrdreg s17;
	s18 =	sshrl.u32 s1, $0x3  }
0x12: {  	s19 =	sadd.s32 $0x50, s1;
	s11 =	sadd.s32 $0x13B00, s11;
	s26 =	sadd.s32 s7, s1  }
0x13: {  	s13 =	simm.s32 $0x9670;
	s14 =	simm.s32 $0x9710;
	s16 =	simm.s32 $0x2  }
0x14: {  	s17 =	simm.s32 $0x2D00;
	s15 =	simm.s32 $0x0;
	[dreg:$0x6] =	wrdreg s12  }
0x15: {  	[dreg:$0xc] =	wrdreg s11;
	s20 =	sadd.s32 s8, s18;
	s21 =	sshrl.u32 s19, $0x3  }
0x16: {  	s9 =	sadd.s32 s2, s18;
	s25 =	sadd.s32 s7, s19;
	[dreg:$0x12] =	wrdreg s26  }
0x17: {  	s0 =	sadd.s32 $0x8AE00, s0;
	s28 =	smax.u32 s10, $0x1;
	[dreg:$0xd] =	wrdreg s20  }
0x18: {  	s11 =	simm.s32 $0x50;
	s12 =	simm.s32 $0x8700;
	[dreg:$0xe] =	wrdreg s9  }
0x19: {  	s18 =	simm.s32 $0x8C00;
	s19 =	simm.s32 $0x3;
	[dreg:$0x11] =	wrdreg s25  }
0x1a: {  	s23 =	sadd.s32 s8, s21;
	s24 =	sadd.s32 s2, s21;
	[dreg:$0x13] =	wrdreg s0  }
0x1b: {  	s25 =	sadd.s32 $0xF0, s1;
	[dreg:$0x14] =	wrdreg s28;
	s0 =	simm.s32 $0x9620  }
0x1c: {  	v0 =	vimm.f32 $0.0e+00;
	v1 =	vimm.s32 $0x0;
	s9 =	simm.s32 $0x1;
	s20 =	simm.s32 $0x4;
	[dreg:$0xf] =	wrdreg s23  }
0x1d: {  	v2 =	vimm.s32 $0x1;
	v3 =	vimm.s32 $0x2;
	v4 =	vimm.s32 $0x3;
	[dreg:$0x10] =	wrdreg s24;
	s24 =	sadd.s32 $0xA0, s1;
	s1 =	simm.s32 $0x9100  }
.LBB2_1:
0x1e: {  	[dreg:$0x15] =	wrdreg s15  }
0x1f: {  	s10 =	rddreg [dreg:$0x4];
	s28 =	simm.s32 $0x9760  }
0x20: {  	[tilespmem:s28], [sflag:$0x5] =	stream.linear.gather [hbm4b:s10+s4], $0x10, $0x38;
	[tilespmem:$0x1F700] =	vst v63  }
0x21: {  	_ =	swait.ge [sflag:s30], $0x10  }
0x22: {  	[sflag:s30] =	ssyncset.done $0x0  }
0x23: {  	s21 =	simm.s32 $0x240;
	s10 =	simm.s32 $0x0;
	[sflag:s30] =	ssyncadd.s32 $0xFFFFFFF0  }
.LBB2_2:
0x24: {  	p0 =	sne.s32 s21, $0xB1C0;
	[tilespmem:s10+$0x5A80] =	vst v0  }
0x25: {  	[tilespmem:s10+$0x5A00] =	vst v0  }
0x26: {  	[tilespmem:s10+$0x5A10] =	vst v0  }
0x27: {  	[tilespmem:s10+$0x5A20] =	vst v0  }
.Ltmp0:
0x28: {  	[tilespmem:s10+$0x5A30] =	vst v0;
	(pc) =	sbr.rel @p0 .LBB2_2-.Ltmp0, $4  }
0x29: {  	[tilespmem:s10+$0x5A40] =	vst v0  }
0x2a: {  	[tilespmem:s10+$0x5A50] =	vst v0  }
0x2b: {  	[tilespmem:s10+$0x5A60] =	vst v0  }
0x2c: {  	[tilespmem:s10+$0x5A70] =	vst v0;
	s10 =	sshra.s32 s21, $0x2;
	s21 =	sadd.s32 $0x240, s21  }
0x2d: {  	[tilespmem:s10+$0x5A80] =	vst v0  }
0x2e: {  	[tilespmem:s10+$0x5A00] =	vst v0  }
0x2f: {  	[tilespmem:s10+$0x5A10] =	vst v0  }
0x30: {  	[tilespmem:s10+$0x5A20] =	vst v0  }
0x31: {  	[tilespmem:s10+$0x5A30] =	vst v0  }
0x32: {  	[tilespmem:s10+$0x5A40] =	vst v0  }
0x33: {  	[tilespmem:s10+$0x5A50] =	vst v0  }
0x34: {  	[tilespmem:s10+$0x5A60] =	vst v0  }
0x35: {  	[tilespmem:s10+$0x5A70] =	vst v0  }
0x36: {  	[spmem:s22] =	stream.linear.scatter [tilespmem:s31], [sflag:$0x5], $0x2D00, $0x38;
	[tilespmem:$0x1F700] =	vst v63  }
0x37: {  	_ =	swait.ge [sflag:s30], $0x2D00  }
0x38: {  	[sflag:s30] =	ssyncset.done $0x0  }
0x39: {  	s26 =	rddreg [dreg:$0x6];
	[sflag:s30] =	ssyncadd.s32 $0xFFFFD300  }
0x3a: {  	[spmem:s26] =	stream.linear.scatter [tilespmem:s31], [sflag:$0x5], $0x2D00, $0x38;
	[tilespmem:$0x1F700] =	vst v63  }
0x3b: {  	_ =	swait.ge [sflag:s30], $0x2D00  }
0x3c: {  	[sflag:s30] =	ssyncset.done $0x0  }
0x3d: {  	s28 =	rddreg [dreg:$0x7];
	[sflag:s30] =	ssyncadd.s32 $0xFFFFD300  }
0x3e: {  	[spmem:s28] =	stream.linear.scatter [tilespmem:s31], [sflag:$0x5], $0x2D00, $0x38;
	[tilespmem:$0x1F700] =	vst v63  }
0x3f: {  	_ =	swait.ge [sflag:s30], $0x2D00  }
0x40: {  	[sflag:s30] =	ssyncset.done $0x0  }
0x41: {  	s15 =	rddreg [dreg:$0x8];
	[sflag:s30] =	ssyncadd.s32 $0xFFFFD300  }
0x42: {  	[spmem:s15] =	stream.linear.scatter [tilespmem:s31], [sflag:$0x5], $0x2D00, $0x38;
	[tilespmem:$0x1F700] =	vst v63  }
0x43: {  	_ =	swait.ge [sflag:s30], $0x2D00  }
0x44: {  	[sflag:s30] =	ssyncset.done $0x0  }
0x45: {  	s21 =	rddreg [dreg:$0x9];
	[sflag:s30] =	ssyncadd.s32 $0xFFFFD300  }
0x46: {  	[spmem:s21] =	stream.linear.scatter [tilespmem:s31], [sflag:$0x5], $0x2D00, $0x38;
	[tilespmem:$0x1F700] =	vst v63  }
0x47: {  	_ =	swait.ge [sflag:s30], $0x2D00  }
0x48: {  	[sflag:s30] =	ssyncset.done $0x0  }
0x49: {  	s22 =	rddreg [dreg:$0xa];
	[sflag:s30] =	ssyncadd.s32 $0xFFFFD300  }
0x4a: {  	[spmem:s22] =	stream.linear.scatter [tilespmem:s31], [sflag:$0x5], $0x2D00, $0x38;
	[tilespmem:$0x1F700] =	vst v63  }
0x4b: {  	_ =	swait.ge [sflag:s30], $0x2D00  }
0x4c: {  	[sflag:s30] =	ssyncset.done $0x0  }
0x4d: {  	s23 =	rddreg [dreg:$0xb];
	[sflag:s30] =	ssyncadd.s32 $0xFFFFD300  }
0x4e: {  	[spmem:s23] =	stream.linear.scatter [tilespmem:s31], [sflag:$0x5], $0x2D00, $0x38;
	[tilespmem:$0x1F700] =	vst v63  }
0x4f: {  	_ =	swait.ge [sflag:s30], $0x2D00  }
0x50: {  	[sflag:s30] =	ssyncset.done $0x0  }
0x51: {  	s26 =	rddreg [dreg:$0xc];
	[sflag:s30] =	ssyncadd.s32 $0xFFFFD300  }
0x52: {  	[spmem:s26] =	stream.linear.scatter [tilespmem:s31], [sflag:$0x5], $0x2D00, $0x38;
	[tilespmem:$0x1F700] =	vst v63  }
0x53: {  	_ =	swait.ge [sflag:s30], $0x2D00  }
0x54: {  	[sflag:s30] =	ssyncset.done $0x0  }
0x55: {  	[sflag:s30] =	ssyncadd.s32 $0xFFFFD300  }
0x56: {  	[bflag:$0x0] =	sbarrier.arrive $0xFFFF  }
0x57: {  	s22 =	simm.s32 $0x0;
	s28 =	rddreg [dreg:$0xd]  }
0x58: {  	v5 =	vld [tilespmem:$0x9760];
	[tilespmem:s0], [sflag:$0x1] =	stream.linear.gather [hbm4b:s28+s22], $0x50, $0x38  }
0x59: {  	s15 =	rddreg [dreg:$0xe]  }
0x5a: {  	[tilespmem:s29], [sflag:$0x1] =	stream.linear.gather [hbm4b:s15+s22], $0x50, $0x38;
	[tilespmem:$0x1F700] =	vst v63  }
0x5b: {  	s21 =	rddreg [dreg:$0x12]  }
0x5c: {  	[tilespmem:s1], [sflag:$0x1] =	stream.linear.gather [hbm4b:s21+s22], $0x280, $0x38;
	[tilespmem:$0x1F700] =	vst v63  }
0x5d: {  	_ =	swait.ge [sflag:s9], $0x50  }
0x5e: {  	[sflag:s9] =	ssyncset.done $0x0  }
0x5f: {  	[sflag:s9] =	ssyncadd.s32 $0xFFFFFFB0  }
0x60: {  	_ =	swait.ge [sflag:s9], $0x50  }
0x61: {  	[sflag:s9] =	ssyncset.done $0x0  }
0x62: {  	[sflag:s9] =	ssyncadd.s32 $0xFFFFFFB0  }
0x63: {  	_ =	swait.ge [sflag:s9], $0x280  }
0x64: {  	[sflag:s9] =	ssyncset.done $0x0  }
0x65: {  	[sflag:s9] =	ssyncadd.s32 $0xFFFFFD80  }
0x66: {  	[tilespmem:s22], [sflag:$0x3] =	stream.indirect.gather [hbm4b:s5+s11], $0x90, s0, s11, $0xb8;
	[tilespmem:$0x1F700] =	vst v63  }
0x67: {  	_ = 	snop  }
0x68: {  	[tilespmem:s12], [sflag:$0x3] =	stream.indirect.gather [hbm4b:s6+s11], $0x10, s29, s11, $0xb8;
	[tilespmem:$0x1F700] =	vst v63  }
0x69: {  	s23 =	rddreg [dreg:$0xf]  }
0x6a: {  	[tilespmem:s13], [sflag:$0x2] =	stream.linear.gather [hbm4b:s23+s22], $0x50, $0x38;
	[tilespmem:$0x1F700] =	vst v63  }
0x6b: {  	s26 =	rddreg [dreg:$0x10]  }
0x6c: {  	[tilespmem:s14], [sflag:$0x2] =	stream.linear.gather [hbm4b:s26+s22], $0x50, $0x38;
	[tilespmem:$0x1F700] =	vst v63  }
0x6d: {  	s15 =	simm.s32 $0x9390;
	s28 =	rddreg [dreg:$0x11]  }
0x6e: {  	[tilespmem:s15], [sflag:$0x2] =	stream.linear.gather [hbm4b:s28+s22], $0x280, $0x38;
	[tilespmem:$0x1F700] =	vst v63  }
.LBB2_4:
0x6f: {  	_ =	swait.ge [sflag:s16], $0x50  }
0x70: {  	[sflag:s16] =	ssyncset.done $0x0  }
0x71: {  	[sflag:s16] =	ssyncadd.s32 $0xFFFFFFB0  }
0x72: {  	_ =	swait.ge [sflag:s16], $0x50  }
0x73: {  	[sflag:s16] =	ssyncset.done $0x0  }
0x74: {  	[sflag:s16] =	ssyncadd.s32 $0xFFFFFFB0  }
0x75: {  	_ =	swait.ge [sflag:s16], $0x280  }
0x76: {  	[sflag:s16] =	ssyncset.done $0x0  }
0x77: {  	[sflag:s16] =	ssyncadd.s32 $0xFFFFFD80  }
0x78: {  	[tilespmem:s17], [sflag:$0x4] =	stream.indirect.gather [hbm4b:s5+s11], $0x90, s13, s11, $0xb8;
	[tilespmem:$0x1F700] =	vst v63  }
0x79: {  	_ = 	snop  }
0x7a: {  	[tilespmem:s18], [sflag:$0x4] =	stream.indirect.gather [hbm4b:s6+s11], $0x10, s14, s11, $0xb8;
	[tilespmem:$0x1F700] =	vst v63  }
0x7b: {  	_ =	swait.ge [sflag:s19], $0x2D00  }
0x7c: {  	[sflag:s19] =	ssyncset.done $0x0  }
0x7d: {  	[sflag:s19] =	ssyncadd.s32 $0xFFFFD300  }
0x7e: {  	_ =	swait.ge [sflag:s19], $0x500  }
0x7f: {  	[sflag:s19] =	ssyncset.done $0x0  }
0x80: {  	s10 =	simm.s32 $0x0;
	[sflag:s19] =	ssyncadd.s32 $0xFFFFFB00  }
0x81: {  	s21 =	simm.s32 $0x8700;
	v6 =	vld [tilespmem:s10+$0x80]  }
0x82: {  	v7 =	vld [tilespmem:s21+$0x0]  }
0x83: {  	s23 =	simm.s32 $0x9100  }
0x84: {  	v8 =	vld [tilespmem:s23+$0x0];
	_ =	sdelay $0x2  }
0x85: {  	v6 =	vadd.f32 v7, v6;
	_ =	sdelay $0x1  }
0x86: {  	v6 =	vadd.f32 v8, v6;
	_ =	sdelay $0x1  }
0x87: {  	v7 =	vmul.f32 $2.000000030e-01, v6  }
0x88: {  	vm0 =	vge.f32 v6, $0.0e+00  }
0x89: {  	v6 =	vsel vm0, v6, v7  }
0x8a: {  	v6 =	vsub.f32 v6, v5;
	_ =	sdelay $0x1  }
0x8b: {  	v6 =	vmul.f32 $1.442695020e+00, v6;
	_ =	sdelay $0x1  }
0x8c: {  	(erf) = vpow2.f32 v6;
	_ =	sdelay $0x6  }
0x8d: {  	v6 =	vld [tilespmem:s10+$0x70]  }
0x8e: {  	v7 =	vld [tilespmem:s10+$0x60]  }
0x8f: {  	v8 =	vld [tilespmem:s10+$0x50];
	v9 =	vpop (erf)  }
0x90: {  	v10 =	vld [tilespmem:s10+$0x40];
	v11 =	vperm.xlane v9, v4  }
0x91: {  	v12 =	vld [tilespmem:s10+$0x30]  }
0x92: {  	v13 =	vld [tilespmem:s10+$0x20];
	v14 =	vperm.xlane v9, v3;
	v6 =	vmul.f32 v6, v11  }
0x93: {  	v15 =	vld [tilespmem:s10+$0x10];
	[tilespmem:s10+$0x5A80] =	vst v9;
	v7 =	vmul.f32 v7, v11  }
0x94: {  	v61 =	vperm.xlane v9, v2;
	v8 =	vmul.f32 v8, v14;
	[tilespmem:s10+$0x5A70] =	vst v6;
	v6 =	vld [tilespmem:s10+$0x0]  }
0x95: {  	v10 =	vmul.f32 v10, v14;
	[tilespmem:s10+$0x5A60] =	vst v7  }
0x96: {  	v62 =	vmul.f32 v12, v61;
	v7 =	vperm.xlane v9, v1;
	[tilespmem:s10+$0x5A50] =	vst v8  }
0x97: {  	v8 =	vmul.f32 v13, v61;
	[tilespmem:s10+$0x5A40] =	vst v10  }
0x98: {  	[tilespmem:s10+$0x5A30] =	vst v62;
	v63 =	vmul.f32 v15, v7  }
0x99: {  	[tilespmem:s10+$0x5A20] =	vst v8;
	v7 =	vmul.f32 v6, v7  }
0x9a: {  	s26 =	simm.s32 $0x90;
	[tilespmem:s10+$0x5A10] =	vst v63  }
0x9b: {  	s28 =	simm.s32 $0x480;
	v6 =	vld [tilespmem:s26+$0x80];
	[tilespmem:s10+$0x5A00] =	vst v7;
	s10 =	simm.s32 $0x8710  }
.LBB2_5:
0x9c: {  	p0 =	sne.s32 s28, $0xB1C0;
	v7 =	vld [tilespmem:s10+$0x0];
	s23 =	sadd.s32 $0x8, s23  }
0x9d: {  	v8 =	vld [tilespmem:s23+$0x0];
	_ =	sdelay $0x3  }
0x9e: {  	v6 =	vadd.f32 v7, v6;
	_ =	sdelay $0x1  }
0x9f: {  	v6 =	vadd.f32 v8, v6;
	_ =	sdelay $0x1  }
0xa0: {  	v7 =	vmul.f32 $2.000000030e-01, v6  }
0xa1: {  	vm0 =	vge.f32 v6, $0.0e+00  }
0xa2: {  	v6 =	vsel vm0, v6, v7  }
0xa3: {  	v6 =	vsub.f32 v6, v5;
	_ =	sdelay $0x1  }
0xa4: {  	v6 =	vmul.f32 $1.442695020e+00, v6;
	_ =	sdelay $0x1  }
0xa5: {  	(erf) = vpow2.f32 v6;
	_ =	sdelay $0x2  }
0xa6: {  	v6 =	vld [tilespmem:s26+$0x0]  }
0xa7: {  	v7 =	vld [tilespmem:s26+$0x20]  }
0xa8: {  	v8 =	vld [tilespmem:s26+$0x40]  }
0xa9: {  	v9 =	vld [tilespmem:s26+$0x60]  }
0xaa: {  	v10 =	vld [tilespmem:s26+$0x70]  }
0xab: {  	v11 =	vld [tilespmem:s26+$0x50]  }
0xac: {  	v12 =	vld [tilespmem:s26+$0x30];
	v13 =	vpop (erf)  }
0xad: {  	v14 =	vld [tilespmem:s26+$0x10];
	v15 =	vperm.xlane v13, v3;
	v16 =	vperm.xlane v13, v4;
	[tilespmem:s26+$0x5A80] =	vst v13  }
0xae: {  	v17 =	vperm.xlane v13, v1;
	v13 =	vperm.xlane v13, v2  }
0xaf: {  	v9 =	vmul.f32 v9, v16;
	v10 =	vmul.f32 v10, v16  }
0xb0: {  	v8 =	vmul.f32 v8, v15;
	v11 =	vmul.f32 v11, v15  }
0xb1: {  	v7 =	vmul.f32 v7, v13;
	v12 =	vmul.f32 v12, v13;
	[tilespmem:s26+$0x5A70] =	vst v10  }
0xb2: {  	v10 =	vmul.f32 v6, v17;
	v6 =	vmul.f32 v14, v17;
	[tilespmem:s26+$0x5A60] =	vst v9  }
0xb3: {  	[tilespmem:s26+$0x5A50] =	vst v11  }
.Ltmp1:
0xb4: {  	[tilespmem:s26+$0x5A40] =	vst v8;
	(pc) =	sbr.rel @p0 .LBB2_5-.Ltmp1, $4  }
0xb5: {  	[tilespmem:s26+$0x5A30] =	vst v12  }
0xb6: {  	[tilespmem:s26+$0x5A20] =	vst v7  }
0xb7: {  	s21 =	sshra.s32 s28, $0x2;
	[tilespmem:s26+$0x5A10] =	vst v6  }
0xb8: {  	s28 =	sadd.s32 $0x240, s28;
	s10 =	sadd.s32 $0x10, s10;
	v6 =	vld [tilespmem:s21+$0x80];
	[tilespmem:s26+$0x5A00] =	vst v10;
	s26 =	smov.u32 s21  }
0xb9: {  	v7 =	vld [tilespmem:s10+$0x0]  }
0xba: {  	s23 =	sadd.s32 $0x8, s23  }
0xbb: {  	v8 =	vld [tilespmem:s23+$0x0];
	_ =	sdelay $0x2  }
0xbc: {  	v6 =	vadd.f32 v7, v6;
	_ =	sdelay $0x1  }
0xbd: {  	v6 =	vadd.f32 v8, v6;
	_ =	sdelay $0x1  }
0xbe: {  	v7 =	vmul.f32 $2.000000030e-01, v6  }
0xbf: {  	vm0 =	vge.f32 v6, $0.0e+00  }
0xc0: {  	v6 =	vsel vm0, v6, v7  }
0xc1: {  	v6 =	vsub.f32 v6, v5;
	_ =	sdelay $0x1  }
0xc2: {  	v6 =	vmul.f32 $1.442695020e+00, v6;
	_ =	sdelay $0x1  }
0xc3: {  	(erf) = vpow2.f32 v6;
	_ =	sdelay $0x6  }
0xc4: {  	v8 =	vld [tilespmem:s26+$0x70]  }
0xc5: {  	v9 =	vld [tilespmem:s26+$0x60]  }
0xc6: {  	v10 =	vld [tilespmem:s26+$0x50];
	v11 =	vpop (erf)  }
0xc7: {  	v14 =	vld [tilespmem:s26+$0x30];
	v13 =	vperm.xlane v11, v4  }
0xc8: {  	v7 =	vld [tilespmem:s26+$0x20]  }
0xc9: {  	v12 =	vld [tilespmem:s26+$0x40];
	v16 =	vperm.xlane v11, v3;
	v8 =	vmul.f32 v8, v13  }
0xca: {  	v6 =	vld [tilespmem:s26+$0x0];
	[tilespmem:s26+$0x5A80] =	vst v11;
	v51 =	vperm.xlane v11, v2;
	v9 =	vmul.f32 v9, v13  }
0xcb: {  	v15 =	vld [tilespmem:s26+$0x10];
	v10 =	vmul.f32 v10, v16;
	[tilespmem:s26+$0x5A70] =	vst v8  }
0xcc: {  	v53 =	vmul.f32 v14, v51;
	[tilespmem:s26+$0x5A60] =	vst v9  }
0xcd: {  	v52 =	vperm.xlane v11, v1;
	v7 =	vmul.f32 v7, v51;
	[tilespmem:s26+$0x5A50] =	vst v10  }
0xce: {  	v8 =	vmul.f32 v12, v16;
	[tilespmem:s26+$0x5A30] =	vst v53  }
0xcf: {  	v6 =	vmul.f32 v6, v52;
	[tilespmem:s26+$0x5A20] =	vst v7  }
0xd0: {  	[tilespmem:s26+$0x5A40] =	vst v8;
	v8 =	vmul.f32 v15, v52  }
0xd1: {  	[tilespmem:s26+$0x5A00] =	vst v6  }
0xd2: {  	s23 =	smul.u32 $0xA0, s22;
	[tilespmem:s26+$0x5A10] =	vst v8  }
0xd3: {  	[spmem:s3] =	stream.indirect.scatter.add.f32 [tilespmem:s31], [sflag:$0x5], $0x90, s29, s11, $0xb8;
	[tilespmem:$0x1F700] =	vst v63  }
0xd4: {  	s10 =	sadd.s32 s23, s24;
	_ =	swait.ge [sflag:s30], $0x2D00  }
0xd5: {  	s21 =	sshrl.u32 s10, $0x3;
	[sflag:s30] =	ssyncset.done $0x0  }
0xd6: {  	s28 =	simm.s32 $0x0;
	s15 =	sadd.s32 s8, s21;
	[sflag:s30] =	ssyncadd.s32 $0xFFFFD300  }
0xd7: {  	[tilespmem:s0], [sflag:$0x1] =	stream.linear.gather [hbm4b:s15+s28], $0x50, $0x38;
	[tilespmem:$0x1F700] =	vst v63  }
0xd8: {  	s21 =	sadd.s32 s2, s21  }
0xd9: {  	[tilespmem:s29], [sflag:$0x1] =	stream.linear.gather [hbm4b:s21+s28], $0x50, $0x38;
	[tilespmem:$0x1F700] =	vst v63  }
0xda: {  	s10 =	sadd.s32 s7, s10  }
0xdb: {  	[tilespmem:s1], [sflag:$0x1] =	stream.linear.gather [hbm4b:s10+s28], $0x280, $0x38;
	[tilespmem:$0x1F700] =	vst v63  }
0xdc: {  	_ =	swait.ge [sflag:s9], $0x50  }
0xdd: {  	[sflag:s9] =	ssyncset.done $0x0  }
0xde: {  	[sflag:s9] =	ssyncadd.s32 $0xFFFFFFB0  }
0xdf: {  	_ =	swait.ge [sflag:s9], $0x50  }
0xe0: {  	[sflag:s9] =	ssyncset.done $0x0  }
0xe1: {  	[sflag:s9] =	ssyncadd.s32 $0xFFFFFFB0  }
0xe2: {  	_ =	swait.ge [sflag:s9], $0x280  }
0xe3: {  	[sflag:s9] =	ssyncset.done $0x0  }
0xe4: {  	[sflag:s9] =	ssyncadd.s32 $0xFFFFFD80  }
0xe5: {  	[tilespmem:s28], [sflag:$0x3] =	stream.indirect.gather [hbm4b:s5+s11], $0x90, s0, s11, $0xb8;
	[tilespmem:$0x1F700] =	vst v63  }
0xe6: {  	_ = 	snop  }
0xe7: {  	[tilespmem:s12], [sflag:$0x3] =	stream.indirect.gather [hbm4b:s6+s11], $0x10, s29, s11, $0xb8;
	[tilespmem:$0x1F700] =	vst v63  }
0xe8: {  	_ =	swait.ge [sflag:s20], $0x2D00  }
0xe9: {  	[sflag:s20] =	ssyncset.done $0x0  }
0xea: {  	[sflag:s20] =	ssyncadd.s32 $0xFFFFD300  }
0xeb: {  	_ =	swait.ge [sflag:s20], $0x500  }
0xec: {  	[sflag:s20] =	ssyncset.done $0x0  }
0xed: {  	s15 =	simm.s32 $0x0;
	[sflag:s20] =	ssyncadd.s32 $0xFFFFFB00  }
0xee: {  	s26 =	simm.s32 $0x8C00;
	v6 =	vld [tilespmem:s15+$0x2D80]  }
0xef: {  	v7 =	vld [tilespmem:s26+$0x0]  }
0xf0: {  	s26 =	simm.s32 $0x9390  }
0xf1: {  	v8 =	vld [tilespmem:s26+$0x0];
	_ =	sdelay $0x2  }
0xf2: {  	v6 =	vadd.f32 v7, v6;
	_ =	sdelay $0x1  }
0xf3: {  	v6 =	vadd.f32 v8, v6;
	_ =	sdelay $0x1  }
0xf4: {  	v7 =	vmul.f32 $2.000000030e-01, v6  }
0xf5: {  	vm15 =	vge.f32 v6, $0.0e+00  }
0xf6: {  	v6 =	vsel vm15, v6, v7  }
0xf7: {  	v6 =	vsub.f32 v6, v5;
	_ =	sdelay $0x1  }
0xf8: {  	v6 =	vmul.f32 $1.442695020e+00, v6;
	_ =	sdelay $0x1  }
0xf9: {  	(erf) = vpow2.f32 v6;
	_ =	sdelay $0x6  }
0xfa: {  	v6 =	vld [tilespmem:s15+$0x2D70]  }
0xfb: {  	v7 =	vld [tilespmem:s15+$0x2D60]  }
0xfc: {  	v8 =	vld [tilespmem:s15+$0x2D50];
	v54 =	vpop (erf)  }
0xfd: {  	v55 =	vld [tilespmem:s15+$0x2D40];
	v56 =	vperm.xlane v54, v4  }
0xfe: {  	v57 =	vld [tilespmem:s15+$0x2D30]  }
0xff: {  	v58 =	vld [tilespmem:s15+$0x2D20];
	v59 =	vperm.xlane v54, v3;
	v6 =	vmul.f32 v6, v56  }
0x100: {  	v60 =	vld [tilespmem:s15+$0x2D10];
	[tilespmem:s15+$0x5A80] =	vst v54;
	v7 =	vmul.f32 v7, v56  }
0x101: {  	v61 =	vperm.xlane v54, v2;
	v8 =	vmul.f32 v8, v59;
	[tilespmem:s15+$0x5A70] =	vst v6;
	v6 =	vld [tilespmem:s15+$0x2D00]  }
0x102: {  	v10 =	vmul.f32 v55, v59;
	[tilespmem:s15+$0x5A60] =	vst v7  }
0x103: {  	v62 =	vmul.f32 v57, v61;
	v7 =	vperm.xlane v54, v1;
	[tilespmem:s15+$0x5A50] =	vst v8  }
0x104: {  	v8 =	vmul.f32 v58, v61;
	[tilespmem:s15+$0x5A40] =	vst v10  }
0x105: {  	[tilespmem:s15+$0x5A30] =	vst v62;
	v63 =	vmul.f32 v60, v7  }
0x106: {  	[tilespmem:s15+$0x5A20] =	vst v8;
	v7 =	vmul.f32 v6, v7  }
0x107: {  	s28 =	simm.s32 $0x90;
	[tilespmem:s15+$0x5A10] =	vst v63  }
0x108: {  	s21 =	simm.s32 $0x8C10;
	s10 =	simm.s32 $0x480;
	v6 =	vld [tilespmem:s28+$0x2D80];
	[tilespmem:s15+$0x5A00] =	vst v7  }
.LBB2_7:
0x109: {  	p0 =	sne.s32 s10, $0xB1C0;
	v7 =	vld [tilespmem:s21+$0x0];
	s26 =	sadd.s32 $0x8, s26  }
0x10a: {  	v8 =	vld [tilespmem:s26+$0x0];
	_ =	sdelay $0x3  }
0x10b: {  	v6 =	vadd.f32 v7, v6;
	_ =	sdelay $0x1  }
0x10c: {  	v6 =	vadd.f32 v8, v6;
	_ =	sdelay $0x1  }
0x10d: {  	v7 =	vmul.f32 $2.000000030e-01, v6  }
0x10e: {  	vm0 =	vge.f32 v6, $0.0e+00  }
0x10f: {  	v6 =	vsel vm0, v6, v7  }
0x110: {  	v6 =	vsub.f32 v6, v5;
	_ =	sdelay $0x1  }
0x111: {  	v6 =	vmul.f32 $1.442695020e+00, v6;
	_ =	sdelay $0x1  }
0x112: {  	(erf) = vpow2.f32 v6;
	_ =	sdelay $0x2  }
0x113: {  	v6 =	vld [tilespmem:s28+$0x2D00]  }
0x114: {  	v7 =	vld [tilespmem:s28+$0x2D20]  }
0x115: {  	v8 =	vld [tilespmem:s28+$0x2D40]  }
0x116: {  	v9 =	vld [tilespmem:s28+$0x2D60]  }
0x117: {  	v10 =	vld [tilespmem:s28+$0x2D70]  }
0x118: {  	v11 =	vld [tilespmem:s28+$0x2D50]  }
0x119: {  	v12 =	vld [tilespmem:s28+$0x2D30];
	v13 =	vpop (erf)  }
0x11a: {  	v14 =	vld [tilespmem:s28+$0x2D10];
	v15 =	vperm.xlane v13, v3;
	v16 =	vperm.xlane v13, v4;
	[tilespmem:s28+$0x5A80] =	vst v13  }
0x11b: {  	v17 =	vperm.xlane v13, v1;
	v13 =	vperm.xlane v13, v2  }
0x11c: {  	v9 =	vmul.f32 v9, v16;
	v10 =	vmul.f32 v10, v16  }
0x11d: {  	v8 =	vmul.f32 v8, v15;
	v11 =	vmul.f32 v11, v15  }
0x11e: {  	v7 =	vmul.f32 v7, v13;
	v12 =	vmul.f32 v12, v13;
	[tilespmem:s28+$0x5A70] =	vst v10  }
0x11f: {  	v10 =	vmul.f32 v6, v17;
	v6 =	vmul.f32 v14, v17;
	[tilespmem:s28+$0x5A60] =	vst v9  }
0x120: {  	[tilespmem:s28+$0x5A50] =	vst v11  }
.Ltmp2:
0x121: {  	[tilespmem:s28+$0x5A40] =	vst v8;
	(pc) =	sbr.rel @p0 .LBB2_7-.Ltmp2, $4  }
0x122: {  	[tilespmem:s28+$0x5A30] =	vst v12  }
0x123: {  	[tilespmem:s28+$0x5A20] =	vst v7  }
0x124: {  	s15 =	sshra.s32 s10, $0x2;
	[tilespmem:s28+$0x5A10] =	vst v6  }
0x125: {  	s10 =	sadd.s32 $0x240, s10;
	s21 =	sadd.s32 $0x10, s21;
	v6 =	vld [tilespmem:s15+$0x2D80];
	[tilespmem:s28+$0x5A00] =	vst v10;
	s28 =	smov.u32 s15  }
0x126: {  	v7 =	vld [tilespmem:s21+$0x0]  }
0x127: {  	s10 =	sadd.s32 $0x8, s26  }
0x128: {  	v8 =	vld [tilespmem:s10+$0x0];
	_ =	sdelay $0x2  }
0x129: {  	v6 =	vadd.f32 v7, v6;
	_ =	sdelay $0x1  }
0x12a: {  	v6 =	vadd.f32 v8, v6;
	_ =	sdelay $0x1  }
0x12b: {  	v7 =	vmul.f32 $2.000000030e-01, v6  }
0x12c: {  	vm0 =	vge.f32 v6, $0.0e+00  }
0x12d: {  	v6 =	vsel vm0, v6, v7  }
0x12e: {  	v6 =	vsub.f32 v6, v5;
	_ =	sdelay $0x1  }
0x12f: {  	v6 =	vmul.f32 $1.442695020e+00, v6;
	_ =	sdelay $0x1  }
0x130: {  	(erf) = vpow2.f32 v6;
	_ =	sdelay $0x6  }
0x131: {  	v58 =	vld [tilespmem:s28+$0x2D70]  }
0x132: {  	v9 =	vld [tilespmem:s28+$0x2D60]  }
0x133: {  	v10 =	vld [tilespmem:s28+$0x2D50];
	v11 =	vpop (erf)  }
0x134: {  	v12 =	vld [tilespmem:s28+$0x2D40];
	v13 =	vperm.xlane v11, v4  }
0x135: {  	v14 =	vld [tilespmem:s28+$0x2D30]  }
0x136: {  	v7 =	vld [tilespmem:s28+$0x2D20];
	v16 =	vperm.xlane v11, v3;
	v8 =	vmul.f32 v58, v13  }
0x137: {  	v15 =	vld [tilespmem:s28+$0x2D10];
	[tilespmem:s28+$0x5A80] =	vst v11;
	v9 =	vmul.f32 v9, v13  }
0x138: {  	v6 =	vld [tilespmem:s28+$0x2D00];
	v59 =	vperm.xlane v11, v2;
	v10 =	vmul.f32 v10, v16;
	[tilespmem:s28+$0x5A70] =	vst v8  }
0x139: {  	v60 =	vmul.f32 v12, v16;
	[tilespmem:s28+$0x5A60] =	vst v9  }
0x13a: {  	v61 =	vperm.xlane v11, v1;
	v62 =	vmul.f32 v14, v59;
	[tilespmem:s28+$0x5A50] =	vst v10  }
0x13b: {  	v7 =	vmul.f32 v7, v59;
	[tilespmem:s28+$0x5A40] =	vst v60  }
0x13c: {  	v63 =	vmul.f32 v15, v61;
	[tilespmem:s28+$0x5A30] =	vst v62  }
0x13d: {  	v6 =	vmul.f32 v6, v61;
	[tilespmem:s28+$0x5A20] =	vst v7  }
0x13e: {  	p0 =	seq.s32 s22, $0x3D;
	[tilespmem:s28+$0x5A10] =	vst v63  }
.Ltmp3:
0x13f: {  	[tilespmem:s28+$0x5A00] =	vst v6;
	(pc) =	sbr.rel @p0 .LBB2_10-.Ltmp3, $4  }
0x140: {  	[spmem:s3] =	stream.indirect.scatter.add.f32 [tilespmem:s31], [sflag:$0x5], $0x90, s14, s11, $0xb8;
	[tilespmem:$0x1F700] =	vst v63  }
0x141: {  	_ =	swait.ge [sflag:s30], $0x2D00  }
0x142: {  	[sflag:s30] =	ssyncset.done $0x0  }
0x143: {  	[sflag:s30] =	ssyncadd.s32 $0xFFFFD300  }
0x144: {  	s10 =	sadd.s32 s23, s25  }
0x145: {  	s15 =	sshrl.u32 s10, $0x3  }
0x146: {  	s21 =	sadd.s32 s8, s15  }
0x147: {  	[tilespmem:s13], [sflag:$0x2] =	stream.linear.gather [hbm4b:s21+s4], $0x50, $0x38;
	[tilespmem:$0x1F700] =	vst v63  }
.Ltmp4:
0x148: {  	_ = 	snop;
	(pc) =	sbr.rel .LBB2_4-.Ltmp4, $4  }
0x149: {  	s15 =	sadd.s32 s2, s15  }
0x14a: {  	[tilespmem:s14], [sflag:$0x2] =	stream.linear.gather [hbm4b:s15+s4], $0x50, $0x38;
	[tilespmem:$0x1F700] =	vst v63  }
0x14b: {  	s28 =	simm.s32 $0x9390;
	s22 =	sadd.s32 $0x1, s22;
	s10 =	sadd.s32 s7, s10  }
0x14c: {  	[tilespmem:s28], [sflag:$0x2] =	stream.linear.gather [hbm4b:s10+s4], $0x280, $0x38;
	[tilespmem:$0x1F700] =	vst v63  }
.LBB2_10:
0x14d: {  	_ =	swait.ge [sflag:s19], $0x2D00  }
0x14e: {  	[sflag:s19] =	ssyncset.done $0x0  }
0x14f: {  	[sflag:s19] =	ssyncadd.s32 $0xFFFFD300  }
0x150: {  	_ =	swait.ge [sflag:s19], $0x500  }
0x151: {  	[sflag:s19] =	ssyncset.done $0x0  }
0x152: {  	s15 =	simm.s32 $0x0;
	[sflag:s19] =	ssyncadd.s32 $0xFFFFFB00  }
0x153: {  	s10 =	simm.s32 $0x8700;
	v6 =	vld [tilespmem:s15+$0x80]  }
0x154: {  	v7 =	vld [tilespmem:s10+$0x0]  }
0x155: {  	s22 =	simm.s32 $0x9100  }
0x156: {  	v8 =	vld [tilespmem:s22+$0x0];
	_ =	sdelay $0x2  }
0x157: {  	v6 =	vadd.f32 v7, v6;
	_ =	sdelay $0x1  }
0x158: {  	v6 =	vadd.f32 v8, v6;
	_ =	sdelay $0x1  }
0x159: {  	v7 =	vmul.f32 $2.000000030e-01, v6  }
0x15a: {  	vm0 =	vge.f32 v6, $0.0e+00  }
0x15b: {  	v6 =	vsel vm0, v6, v7  }
0x15c: {  	v6 =	vsub.f32 v6, v5;
	_ =	sdelay $0x1  }
0x15d: {  	v6 =	vmul.f32 $1.442695020e+00, v6;
	_ =	sdelay $0x1  }
0x15e: {  	(erf) = vpow2.f32 v6;
	_ =	sdelay $0x6  }
0x15f: {  	v6 =	vld [tilespmem:s15+$0x70]  }
0x160: {  	v7 =	vld [tilespmem:s15+$0x60]  }
0x161: {  	v8 =	vld [tilespmem:s15+$0x50];
	v9 =	vpop (erf)  }
0x162: {  	v10 =	vld [tilespmem:s15+$0x40];
	v11 =	vperm.xlane v9, v4  }
0x163: {  	v12 =	vld [tilespmem:s15+$0x30]  }
0x164: {  	v13 =	vld [tilespmem:s15+$0x20];
	v14 =	vperm.xlane v9, v3;
	v6 =	vmul.f32 v6, v11  }
0x165: {  	v15 =	vld [tilespmem:s15+$0x10];
	[tilespmem:s15+$0x5A80] =	vst v9;
	v7 =	vmul.f32 v7, v11  }
0x166: {  	v61 =	vperm.xlane v9, v2;
	v8 =	vmul.f32 v8, v14;
	[tilespmem:s15+$0x5A70] =	vst v6;
	v6 =	vld [tilespmem:s15+$0x0]  }
0x167: {  	v10 =	vmul.f32 v10, v14;
	[tilespmem:s15+$0x5A60] =	vst v7  }
0x168: {  	v62 =	vmul.f32 v12, v61;
	v7 =	vperm.xlane v9, v1;
	[tilespmem:s15+$0x5A50] =	vst v8  }
0x169: {  	v8 =	vmul.f32 v13, v61;
	[tilespmem:s15+$0x5A40] =	vst v10  }
0x16a: {  	[tilespmem:s15+$0x5A30] =	vst v62;
	v63 =	vmul.f32 v15, v7  }
0x16b: {  	[tilespmem:s15+$0x5A20] =	vst v8;
	v7 =	vmul.f32 v6, v7  }
0x16c: {  	s23 =	simm.s32 $0x90;
	[tilespmem:s15+$0x5A10] =	vst v63  }
0x16d: {  	s21 =	simm.s32 $0x8710;
	s10 =	simm.s32 $0x480;
	v6 =	vld [tilespmem:s23+$0x80];
	[tilespmem:s15+$0x5A00] =	vst v7  }
.LBB2_11:
0x16e: {  	p0 =	sne.s32 s10, $0xB1C0;
	v7 =	vld [tilespmem:s21+$0x0];
	s22 =	sadd.s32 $0x8, s22  }
0x16f: {  	v8 =	vld [tilespmem:s22+$0x0];
	_ =	sdelay $0x3  }
0x170: {  	v6 =	vadd.f32 v7, v6;
	_ =	sdelay $0x1  }
0x171: {  	v6 =	vadd.f32 v8, v6;
	_ =	sdelay $0x1  }
0x172: {  	v7 =	vmul.f32 $2.000000030e-01, v6  }
0x173: {  	vm0 =	vge.f32 v6, $0.0e+00  }
0x174: {  	v6 =	vsel vm0, v6, v7  }
0x175: {  	v6 =	vsub.f32 v6, v5;
	_ =	sdelay $0x1  }
0x176: {  	v6 =	vmul.f32 $1.442695020e+00, v6;
	_ =	sdelay $0x1  }
0x177: {  	(erf) = vpow2.f32 v6;
	_ =	sdelay $0x2  }
0x178: {  	v6 =	vld [tilespmem:s23+$0x0]  }
0x179: {  	v7 =	vld [tilespmem:s23+$0x20]  }
0x17a: {  	v8 =	vld [tilespmem:s23+$0x40]  }
0x17b: {  	v9 =	vld [tilespmem:s23+$0x60]  }
0x17c: {  	v10 =	vld [tilespmem:s23+$0x70]  }
0x17d: {  	v11 =	vld [tilespmem:s23+$0x50]  }
0x17e: {  	v12 =	vld [tilespmem:s23+$0x30];
	v13 =	vpop (erf)  }
0x17f: {  	v14 =	vld [tilespmem:s23+$0x10];
	v15 =	vperm.xlane v13, v3;
	v16 =	vperm.xlane v13, v4;
	[tilespmem:s23+$0x5A80] =	vst v13  }
0x180: {  	v17 =	vperm.xlane v13, v1;
	v13 =	vperm.xlane v13, v2  }
0x181: {  	v9 =	vmul.f32 v9, v16;
	v10 =	vmul.f32 v10, v16  }
0x182: {  	v8 =	vmul.f32 v8, v15;
	v11 =	vmul.f32 v11, v15  }
0x183: {  	v7 =	vmul.f32 v7, v13;
	v12 =	vmul.f32 v12, v13;
	[tilespmem:s23+$0x5A70] =	vst v10  }
0x184: {  	v10 =	vmul.f32 v6, v17;
	v6 =	vmul.f32 v14, v17;
	[tilespmem:s23+$0x5A60] =	vst v9  }
0x185: {  	[tilespmem:s23+$0x5A50] =	vst v11  }
.Ltmp5:
0x186: {  	[tilespmem:s23+$0x5A40] =	vst v8;
	(pc) =	sbr.rel @p0 .LBB2_11-.Ltmp5, $4  }
0x187: {  	[tilespmem:s23+$0x5A30] =	vst v12  }
0x188: {  	[tilespmem:s23+$0x5A20] =	vst v7  }
0x189: {  	s15 =	sshra.s32 s10, $0x2;
	[tilespmem:s23+$0x5A10] =	vst v6  }
0x18a: {  	s10 =	sadd.s32 $0x240, s10;
	s21 =	sadd.s32 $0x10, s21;
	v6 =	vld [tilespmem:s15+$0x80];
	[tilespmem:s23+$0x5A00] =	vst v10;
	s23 =	smov.u32 s15  }
0x18b: {  	v7 =	vld [tilespmem:s21+$0x0]  }
0x18c: {  	s10 =	sadd.s32 $0x8, s22  }
0x18d: {  	v8 =	vld [tilespmem:s10+$0x0];
	_ =	sdelay $0x2  }
0x18e: {  	v6 =	vadd.f32 v7, v6;
	_ =	sdelay $0x1  }
0x18f: {  	v6 =	vadd.f32 v8, v6;
	_ =	sdelay $0x1  }
0x190: {  	v7 =	vmul.f32 $2.000000030e-01, v6  }
0x191: {  	vm0 =	vge.f32 v6, $0.0e+00  }
0x192: {  	v6 =	vsel vm0, v6, v7  }
0x193: {  	v5 =	vsub.f32 v6, v5;
	_ =	sdelay $0x1  }
0x194: {  	v5 =	vmul.f32 $1.442695020e+00, v5;
	_ =	sdelay $0x1  }
0x195: {  	(erf) = vpow2.f32 v5;
	_ =	sdelay $0x6  }
0x196: {  	v7 =	vld [tilespmem:s23+$0x70]  }
0x197: {  	v60 =	vld [tilespmem:s23+$0x60]  }
0x198: {  	v9 =	vld [tilespmem:s23+$0x50];
	v10 =	vpop (erf)  }
0x199: {  	v13 =	vld [tilespmem:s23+$0x30];
	v12 =	vperm.xlane v10, v4  }
0x19a: {  	v6 =	vld [tilespmem:s23+$0x20]  }
0x19b: {  	v11 =	vld [tilespmem:s23+$0x40];
	v15 =	vperm.xlane v10, v3;
	v7 =	vmul.f32 v7, v12  }
0x19c: {  	v5 =	vld [tilespmem:s23+$0x0];
	[tilespmem:s23+$0x5A80] =	vst v10;
	v61 =	vperm.xlane v10, v2;
	v8 =	vmul.f32 v60, v12  }
0x19d: {  	v14 =	vld [tilespmem:s23+$0x10];
	v9 =	vmul.f32 v9, v15;
	[tilespmem:s23+$0x5A70] =	vst v7  }
0x19e: {  	v63 =	vmul.f32 v13, v61;
	[tilespmem:s23+$0x5A60] =	vst v8  }
0x19f: {  	v62 =	vperm.xlane v10, v1;
	v6 =	vmul.f32 v6, v61;
	[tilespmem:s23+$0x5A50] =	vst v9  }
0x1a0: {  	v7 =	vmul.f32 v11, v15;
	[tilespmem:s23+$0x5A30] =	vst v63  }
0x1a1: {  	v5 =	vmul.f32 v5, v62;
	[tilespmem:s23+$0x5A20] =	vst v6  }
0x1a2: {  	[tilespmem:s23+$0x5A40] =	vst v7;
	v7 =	vmul.f32 v14, v62  }
0x1a3: {  	[tilespmem:s23+$0x5A00] =	vst v5  }
0x1a4: {  	[tilespmem:s23+$0x5A10] =	vst v7  }
0x1a5: {  	[spmem:s3] =	stream.indirect.scatter.add.f32 [tilespmem:s31], [sflag:$0x5], $0x90, s29, s11, $0xb8;
	[tilespmem:$0x1F700] =	vst v63  }
0x1a6: {  	_ =	swait.ge [sflag:s30], $0x2D00  }
0x1a7: {  	[sflag:s30] =	ssyncset.done $0x0  }
0x1a8: {  	[sflag:s30] =	ssyncadd.s32 $0xFFFFD300  }
0x1a9: {  	s22 =	stileid.u32;
	[bflag:$0x0] =	sbarrier.arrive $0xFFFF  }
0x1aa: {  	s10 =	sshll.u32 s22, $0x6;
	s22 =	rddreg [dreg:$0x5]  }
0x1ab: {  	s10 =	sor.u32 $0x1C05, s10;
	s23 =	rddreg [dreg:$0x13];
	s15 =	sshrl.u32 s22, $0x3  }
0x1ac: {  	[hbm:s23], [sflag:s10] =	dma.local [spmem:s15], $0x2D00  }
0x1ad: {  	_ =	swait.ge [sflag:s30], $0x2D00  }
0x1ae: {  	s26 =	rddreg [dreg:$0x15]  }
0x1af: {  	s28 =	rddreg [dreg:$0x14];
	s15 =	sadd.s32 $0x1, s26  }
0x1b0: {  	p0 =	sne.s32 s15, s28  }
.Ltmp6:
0x1b1: {  	_ = 	snop;
	(pc) =	sbr.rel @p0 .LBB2_1-.Ltmp6, $3  }
0x1b2: {  	_ =	sdelay $0x1  }
0x1b3: {  	[sflag:s30] =	ssyncset.done $0x0  }
0x1b4: {  	[sflag:s30] =	ssyncadd.s32 $0xFFFFD300  }
0x1b5: {  	_ =	sfence.sel $0x180000  }
0x1b6: {  	[bflag:$0x0] =	sbarrier.arrive $0xFFFF  }
0x1b7: {  	_ =	strace $0x90000047  }
0x1b8: {  	s0 =	stileid.u32;
	[bflag:$0x2] =	sbarrier.arrive $0xFFFF  }
0x1b9: {  	p0 =	sne.s32 s0, $0x0;
	s0 =	rddreg [dreg:$0x3]  }
0x1ba: {  	s0 =	sadd.s32 @!p0 $0x100000, s0  }
0x1bb: {  	[sflag:s0] =	ssyncadd.tile.s32 @!p0 $0x1;
	_ =	shalt  }
.Lfunc_end2:
_tile_overlayer_lowered:
.L_overlay_start_2:
0x1bc: {  	(tag) =	ssettag $0x2  }
0x1bd: {  	s0 =	rddreg [dreg:$0x0];
	s2 =	stileid.u32  }
0x1be: {  	s1 =	rddreg [dreg:$0x1];
	p0 =	sne.s32 s2, $0x0  }
0x1bf: {  	s3 =	rddreg [dreg:$0x2];
	[bflag:$0x3] =	sbarrier.arrive $0xFFFF;
	s2 =	simm.s32 @!p0 $0x1C05  }
0x1c0: {  	[timem:s3], [sflag:s2] =	dma.local @!p0 [hbm:s0], s1  }
0x1c1: {  	s0 =	simm.s32 @!p0 $0x5  }
0x1c2: {  	_ =	swait.ge @!p0 [sflag:s0], s1  }
0x1c3: {  	s1 =	ssub.s32 @!p0 $0x0, s1;
	[sflag:s0] =	ssyncset.done @!p0 $0x0  }
0x1c4: {  	[sflag:s0] =	ssyncadd.s32 @!p0 s1  }
0x1c5: {  	[bflag:$0x3] =	sbarrier.arrive $0xFFFF  }
0x1c6: {  	_ =	shalt  }

</sc_bundles>
